<compile_context>
chip_gen: v7x
topology: tpu7x:2x2x1
jax: 0.10.2.dev20260603
libtpu: 0.0.44.dev20260713+nightly
codegen_flags: <defaults>
</compile_context>

<pallas_src>
import functools

import jax
import jax.numpy as jnp
from jax import lax
from jax.experimental import pallas as pl
from jax.experimental.pallas import tpu as pltpu
from jax.experimental.pallas import tpu_sc as plsc

N, D, G = 100000, 128, 64
H = D // 16
L = 16
C = D // L
NC, NS = 2, 16
NW = NC * NS
NG8 = N // 8
MAXCNT = 3128
SBUF = MAXCNT + L
CH = 128



def _worker_range(wid):
  base = 8 * ((wid * NG8) // NW)
  nbase = 8 * (((wid + 1) * NG8) // NW)
  return base, nbase - base


def _zero16():
  return jnp.zeros((L,), jnp.float32)


def _ninf16():
  return jnp.full((L,), -jnp.inf, jnp.float32)


def _seg_at(sbuf, li):
  return sbuf[pl.ds(li, L)][0]


def _segment_reduce(x_hbm, seg_hbm, psum_hbm, pmax_hbm, pcnt_hbm,
                    sbuf, xbuf, xbuf8, accs, accm, accc):
  wid = lax.axis_index("s") * NC + lax.axis_index("c")
  base, count = _worker_range(wid)

  pltpu.sync_copy(seg_hbm.at[pl.ds(base, MAXCNT)], sbuf.at[pl.ds(0, MAXCNT)])

  def init_body(i, _):
    accs[pl.ds(i * L, L)] = _zero16()
    accm[pl.ds(i * L, L)] = _ninf16()
    return 0
  lax.fori_loop(0, G * D // L, init_body, 0)

  def initc_body(i, _):
    accc[pl.ds(i * L, L)] = _zero16()
    return 0
  lax.fori_loop(0, G, initc_body, 0)

  def flush(cur_s, cnt, s8, m8):
    for c in range(C):
      accs[pl.ds(cur_s * D + c * L, L)] = s8[c]
      accm[pl.ds(cur_s * D + c * L, L)] = m8[c]
    accc[pl.ds(cur_s * L, L)] = jnp.broadcast_to(cnt, (L,))

  def row_step(buf, r, li, carry):
    cur_s, cnt, s8, m8 = carry
    s = _seg_at(sbuf, li)
    is_new = s != cur_s

    @pl.when(is_new)
    def _():
      flush(cur_s, cnt, s8, m8)

    cnt = jnp.where(is_new, 0.0, cnt)
    s8 = tuple(jnp.where(is_new, 0.0, v) for v in s8)
    m8 = tuple(jnp.where(is_new, -jnp.inf, v) for v in m8)

    xr = tuple(buf[pl.ds(r * D + c * L, L)] for c in range(C))
    s8 = tuple(a + b for a, b in zip(s8, xr))
    m8 = tuple(jnp.maximum(a, b) for a, b in zip(m8, xr))
    return (s, cnt + 1.0, s8, m8)

  carry0 = (_seg_at(sbuf, 0), jnp.float32(0.0),
            tuple(_zero16() for _ in range(C)),
            tuple(_ninf16() for _ in range(C)))

  full = count // CH

  def chunk_body(g, carry):
    pltpu.sync_copy(x_hbm.at[pl.ds((base + g * CH) * D, CH * D)], xbuf)
    def row_body(r, carry):
      return row_step(xbuf, r, g * CH + r, carry)
    return lax.fori_loop(0, CH, row_body, carry)

  carry = lax.fori_loop(0, full, chunk_body, carry0)

  ntail = (count - full * CH) // 8

  def tail_body(t, carry):
    off = full * CH + t * 8
    pltpu.sync_copy(x_hbm.at[pl.ds((base + off) * D, 8 * D)], xbuf8)
    def row_body(r, carry):
      return row_step(xbuf8, r, off + r, carry)
    return lax.fori_loop(0, 8, row_body, carry)

  carry = lax.fori_loop(0, ntail, tail_body, carry)

  cur_s, cnt, s8, m8 = carry
  flush(cur_s, cnt, s8, m8)

  pltpu.sync_copy(accs, psum_hbm.at[pl.ds(wid * G * D, G * D)])
  pltpu.sync_copy(accm, pmax_hbm.at[pl.ds(wid * G * D, G * D)])
  pltpu.sync_copy(accc, pcnt_hbm.at[pl.ds(wid * G * L, G * L)])


def _mlp_body(psum_ref, pmax_ref, pcnt_ref, w1_ref, b1_ref, w2_ref, b2_ref,
              att_ref):
  sums = jnp.sum(psum_ref[...], axis=0)
  maxs = jnp.max(pmax_ref[...], axis=0)
  cnts = jnp.sum(pcnt_ref[..., 0], axis=0)
  avg = sums / jnp.maximum(cnts, 1.0)[:, None]
  mx = jnp.where(jnp.isfinite(maxs), maxs, 0.0)

  def mlp(h):
    hid = jnp.maximum(jnp.dot(h, w1_ref[...]) + b1_ref[...], 0.0)
    return jnp.dot(hid, w2_ref[...]) + b2_ref[...]

  att_ref[...] = jax.nn.sigmoid(mlp(avg) + mlp(mx))


_mlp_call = pl.pallas_call(
    _mlp_body,
    out_shape=jax.ShapeDtypeStruct((G, D), jnp.float32),
)


def _apply_gate(x_hbm, seg_hbm, att_hbm, out_hbm,
                sbuf, xbuf, obuf, xbuf8, obuf8, attbuf):
  wid = lax.axis_index("s") * NC + lax.axis_index("c")
  base, count = _worker_range(wid)

  pltpu.sync_copy(seg_hbm.at[pl.ds(base, MAXCNT)], sbuf.at[pl.ds(0, MAXCNT)])
  pltpu.sync_copy(att_hbm, attbuf)

  def row_step(bufin, bufout, r, li):
    s = _seg_at(sbuf, li)
    for c in range(C):
      xr = bufin[pl.ds(r * D + c * L, L)]
      ar = attbuf[pl.ds(s * D + c * L, L)]
      bufout[pl.ds(r * D + c * L, L)] = xr * ar

  full = count // CH

  def chunk_body(g, _):
    pltpu.sync_copy(x_hbm.at[pl.ds((base + g * CH) * D, CH * D)], xbuf)
    def row_body(r, _):
      row_step(xbuf, obuf, r, g * CH + r)
      return 0
    lax.fori_loop(0, CH, row_body, 0)
    pltpu.sync_copy(obuf, out_hbm.at[pl.ds((base + g * CH) * D, CH * D)])
    return 0

  lax.fori_loop(0, full, chunk_body, 0)

  ntail = (count - full * CH) // 8

  def tail_body(t, _):
    off = full * CH + t * 8
    pltpu.sync_copy(x_hbm.at[pl.ds((base + off) * D, 8 * D)], xbuf8)
    def row_body(r, _):
      row_step(xbuf8, obuf8, r, off + r)
      return 0
    lax.fori_loop(0, 8, row_body, 0)
    pltpu.sync_copy(obuf8, out_hbm.at[pl.ds((base + off) * D, 8 * D)])
    return 0

  lax.fori_loop(0, ntail, tail_body, 0)


@functools.lru_cache(maxsize=1)
def _build():
  mesh = plsc.VectorSubcoreMesh(core_axis_name="c", subcore_axis_name="s",
                                num_cores=NC, num_subcores=NS)
  reduce_call = pl.kernel(
      _segment_reduce,
      out_type=(
          jax.ShapeDtypeStruct((NW * G * D,), jnp.float32),
          jax.ShapeDtypeStruct((NW * G * D,), jnp.float32),
          jax.ShapeDtypeStruct((NW * G * L,), jnp.float32),
      ),
      mesh=mesh,
      scratch_types=[
          pltpu.VMEM((SBUF,), jnp.int32),
          pltpu.VMEM((CH * D,), jnp.float32),
          pltpu.VMEM((8 * D,), jnp.float32),
          pltpu.VMEM((G * D,), jnp.float32),
          pltpu.VMEM((G * D,), jnp.float32),
          pltpu.VMEM((G * L,), jnp.float32),
      ],
  )
  apply_call = pl.kernel(
      _apply_gate,
      out_type=jax.ShapeDtypeStruct((N * D,), jnp.float32),
      mesh=mesh,
      scratch_types=[
          pltpu.VMEM((SBUF,), jnp.int32),
          pltpu.VMEM((CH * D,), jnp.float32),
          pltpu.VMEM((CH * D,), jnp.float32),
          pltpu.VMEM((8 * D,), jnp.float32),
          pltpu.VMEM((8 * D,), jnp.float32),
          pltpu.VMEM((G * D,), jnp.float32),
      ],
  )

  @jax.jit
  def run(x, segment_ids, W1, b1, W2, b2):
    xf = x.reshape(-1)
    psum, pmax, pcnt = reduce_call(xf, segment_ids)
    att = _mlp_call(psum.reshape(NW, G, D), pmax.reshape(NW, G, D),
                    pcnt.reshape(NW, G, L), W1, b1.reshape(1, H),
                    W2, b2.reshape(1, D))
    out = apply_call(xf, segment_ids, att.reshape(-1))
    return out.reshape(N, D)

  return run


def kernel(x, segment_ids, W1, b1, W2, b2):
  return _build()(x, segment_ids, W1, b1, W2, b2)

# --- scband reference (transcript-rebuilt; emitter-appended) ---
"""Pipeline reference for scband-graph-channel-attention-72146860638649 (READ-ONLY COPY).

The authoritative reference and input builder live on the scoring server;
editing this copy changes nothing except your own understanding.
"""

import jax, jax.numpy as jnp
import numpy as np

N, D, G, R = 100000, 128, 64, 16
H = D // R

def setup_inputs(seed: int = 0) -> dict:
    key = jax.random.key(seed)
    k1, k2, k3, k4 = jax.random.split(key, 4)
    x = jax.random.normal(k1, (N, D), dtype=jnp.float32)
    segment_ids = jnp.sort(jax.random.randint(k2, (N,), 0, G, dtype=jnp.int32))
    W1 = jax.random.normal(k3, (D, H), dtype=jnp.float32) * 0.08
    b1 = jnp.zeros((H,), dtype=jnp.float32)
    W2 = jax.random.normal(k4, (H, D), dtype=jnp.float32) * 0.08
    b2 = jnp.zeros((D,), dtype=jnp.float32)
    return {"x": x, "segment_ids": segment_ids, "W1": W1, "b1": b1, "W2": W2, "b2": b2}

def reference(x, segment_ids, W1, b1, W2, b2):
    # DGL AvgPooling / MaxPooling over batched graph == segment mean / segment max over nodes
    sums = jax.ops.segment_sum(x, segment_ids, num_segments=G)
    counts = jax.ops.segment_sum(jnp.ones((x.shape[0], 1), dtype=x.dtype), segment_ids, num_segments=G)
    avg_pool = sums / jnp.maximum(counts, 1.0)
    max_pool = jax.ops.segment_max(x, segment_ids, num_segments=G)
    max_pool = jnp.where(jnp.isfinite(max_pool), max_pool, 0.0)
    def mlp(h):
        return jax.nn.relu(h @ W1 + b1) @ W2 + b2
    channel_att = jax.nn.sigmoid(mlp(avg_pool) + mlp(max_pool))
    # broadcast per-graph channel attention back to nodes (repeat per batch_num_nodes)
    node_channel_att = channel_att[segment_ids]
    return x * node_channel_att

if __name__ == "__main__":
    import jax
    _d = setup_inputs()
    print(jax.jit(kernel)(*tuple(_d.values())))

</pallas_src>

<mosaic_0001>
#map = affine_map<(d0, d1) -> (0)>
module attributes {stable_mosaic.version = 14 : i64} {
  func.func @_apply_gate(%arg0: i32, %arg1: i32, %arg2: memref<12800000xf32, #tpu.memory_space<hbm>>, %arg3: memref<100000xi32, #tpu.memory_space<hbm>>, %arg4: memref<8192xf32, #tpu.memory_space<hbm>>, %arg5: memref<12800000xf32, #tpu.memory_space<hbm>>, %arg6: memref<3144xi32, #tpu.memory_space<vmem>>, %arg7: memref<16384xf32, #tpu.memory_space<vmem>>, %arg8: memref<16384xf32, #tpu.memory_space<vmem>>, %arg9: memref<1024xf32, #tpu.memory_space<vmem>>, %arg10: memref<1024xf32, #tpu.memory_space<vmem>>, %arg11: memref<8192xf32, #tpu.memory_space<vmem>>) attributes {dimension_semantics = [#tpu.dimension_semantics<core_parallel>, #tpu.dimension_semantics<subcore_parallel>], iteration_bounds = array<i64: 2, 16>, scalar_prefetch = 0 : i64, scratch_operands = 6 : i64, tpu.core_type = #tpu.core_type<sc_vector_subcore>, window_params = [{transform_indices = #map}, {transform_indices = #map}, {transform_indices = #map}, {transform_indices = #map}]} {
    %mul3A = arith.constant 2 : i32
    %mul3A_0 = arith.muli %arg1, %mul3A : i32
    %add3A = arith.addi %mul3A_0, %arg0 : i32
    %mul3A_1 = arith.constant 12500 : i32
    %mul3A_2 = arith.muli %add3A, %mul3A_1 : i32
    %jit3A = arith.constant 32 : i32
    %div3A = arith.divsi %mul3A_2, %jit3A : i32
    %sign3A = arith.constant 0 : i32
    %sign3A_3 = arith.cmpi sgt, %mul3A_2, %sign3A : i32
    %sign3A_4 = arith.extui %sign3A_3 : i1 to i32
    %sign3A_5 = arith.constant 0 : i32
    %sign3A_6 = arith.cmpi slt, %mul3A_2, %sign3A_5 : i32
    %sign3A_7 = arith.extui %sign3A_6 : i1 to i32
    %sign3A_8 = arith.subi %sign3A_4, %sign3A_7 : i32
    %sign3A_9 = arith.constant 0 : i32
    %sign3A_10 = arith.cmpi sgt, %jit3A, %sign3A_9 : i32
    %sign3A_11 = arith.extui %sign3A_10 : i1 to i32
    %sign3A_12 = arith.constant 0 : i32
    %sign3A_13 = arith.cmpi slt, %jit3A, %sign3A_12 : i32
    %sign3A_14 = arith.extui %sign3A_13 : i1 to i32
    %sign3A_15 = arith.subi %sign3A_11, %sign3A_14 : i32
    %ne3A = arith.cmpi ne, %sign3A_8, %sign3A_15 : i32
    %rem3A = arith.remsi %mul3A_2, %jit3A : i32
    %ne3A_16 = arith.constant 0 : i32
    %ne3A_17 = arith.cmpi ne, %rem3A, %ne3A_16 : i32
    %and3A = arith.andi %ne3A, %ne3A_17 : i1
    %sub3A = arith.constant 1 : i32
    %sub3A_18 = arith.subi %div3A, %sub3A : i32
    %select_n3A = arith.select %and3A, %sub3A_18, %div3A : i32
    %mul3A_19 = arith.constant 8 : i32
    %mul3A_20 = arith.muli %mul3A_19, %select_n3A : i32
    %add3A_21 = arith.constant 1 : i32
    %add3A_22 = arith.addi %add3A, %add3A_21 : i32
    %mul3A_23 = arith.constant 12500 : i32
    %mul3A_24 = arith.muli %add3A_22, %mul3A_23 : i32
    %jit3A_25 = arith.constant 32 : i32
    %div3A_26 = arith.divsi %mul3A_24, %jit3A_25 : i32
    %sign3A_27 = arith.constant 0 : i32
    %sign3A_28 = arith.cmpi sgt, %mul3A_24, %sign3A_27 : i32
    %sign3A_29 = arith.extui %sign3A_28 : i1 to i32
    %sign3A_30 = arith.constant 0 : i32
    %sign3A_31 = arith.cmpi slt, %mul3A_24, %sign3A_30 : i32
    %sign3A_32 = arith.extui %sign3A_31 : i1 to i32
    %sign3A_33 = arith.subi %sign3A_29, %sign3A_32 : i32
    %sign3A_34 = arith.constant 0 : i32
    %sign3A_35 = arith.cmpi sgt, %jit3A_25, %sign3A_34 : i32
    %sign3A_36 = arith.extui %sign3A_35 : i1 to i32
    %sign3A_37 = arith.constant 0 : i32
    %sign3A_38 = arith.cmpi slt, %jit3A_25, %sign3A_37 : i32
    %sign3A_39 = arith.extui %sign3A_38 : i1 to i32
    %sign3A_40 = arith.subi %sign3A_36, %sign3A_39 : i32
    %ne3A_41 = arith.cmpi ne, %sign3A_33, %sign3A_40 : i32
    %rem3A_42 = arith.remsi %mul3A_24, %jit3A_25 : i32
    %ne3A_43 = arith.constant 0 : i32
    %ne3A_44 = arith.cmpi ne, %rem3A_42, %ne3A_43 : i32
    %and3A_45 = arith.andi %ne3A_41, %ne3A_44 : i1
    %sub3A_46 = arith.constant 1 : i32
    %sub3A_47 = arith.subi %div3A_26, %sub3A_46 : i32
    %select_n3A_48 = arith.select %and3A_45, %sub3A_47, %div3A_26 : i32
    %mul3A_49 = arith.constant 8 : i32
    %mul3A_50 = arith.muli %mul3A_49, %select_n3A_48 : i32
    %sub3A_51 = arith.subi %mul3A_50, %mul3A_20 : i32
    "tpu.region"() ({
      %run_scoped3A = tpu.sem_alloc : memref<!tpu.dma_semaphore, #tpu.memory_space<semaphore_mem>>
      %dma_start3A = arith.constant 0 : i32
      %dma_start3A_126 = tpu.memref_slice %arg6[%dma_start3A] : memref<3144xi32, #tpu.memory_space<vmem>> -> memref<3128xi32, #tpu.memory_space<vmem>>
      %dma_start3A_127 = tpu.memref_slice %arg3[%mul3A_20] : memref<100000xi32, #tpu.memory_space<hbm>> -> memref<3128xi32, #tpu.memory_space<hbm>>
      %dma_start3A_128 = arith.constant 0 : i32
      %dma_start3A_129 = tpu.memref_slice %arg6[%dma_start3A_128] : memref<3144xi32, #tpu.memory_space<vmem>> -> memref<3128xi32, #tpu.memory_space<vmem>>
      %dma_start3A_130 = tpu.memref_slice %arg3[%mul3A_20] : memref<100000xi32, #tpu.memory_space<hbm>> -> memref<3128xi32, #tpu.memory_space<hbm>>
      tpu.enqueue_dma source(%dma_start3A_130 : memref<3128xi32, #tpu.memory_space<hbm>>) target(%dma_start3A_129 : memref<3128xi32, #tpu.memory_space<vmem>>) target_semaphore(%run_scoped3A : memref<!tpu.dma_semaphore, #tpu.memory_space<semaphore_mem>>)
      %dma_wait3A = arith.constant 0 : i32
      %dma_wait3A_131 = tpu.memref_slice %arg6[%dma_wait3A] : memref<3144xi32, #tpu.memory_space<vmem>> -> memref<3128xi32, #tpu.memory_space<vmem>>
      %dma_wait3A_132 = tpu.memref_slice %arg3[%mul3A_20] : memref<100000xi32, #tpu.memory_space<hbm>> -> memref<3128xi32, #tpu.memory_space<hbm>>
      %dma_wait3A_133 = arith.constant 0 : i32
      %dma_wait3A_134 = tpu.memref_slice %arg6[%dma_wait3A_133] : memref<3144xi32, #tpu.memory_space<vmem>> -> memref<3128xi32, #tpu.memory_space<vmem>>
      %dma_wait3A_135 = tpu.memref_slice %arg3[%mul3A_20] : memref<100000xi32, #tpu.memory_space<hbm>> -> memref<3128xi32, #tpu.memory_space<hbm>>
      tpu.wait_dma2 semaphore(%run_scoped3A : memref<!tpu.dma_semaphore, #tpu.memory_space<semaphore_mem>>) src(%dma_wait3A_135 : memref<3128xi32, #tpu.memory_space<hbm>>) dst(%dma_wait3A_134 : memref<3128xi32, #tpu.memory_space<vmem>>)
      tpu.yield
    }) : () -> ()
    "tpu.region"() ({
      %run_scoped3A = tpu.sem_alloc : memref<!tpu.dma_semaphore, #tpu.memory_space<semaphore_mem>>
      tpu.enqueue_dma source(%arg4 : memref<8192xf32, #tpu.memory_space<hbm>>) target(%arg11 : memref<8192xf32, #tpu.memory_space<vmem>>) target_semaphore(%run_scoped3A : memref<!tpu.dma_semaphore, #tpu.memory_space<semaphore_mem>>)
      tpu.wait_dma2 semaphore(%run_scoped3A : memref<!tpu.dma_semaphore, #tpu.memory_space<semaphore_mem>>) src(%arg4 : memref<8192xf32, #tpu.memory_space<hbm>>) dst(%arg11 : memref<8192xf32, #tpu.memory_space<vmem>>)
      tpu.yield
    }) : () -> ()
    %jit3A_52 = arith.constant 128 : i32
    %div3A_53 = arith.divsi %sub3A_51, %jit3A_52 : i32
    %sign3A_54 = arith.constant 0 : i32
    %sign3A_55 = arith.cmpi sgt, %sub3A_51, %sign3A_54 : i32
    %sign3A_56 = arith.extui %sign3A_55 : i1 to i32
    %sign3A_57 = arith.constant 0 : i32
    %sign3A_58 = arith.cmpi slt, %sub3A_51, %sign3A_57 : i32
    %sign3A_59 = arith.extui %sign3A_58 : i1 to i32
    %sign3A_60 = arith.subi %sign3A_56, %sign3A_59 : i32
    %sign3A_61 = arith.constant 0 : i32
    %sign3A_62 = arith.cmpi sgt, %jit3A_52, %sign3A_61 : i32
    %sign3A_63 = arith.extui %sign3A_62 : i1 to i32
    %sign3A_64 = arith.constant 0 : i32
    %sign3A_65 = arith.cmpi slt, %jit3A_52, %sign3A_64 : i32
    %sign3A_66 = arith.extui %sign3A_65 : i1 to i32
    %sign3A_67 = arith.subi %sign3A_63, %sign3A_66 : i32
    %ne3A_68 = arith.cmpi ne, %sign3A_60, %sign3A_67 : i32
    %rem3A_69 = arith.remsi %sub3A_51, %jit3A_52 : i32
    %ne3A_70 = arith.constant 0 : i32
    %ne3A_71 = arith.cmpi ne, %rem3A_69, %ne3A_70 : i32
    %and3A_72 = arith.andi %ne3A_68, %ne3A_71 : i1
    %sub3A_73 = arith.constant 1 : i32
    %sub3A_74 = arith.subi %div3A_53, %sub3A_73 : i32
    %select_n3A_75 = arith.select %and3A_72, %sub3A_74, %div3A_53 : i32
    %while3A = arith.constant 0 : i32
    %while3A_76 = arith.constant 0 : i32
    %while3A_77 = arith.subi %select_n3A_75, %while3A : i32
    %while3A_78 = arith.addi %while3A, %while3A_77 : i32
    %while3A_79 = arith.constant 1 : i32
    %while3A_80 = arith.divsi %while3A_77, %while3A_79 : i32
    %while3A_81 = arith.muli %while3A_80, %while3A_79 : i32
    %while3A_82 = arith.addi %while3A, %while3A_81 : i32
    %while3A_83 = arith.constant 1 : i32
    %while3A_84 = scf.for %while3A_126 = %while3A to %while3A_82 step %while3A_83 iter_args(%while3A_127 = %while3A_76) -> (i32)  : i32 {
      %mul3A_128 = arith.constant 128 : i32
      %mul3A_129 = arith.muli %while3A_126, %mul3A_128 : i32
      %add3A_130 = arith.addi %mul3A_20, %mul3A_129 : i32
      %mul3A_131 = arith.constant 128 : i32
      %mul3A_132 = arith.muli %add3A_130, %mul3A_131 : i32
      "tpu.region"() ({
        %run_scoped3A = tpu.sem_alloc : memref<!tpu.dma_semaphore, #tpu.memory_space<semaphore_mem>>
        %dma_start3A = tpu.memref_slice %arg2[%mul3A_132] : memref<12800000xf32, #tpu.memory_space<hbm>> -> memref<16384xf32, #tpu.memory_space<hbm>>
        %dma_start3A_145 = tpu.memref_slice %arg2[%mul3A_132] : memref<12800000xf32, #tpu.memory_space<hbm>> -> memref<16384xf32, #tpu.memory_space<hbm>>
        tpu.enqueue_dma source(%dma_start3A_145 : memref<16384xf32, #tpu.memory_space<hbm>>) target(%arg7 : memref<16384xf32, #tpu.memory_space<vmem>>) target_semaphore(%run_scoped3A : memref<!tpu.dma_semaphore, #tpu.memory_space<semaphore_mem>>)
        %dma_wait3A = tpu.memref_slice %arg2[%mul3A_132] : memref<12800000xf32, #tpu.memory_space<hbm>> -> memref<16384xf32, #tpu.memory_space<hbm>>
        %dma_wait3A_146 = tpu.memref_slice %arg2[%mul3A_132] : memref<12800000xf32, #tpu.memory_space<hbm>> -> memref<16384xf32, #tpu.memory_space<hbm>>
        tpu.wait_dma2 semaphore(%run_scoped3A : memref<!tpu.dma_semaphore, #tpu.memory_space<semaphore_mem>>) src(%dma_wait3A_146 : memref<16384xf32, #tpu.memory_space<hbm>>) dst(%arg7 : memref<16384xf32, #tpu.memory_space<vmem>>)
        tpu.yield
      }) : () -> ()
      %scan3A = arith.constant 0 : i32
      %scan3A_133 = arith.constant 0 : i32
      %scan3A_134 = arith.constant 128 : i32
      %scan3A_135 = arith.addi %scan3A_133, %scan3A_134 : i32
      %scan3A_136 = arith.constant 1 : i32
      %scan3A_137 = scf.for %scan3A_145 = %scan3A_133 to %scan3A_135 step %scan3A_136 iter_args(%scan3A_146 = %scan3A) -> (i32)  : i32 {
        %mul3A_147 = arith.constant 128 : i32
        %mul3A_148 = arith.muli %while3A_126, %mul3A_147 : i32
        %add3A_149 = arith.addi %mul3A_148, %scan3A_145 : i32
        %get3A = arith.index_cast %add3A_149 : i32 to index
        %get3A_150 = tpu.vector_load %arg6[%get3A] {strides = array<i32>} : memref<3144xi32, #tpu.memory_space<vmem>>, vector<16xi32>,
        %get3A_151 = vector.shape_cast %get3A_150 : vector<16xi32> to vector<16xi32>
        %slice3A = vector.extract_strided_slice %get3A_151 {offsets = [0], sizes = [1], strides = [1]} : vector<16xi32> to vector<1xi32>
        %squeeze3A = vector.extract %slice3A[0] : i32 from vector<1xi32>
        %mul3A_152 = arith.constant 128 : i32
        %mul3A_153 = arith.muli %scan3A_145, %mul3A_152 : i32
        %add3A_154 = arith.constant 0 : i32
        %add3A_155 = arith.addi %mul3A_153, %add3A_154 : i32
        %get3A_156 = arith.index_cast %add3A_155 : i32 to index
        %get3A_157 = tpu.vector_load %arg7[%get3A_156] {strides = array<i32>} : memref<16384xf32, #tpu.memory_space<vmem>>, vector<16xf32>,
        %get3A_158 = vector.shape_cast %get3A_157 : vector<16xf32> to vector<16xf32>
        %mul3A_159 = arith.constant 128 : i32
        %mul3A_160 = arith.muli %squeeze3A, %mul3A_159 : i32
        %add3A_161 = arith.constant 0 : i32
        %add3A_162 = arith.addi %mul3A_160, %add3A_161 : i32
        %get3A_163 = arith.index_cast %add3A_162 : i32 to index
        %get3A_164 = tpu.vector_load %arg11[%get3A_163] {strides = array<i32>} : memref<8192xf32, #tpu.memory_space<vmem>>, vector<16xf32>,
        %get3A_165 = vector.shape_cast %get3A_164 : vector<16xf32> to vector<16xf32>
        %mul3A_166 = arith.mulf %get3A_158, %get3A_165 : vector<16xf32>
        %mul3A_167 = arith.constant 128 : i32
        %mul3A_168 = arith.muli %scan3A_145, %mul3A_167 : i32
        %add3A_169 = arith.constant 0 : i32
        %add3A_170 = arith.addi %mul3A_168, %add3A_169 : i32
        %swap3A = arith.index_cast %add3A_170 : i32 to index
        %swap3A_171 = tpu.vector_load %arg8[%swap3A] {strides = array<i32>} : memref<16384xf32, #tpu.memory_space<vmem>>, vector<16xf32>,
        %swap3A_172 = vector.shape_cast %swap3A_171 : vector<16xf32> to vector<16xf32>
        %swap3A_173 = vector.shape_cast %mul3A_166 : vector<16xf32> to vector<16xf32>
        tpu.vector_store %arg8[%swap3A], %swap3A_173 {strides = array<i32>} : memref<16384xf32, #tpu.memory_space<vmem>>, vector<16xf32>,
        %mul3A_174 = arith.constant 128 : i32
        %mul3A_175 = arith.muli %scan3A_145, %mul3A_174 : i32
        %add3A_176 = arith.constant 16 : i32
        %add3A_177 = arith.addi %mul3A_175, %add3A_176 : i32
        %get3A_178 = arith.index_cast %add3A_177 : i32 to index
        %get3A_179 = tpu.vector_load %arg7[%get3A_178] {strides = array<i32>} : memref<16384xf32, #tpu.memory_space<vmem>>, vector<16xf32>,
        %get3A_180 = vector.shape_cast %get3A_179 : vector<16xf32> to vector<16xf32>
        %mul3A_181 = arith.constant 128 : i32
        %mul3A_182 = arith.muli %squeeze3A, %mul3A_181 : i32
        %add3A_183 = arith.constant 16 : i32
        %add3A_184 = arith.addi %mul3A_182, %add3A_183 : i32
        %get3A_185 = arith.index_cast %add3A_184 : i32 to index
        %get3A_186 = tpu.vector_load %arg11[%get3A_185] {strides = array<i32>} : memref<8192xf32, #tpu.memory_space<vmem>>, vector<16xf32>,
        %get3A_187 = vector.shape_cast %get3A_186 : vector<16xf32> to vector<16xf32>
        %mul3A_188 = arith.mulf %get3A_180, %get3A_187 : vector<16xf32>
        %mul3A_189 = arith.constant 128 : i32
        %mul3A_190 = arith.muli %scan3A_145, %mul3A_189 : i32
        %add3A_191 = arith.constant 16 : i32
        %add3A_192 = arith.addi %mul3A_190, %add3A_191 : i32
        %swap3A_193 = arith.index_cast %add3A_192 : i32 to index
        %swap3A_194 = tpu.vector_load %arg8[%swap3A_193] {strides = array<i32>} : memref<16384xf32, #tpu.memory_space<vmem>>, vector<16xf32>,
        %swap3A_195 = vector.shape_cast %swap3A_194 : vector<16xf32> to vector<16xf32>
        %swap3A_196 = vector.shape_cast %mul3A_188 : vector<16xf32> to vector<16xf32>
        tpu.vector_store %arg8[%swap3A_193], %swap3A_196 {strides = array<i32>} : memref<16384xf32, #tpu.memory_space<vmem>>, vector<16xf32>,
        %mul3A_197 = arith.constant 128 : i32
        %mul3A_198 = arith.muli %scan3A_145, %mul3A_197 : i32
        %add3A_199 = arith.constant 32 : i32
        %add3A_200 = arith.addi %mul3A_198, %add3A_199 : i32
        %get3A_201 = arith.index_cast %add3A_200 : i32 to index
        %get3A_202 = tpu.vector_load %arg7[%get3A_201] {strides = array<i32>} : memref<16384xf32, #tpu.memory_space<vmem>>, vector<16xf32>,
        %get3A_203 = vector.shape_cast %get3A_202 : vector<16xf32> to vector<16xf32>
        %mul3A_204 = arith.constant 128 : i32
        %mul3A_205 = arith.muli %squeeze3A, %mul3A_204 : i32
        %add3A_206 = arith.constant 32 : i32
        %add3A_207 = arith.addi %mul3A_205, %add3A_206 : i32
        %get3A_208 = arith.index_cast %add3A_207 : i32 to index
        %get3A_209 = tpu.vector_load %arg11[%get3A_208] {strides = array<i32>} : memref<8192xf32, #tpu.memory_space<vmem>>, vector<16xf32>,
        %get3A_210 = vector.shape_cast %get3A_209 : vector<16xf32> to vector<16xf32>
        %mul3A_211 = arith.mulf %get3A_203, %get3A_210 : vector<16xf32>
        %mul3A_212 = arith.constant 128 : i32
        %mul3A_213 = arith.muli %scan3A_145, %mul3A_212 : i32
        %add3A_214 = arith.constant 32 : i32
        %add3A_215 = arith.addi %mul3A_213, %add3A_214 : i32
        %swap3A_216 = arith.index_cast %add3A_215 : i32 to index
        %swap3A_217 = tpu.vector_load %arg8[%swap3A_216] {strides = array<i32>} : memref<16384xf32, #tpu.memory_space<vmem>>, vector<16xf32>,
        %swap3A_218 = vector.shape_cast %swap3A_217 : vector<16xf32> to vector<16xf32>
        %swap3A_219 = vector.shape_cast %mul3A_211 : vector<16xf32> to vector<16xf32>
        tpu.vector_store %arg8[%swap3A_216], %swap3A_219 {strides = array<i32>} : memref<16384xf32, #tpu.memory_space<vmem>>, vector<16xf32>,
        %mul3A_220 = arith.constant 128 : i32
        %mul3A_221 = arith.muli %scan3A_145, %mul3A_220 : i32
        %add3A_222 = arith.constant 48 : i32
        %add3A_223 = arith.addi %mul3A_221, %add3A_222 : i32
        %get3A_224 = arith.index_cast %add3A_223 : i32 to index
        %get3A_225 = tpu.vector_load %arg7[%get3A_224] {strides = array<i32>} : memref<16384xf32, #tpu.memory_space<vmem>>, vector<16xf32>,
        %get3A_226 = vector.shape_cast %get3A_225 : vector<16xf32> to vector<16xf32>
        %mul3A_227 = arith.constant 128 : i32
        %mul3A_228 = arith.muli %squeeze3A, %mul3A_227 : i32
        %add3A_229 = arith.constant 48 : i32
        %add3A_230 = arith.addi %mul3A_228, %add3A_229 : i32
        %get3A_231 = arith.index_cast %add3A_230 : i32 to index
        %get3A_232 = tpu.vector_load %arg11[%get3A_231] {strides = array<i32>} : memref<8192xf32, #tpu.memory_space<vmem>>, vector<16xf32>,
        %get3A_233 = vector.shape_cast %get3A_232 : vector<16xf32> to vector<16xf32>
        %mul3A_234 = arith.mulf %get3A_226, %get3A_233 : vector<16xf32>
        %mul3A_235 = arith.constant 128 : i32
        %mul3A_236 = arith.muli %scan3A_145, %mul3A_235 : i32
        %add3A_237 = arith.constant 48 : i32
        %add3A_238 = arith.addi %mul3A_236, %add3A_237 : i32
        %swap3A_239 = arith.index_cast %add3A_238 : i32 to index
        %swap3A_240 = tpu.vector_load %arg8[%swap3A_239] {strides = array<i32>} : memref<16384xf32, #tpu.memory_space<vmem>>, vector<16xf32>,
        %swap3A_241 = vector.shape_cast %swap3A_240 : vector<16xf32> to vector<16xf32>
        %swap3A_242 = vector.shape_cast %mul3A_234 : vector<16xf32> to vector<16xf32>
        tpu.vector_store %arg8[%swap3A_239], %swap3A_242 {strides = array<i32>} : memref<16384xf32, #tpu.memory_space<vmem>>, vector<16xf32>,
        %mul3A_243 = arith.constant 128 : i32
        %mul3A_244 = arith.muli %scan3A_145, %mul3A_243 : i32
        %add3A_245 = arith.constant 64 : i32
        %add3A_246 = arith.addi %mul3A_244, %add3A_245 : i32
        %get3A_247 = arith.index_cast %add3A_246 : i32 to index
        %get3A_248 = tpu.vector_load %arg7[%get3A_247] {strides = array<i32>} : memref<16384xf32, #tpu.memory_space<vmem>>, vector<16xf32>,
        %get3A_249 = vector.shape_cast %get3A_248 : vector<16xf32> to vector<16xf32>
        %mul3A_250 = arith.constant 128 : i32
        %mul3A_251 = arith.muli %squeeze3A, %mul3A_250 : i32
        %add3A_252 = arith.constant 64 : i32
        %add3A_253 = arith.addi %mul3A_251, %add3A_252 : i32
        %get3A_254 = arith.index_cast %add3A_253 : i32 to index
        %get3A_255 = tpu.vector_load %arg11[%get3A_254] {strides = array<i32>} : memref<8192xf32, #tpu.memory_space<vmem>>, vector<16xf32>,
        %get3A_256 = vector.shape_cast %get3A_255 : vector<16xf32> to vector<16xf32>
        %mul3A_257 = arith.mulf %get3A_249, %get3A_256 : vector<16xf32>
        %mul3A_258 = arith.constant 128 : i32
        %mul3A_259 = arith.muli %scan3A_145, %mul3A_258 : i32
        %add3A_260 = arith.constant 64 : i32
        %add3A_261 = arith.addi %mul3A_259, %add3A_260 : i32
        %swap3A_262 = arith.index_cast %add3A_261 : i32 to index
        %swap3A_263 = tpu.vector_load %arg8[%swap3A_262] {strides = array<i32>} : memref<16384xf32, #tpu.memory_space<vmem>>, vector<16xf32>,
        %swap3A_264 = vector.shape_cast %swap3A_263 : vector<16xf32> to vector<16xf32>
        %swap3A_265 = vector.shape_cast %mul3A_257 : vector<16xf32> to vector<16xf32>
        tpu.vector_store %arg8[%swap3A_262], %swap3A_265 {strides = array<i32>} : memref<16384xf32, #tpu.memory_space<vmem>>, vector<16xf32>,
        %mul3A_266 = arith.constant 128 : i32
        %mul3A_267 = arith.muli %scan3A_145, %mul3A_266 : i32
        %add3A_268 = arith.constant 80 : i32
        %add3A_269 = arith.addi %mul3A_267, %add3A_268 : i32
        %get3A_270 = arith.index_cast %add3A_269 : i32 to index
        %get3A_271 = tpu.vector_load %arg7[%get3A_270] {strides = array<i32>} : memref<16384xf32, #tpu.memory_space<vmem>>, vector<16xf32>,
        %get3A_272 = vector.shape_cast %get3A_271 : vector<16xf32> to vector<16xf32>
        %mul3A_273 = arith.constant 128 : i32
        %mul3A_274 = arith.muli %squeeze3A, %mul3A_273 : i32
        %add3A_275 = arith.constant 80 : i32
        %add3A_276 = arith.addi %mul3A_274, %add3A_275 : i32
        %get3A_277 = arith.index_cast %add3A_276 : i32 to index
        %get3A_278 = tpu.vector_load %arg11[%get3A_277] {strides = array<i32>} : memref<8192xf32, #tpu.memory_space<vmem>>, vector<16xf32>,
        %get3A_279 = vector.shape_cast %get3A_278 : vector<16xf32> to vector<16xf32>
        %mul3A_280 = arith.mulf %get3A_272, %get3A_279 : vector<16xf32>
        %mul3A_281 = arith.constant 128 : i32
        %mul3A_282 = arith.muli %scan3A_145, %mul3A_281 : i32
        %add3A_283 = arith.constant 80 : i32
        %add3A_284 = arith.addi %mul3A_282, %add3A_283 : i32
        %swap3A_285 = arith.index_cast %add3A_284 : i32 to index
        %swap3A_286 = tpu.vector_load %arg8[%swap3A_285] {strides = array<i32>} : memref<16384xf32, #tpu.memory_space<vmem>>, vector<16xf32>,
        %swap3A_287 = vector.shape_cast %swap3A_286 : vector<16xf32> to vector<16xf32>
        %swap3A_288 = vector.shape_cast %mul3A_280 : vector<16xf32> to vector<16xf32>
        tpu.vector_store %arg8[%swap3A_285], %swap3A_288 {strides = array<i32>} : memref<16384xf32, #tpu.memory_space<vmem>>, vector<16xf32>,
        %mul3A_289 = arith.constant 128 : i32
        %mul3A_290 = arith.muli %scan3A_145, %mul3A_289 : i32
        %add3A_291 = arith.constant 96 : i32
        %add3A_292 = arith.addi %mul3A_290, %add3A_291 : i32
        %get3A_293 = arith.index_cast %add3A_292 : i32 to index
        %get3A_294 = tpu.vector_load %arg7[%get3A_293] {strides = array<i32>} : memref<16384xf32, #tpu.memory_space<vmem>>, vector<16xf32>,
        %get3A_295 = vector.shape_cast %get3A_294 : vector<16xf32> to vector<16xf32>
        %mul3A_296 = arith.constant 128 : i32
        %mul3A_297 = arith.muli %squeeze3A, %mul3A_296 : i32
        %add3A_298 = arith.constant 96 : i32
        %add3A_299 = arith.addi %mul3A_297, %add3A_298 : i32
        %get3A_300 = arith.index_cast %add3A_299 : i32 to index
        %get3A_301 = tpu.vector_load %arg11[%get3A_300] {strides = array<i32>} : memref<8192xf32, #tpu.memory_space<vmem>>, vector<16xf32>,
        %get3A_302 = vector.shape_cast %get3A_301 : vector<16xf32> to vector<16xf32>
        %mul3A_303 = arith.mulf %get3A_295, %get3A_302 : vector<16xf32>
        %mul3A_304 = arith.constant 128 : i32
        %mul3A_305 = arith.muli %scan3A_145, %mul3A_304 : i32
        %add3A_306 = arith.constant 96 : i32
        %add3A_307 = arith.addi %mul3A_305, %add3A_306 : i32
        %swap3A_308 = arith.index_cast %add3A_307 : i32 to index
        %swap3A_309 = tpu.vector_load %arg8[%swap3A_308] {strides = array<i32>} : memref<16384xf32, #tpu.memory_space<vmem>>, vector<16xf32>,
        %swap3A_310 = vector.shape_cast %swap3A_309 : vector<16xf32> to vector<16xf32>
        %swap3A_311 = vector.shape_cast %mul3A_303 : vector<16xf32> to vector<16xf32>
        tpu.vector_store %arg8[%swap3A_308], %swap3A_311 {strides = array<i32>} : memref<16384xf32, #tpu.memory_space<vmem>>, vector<16xf32>,
        %mul3A_312 = arith.constant 128 : i32
        %mul3A_313 = arith.muli %scan3A_145, %mul3A_312 : i32
        %add3A_314 = arith.constant 112 : i32
        %add3A_315 = arith.addi %mul3A_313, %add3A_314 : i32
        %get3A_316 = arith.index_cast %add3A_315 : i32 to index
        %get3A_317 = tpu.vector_load %arg7[%get3A_316] {strides = array<i32>} : memref<16384xf32, #tpu.memory_space<vmem>>, vector<16xf32>,
        %get3A_318 = vector.shape_cast %get3A_317 : vector<16xf32> to vector<16xf32>
        %mul3A_319 = arith.constant 128 : i32
        %mul3A_320 = arith.muli %squeeze3A, %mul3A_319 : i32
        %add3A_321 = arith.constant 112 : i32
        %add3A_322 = arith.addi %mul3A_320, %add3A_321 : i32
        %get3A_323 = arith.index_cast %add3A_322 : i32 to index
        %get3A_324 = tpu.vector_load %arg11[%get3A_323] {strides = array<i32>} : memref<8192xf32, #tpu.memory_space<vmem>>, vector<16xf32>,
        %get3A_325 = vector.shape_cast %get3A_324 : vector<16xf32> to vector<16xf32>
        %mul3A_326 = arith.mulf %get3A_318, %get3A_325 : vector<16xf32>
        %mul3A_327 = arith.constant 128 : i32
        %mul3A_328 = arith.muli %scan3A_145, %mul3A_327 : i32
        %add3A_329 = arith.constant 112 : i32
        %add3A_330 = arith.addi %mul3A_328, %add3A_329 : i32
        %swap3A_331 = arith.index_cast %add3A_330 : i32 to index
        %swap3A_332 = tpu.vector_load %arg8[%swap3A_331] {strides = array<i32>} : memref<16384xf32, #tpu.memory_space<vmem>>, vector<16xf32>,
        %swap3A_333 = vector.shape_cast %swap3A_332 : vector<16xf32> to vector<16xf32>
        %swap3A_334 = vector.shape_cast %mul3A_326 : vector<16xf32> to vector<16xf32>
        tpu.vector_store %arg8[%swap3A_331], %swap3A_334 {strides = array<i32>} : memref<16384xf32, #tpu.memory_space<vmem>>, vector<16xf32>,
        %scan3A_335 = arith.constant 0 : i32
        scf.yield %scan3A_335 : i32
      }
      %scan3A_138 = arith.constant 128 : i32
      %mul3A_139 = arith.constant 128 : i32
      %mul3A_140 = arith.muli %while3A_126, %mul3A_139 : i32
      %add3A_141 = arith.addi %mul3A_20, %mul3A_140 : i32
      %mul3A_142 = arith.constant 128 : i32
      %mul3A_143 = arith.muli %add3A_141, %mul3A_142 : i32
      "tpu.region"() ({
        %run_scoped3A = tpu.sem_alloc : memref<!tpu.dma_semaphore, #tpu.memory_space<semaphore_mem>>
        %dma_start3A = tpu.memref_slice %arg5[%mul3A_143] : memref<12800000xf32, #tpu.memory_space<hbm>> -> memref<16384xf32, #tpu.memory_space<hbm>>
        %dma_start3A_145 = tpu.memref_slice %arg5[%mul3A_143] : memref<12800000xf32, #tpu.memory_space<hbm>> -> memref<16384xf32, #tpu.memory_space<hbm>>
        tpu.enqueue_dma source(%arg8 : memref<16384xf32, #tpu.memory_space<vmem>>) target(%dma_start3A_145 : memref<16384xf32, #tpu.memory_space<hbm>>) target_semaphore(%run_scoped3A : memref<!tpu.dma_semaphore, #tpu.memory_space<semaphore_mem>>)
        %dma_wait3A = tpu.memref_slice %arg5[%mul3A_143] : memref<12800000xf32, #tpu.memory_space<hbm>> -> memref<16384xf32, #tpu.memory_space<hbm>>
        %dma_wait3A_146 = tpu.memref_slice %arg5[%mul3A_143] : memref<12800000xf32, #tpu.memory_space<hbm>> -> memref<16384xf32, #tpu.memory_space<hbm>>
        tpu.wait_dma2 semaphore(%run_scoped3A : memref<!tpu.dma_semaphore, #tpu.memory_space<semaphore_mem>>) src(%arg8 : memref<16384xf32, #tpu.memory_space<vmem>>) dst(%dma_wait3A_146 : memref<16384xf32, #tpu.memory_space<hbm>>)
        tpu.yield
      }) : () -> ()
      %while3A_144 = arith.constant 0 : i32
      scf.yield %while3A_144 : i32
    }
    %while3A_85 = arith.constant 1 : i32
    %while3A_86 = scf.for %while3A_126 = %while3A_82 to %while3A_78 step %while3A_85 iter_args(%while3A_127 = %while3A_84) -> (i32)  : i32 {
      %mul3A_128 = arith.constant 128 : i32
      %mul3A_129 = arith.muli %while3A_126, %mul3A_128 : i32
      %add3A_130 = arith.addi %mul3A_20, %mul3A_129 : i32
      %mul3A_131 = arith.constant 128 : i32
      %mul3A_132 = arith.muli %add3A_130, %mul3A_131 : i32
      "tpu.region"() ({
        %run_scoped3A = tpu.sem_alloc : memref<!tpu.dma_semaphore, #tpu.memory_space<semaphore_mem>>
        %dma_start3A = tpu.memref_slice %arg2[%mul3A_132] : memref<12800000xf32, #tpu.memory_space<hbm>> -> memref<16384xf32, #tpu.memory_space<hbm>>
        %dma_start3A_145 = tpu.memref_slice %arg2[%mul3A_132] : memref<12800000xf32, #tpu.memory_space<hbm>> -> memref<16384xf32, #tpu.memory_space<hbm>>
        tpu.enqueue_dma source(%dma_start3A_145 : memref<16384xf32, #tpu.memory_space<hbm>>) target(%arg7 : memref<16384xf32, #tpu.memory_space<vmem>>) target_semaphore(%run_scoped3A : memref<!tpu.dma_semaphore, #tpu.memory_space<semaphore_mem>>)
        %dma_wait3A = tpu.memref_slice %arg2[%mul3A_132] : memref<12800000xf32, #tpu.memory_space<hbm>> -> memref<16384xf32, #tpu.memory_space<hbm>>
        %dma_wait3A_146 = tpu.memref_slice %arg2[%mul3A_132] : memref<12800000xf32, #tpu.memory_space<hbm>> -> memref<16384xf32, #tpu.memory_space<hbm>>
        tpu.wait_dma2 semaphore(%run_scoped3A : memref<!tpu.dma_semaphore, #tpu.memory_space<semaphore_mem>>) src(%dma_wait3A_146 : memref<16384xf32, #tpu.memory_space<hbm>>) dst(%arg7 : memref<16384xf32, #tpu.memory_space<vmem>>)
        tpu.yield
      }) : () -> ()
      %scan3A = arith.constant 0 : i32
      %scan3A_133 = arith.constant 0 : i32
      %scan3A_134 = arith.constant 128 : i32
      %scan3A_135 = arith.addi %scan3A_133, %scan3A_134 : i32
      %scan3A_136 = arith.constant 1 : i32
      %scan3A_137 = scf.for %scan3A_145 = %scan3A_133 to %scan3A_135 step %scan3A_136 iter_args(%scan3A_146 = %scan3A) -> (i32)  : i32 {
        %mul3A_147 = arith.constant 128 : i32
        %mul3A_148 = arith.muli %while3A_126, %mul3A_147 : i32
        %add3A_149 = arith.addi %mul3A_148, %scan3A_145 : i32
        %get3A = arith.index_cast %add3A_149 : i32 to index
        %get3A_150 = tpu.vector_load %arg6[%get3A] {strides = array<i32>} : memref<3144xi32, #tpu.memory_space<vmem>>, vector<16xi32>,
        %get3A_151 = vector.shape_cast %get3A_150 : vector<16xi32> to vector<16xi32>
        %slice3A = vector.extract_strided_slice %get3A_151 {offsets = [0], sizes = [1], strides = [1]} : vector<16xi32> to vector<1xi32>
        %squeeze3A = vector.extract %slice3A[0] : i32 from vector<1xi32>
        %mul3A_152 = arith.constant 128 : i32
        %mul3A_153 = arith.muli %scan3A_145, %mul3A_152 : i32
        %add3A_154 = arith.constant 0 : i32
        %add3A_155 = arith.addi %mul3A_153, %add3A_154 : i32
        %get3A_156 = arith.index_cast %add3A_155 : i32 to index
        %get3A_157 = tpu.vector_load %arg7[%get3A_156] {strides = array<i32>} : memref<16384xf32, #tpu.memory_space<vmem>>, vector<16xf32>,
        %get3A_158 = vector.shape_cast %get3A_157 : vector<16xf32> to vector<16xf32>
        %mul3A_159 = arith.constant 128 : i32
        %mul3A_160 = arith.muli %squeeze3A, %mul3A_159 : i32
        %add3A_161 = arith.constant 0 : i32
        %add3A_162 = arith.addi %mul3A_160, %add3A_161 : i32
        %get3A_163 = arith.index_cast %add3A_162 : i32 to index
        %get3A_164 = tpu.vector_load %arg11[%get3A_163] {strides = array<i32>} : memref<8192xf32, #tpu.memory_space<vmem>>, vector<16xf32>,
        %get3A_165 = vector.shape_cast %get3A_164 : vector<16xf32> to vector<16xf32>
        %mul3A_166 = arith.mulf %get3A_158, %get3A_165 : vector<16xf32>
        %mul3A_167 = arith.constant 128 : i32
        %mul3A_168 = arith.muli %scan3A_145, %mul3A_167 : i32
        %add3A_169 = arith.constant 0 : i32
        %add3A_170 = arith.addi %mul3A_168, %add3A_169 : i32
        %swap3A = arith.index_cast %add3A_170 : i32 to index
        %swap3A_171 = tpu.vector_load %arg8[%swap3A] {strides = array<i32>} : memref<16384xf32, #tpu.memory_space<vmem>>, vector<16xf32>,
        %swap3A_172 = vector.shape_cast %swap3A_171 : vector<16xf32> to vector<16xf32>
        %swap3A_173 = vector.shape_cast %mul3A_166 : vector<16xf32> to vector<16xf32>
        tpu.vector_store %arg8[%swap3A], %swap3A_173 {strides = array<i32>} : memref<16384xf32, #tpu.memory_space<vmem>>, vector<16xf32>,
        %mul3A_174 = arith.constant 128 : i32
        %mul3A_175 = arith.muli %scan3A_145, %mul3A_174 : i32
        %add3A_176 = arith.constant 16 : i32
        %add3A_177 = arith.addi %mul3A_175, %add3A_176 : i32
        %get3A_178 = arith.index_cast %add3A_177 : i32 to index
        %get3A_179 = tpu.vector_load %arg7[%get3A_178] {strides = array<i32>} : memref<16384xf32, #tpu.memory_space<vmem>>, vector<16xf32>,
        %get3A_180 = vector.shape_cast %get3A_179 : vector<16xf32> to vector<16xf32>
        %mul3A_181 = arith.constant 128 : i32
        %mul3A_182 = arith.muli %squeeze3A, %mul3A_181 : i32
        %add3A_183 = arith.constant 16 : i32
        %add3A_184 = arith.addi %mul3A_182, %add3A_183 : i32
        %get3A_185 = arith.index_cast %add3A_184 : i32 to index
        %get3A_186 = tpu.vector_load %arg11[%get3A_185] {strides = array<i32>} : memref<8192xf32, #tpu.memory_space<vmem>>, vector<16xf32>,
        %get3A_187 = vector.shape_cast %get3A_186 : vector<16xf32> to vector<16xf32>
        %mul3A_188 = arith.mulf %get3A_180, %get3A_187 : vector<16xf32>
        %mul3A_189 = arith.constant 128 : i32
        %mul3A_190 = arith.muli %scan3A_145, %mul3A_189 : i32
        %add3A_191 = arith.constant 16 : i32
        %add3A_192 = arith.addi %mul3A_190, %add3A_191 : i32
        %swap3A_193 = arith.index_cast %add3A_192 : i32 to index
        %swap3A_194 = tpu.vector_load %arg8[%swap3A_193] {strides = array<i32>} : memref<16384xf32, #tpu.memory_space<vmem>>, vector<16xf32>,
        %swap3A_195 = vector.shape_cast %swap3A_194 : vector<16xf32> to vector<16xf32>
        %swap3A_196 = vector.shape_cast %mul3A_188 : vector<16xf32> to vector<16xf32>
        tpu.vector_store %arg8[%swap3A_193], %swap3A_196 {strides = array<i32>} : memref<16384xf32, #tpu.memory_space<vmem>>, vector<16xf32>,
        %mul3A_197 = arith.constant 128 : i32
        %mul3A_198 = arith.muli %scan3A_145, %mul3A_197 : i32
        %add3A_199 = arith.constant 32 : i32
        %add3A_200 = arith.addi %mul3A_198, %add3A_199 : i32
        %get3A_201 = arith.index_cast %add3A_200 : i32 to index
        %get3A_202 = tpu.vector_load %arg7[%get3A_201] {strides = array<i32>} : memref<16384xf32, #tpu.memory_space<vmem>>, vector<16xf32>,
        %get3A_203 = vector.shape_cast %get3A_202 : vector<16xf32> to vector<16xf32>
        %mul3A_204 = arith.constant 128 : i32
        %mul3A_205 = arith.muli %squeeze3A, %mul3A_204 : i32
        %add3A_206 = arith.constant 32 : i32
        %add3A_207 = arith.addi %mul3A_205, %add3A_206 : i32
        %get3A_208 = arith.index_cast %add3A_207 : i32 to index
        %get3A_209 = tpu.vector_load %arg11[%get3A_208] {strides = array<i32>} : memref<8192xf32, #tpu.memory_space<vmem>>, vector<16xf32>,
        %get3A_210 = vector.shape_cast %get3A_209 : vector<16xf32> to vector<16xf32>
        %mul3A_211 = arith.mulf %get3A_203, %get3A_210 : vector<16xf32>
        %mul3A_212 = arith.constant 128 : i32
        %mul3A_213 = arith.muli %scan3A_145, %mul3A_212 : i32
        %add3A_214 = arith.constant 32 : i32
        %add3A_215 = arith.addi %mul3A_213, %add3A_214 : i32
        %swap3A_216 = arith.index_cast %add3A_215 : i32 to index
        %swap3A_217 = tpu.vector_load %arg8[%swap3A_216] {strides = array<i32>} : memref<16384xf32, #tpu.memory_space<vmem>>, vector<16xf32>,
        %swap3A_218 = vector.shape_cast %swap3A_217 : vector<16xf32> to vector<16xf32>
        %swap3A_219 = vector.shape_cast %mul3A_211 : vector<16xf32> to vector<16xf32>
        tpu.vector_store %arg8[%swap3A_216], %swap3A_219 {strides = array<i32>} : memref<16384xf32, #tpu.memory_space<vmem>>, vector<16xf32>,
        %mul3A_220 = arith.constant 128 : i32
        %mul3A_221 = arith.muli %scan3A_145, %mul3A_220 : i32
        %add3A_222 = arith.constant 48 : i32
        %add3A_223 = arith.addi %mul3A_221, %add3A_222 : i32
        %get3A_224 = arith.index_cast %add3A_223 : i32 to index
        %get3A_225 = tpu.vector_load %arg7[%get3A_224] {strides = array<i32>} : memref<16384xf32, #tpu.memory_space<vmem>>, vector<16xf32>,
        %get3A_226 = vector.shape_cast %get3A_225 : vector<16xf32> to vector<16xf32>
        %mul3A_227 = arith.constant 128 : i32
        %mul3A_228 = arith.muli %squeeze3A, %mul3A_227 : i32
        %add3A_229 = arith.constant 48 : i32
        %add3A_230 = arith.addi %mul3A_228, %add3A_229 : i32
        %get3A_231 = arith.index_cast %add3A_230 : i32 to index
        %get3A_232 = tpu.vector_load %arg11[%get3A_231] {strides = array<i32>} : memref<8192xf32, #tpu.memory_space<vmem>>, vector<16xf32>,
        %get3A_233 = vector.shape_cast %get3A_232 : vector<16xf32> to vector<16xf32>
        %mul3A_234 = arith.mulf %get3A_226, %get3A_233 : vector<16xf32>
        %mul3A_235 = arith.constant 128 : i32
        %mul3A_236 = arith.muli %scan3A_145, %mul3A_235 : i32
        %add3A_237 = arith.constant 48 : i32
        %add3A_238 = arith.addi %mul3A_236, %add3A_237 : i32
        %swap3A_239 = arith.index_cast %add3A_238 : i32 to index
        %swap3A_240 = tpu.vector_load %arg8[%swap3A_239] {strides = array<i32>} : memref<16384xf32, #tpu.memory_space<vmem>>, vector<16xf32>,
        %swap3A_241 = vector.shape_cast %swap3A_240 : vector<16xf32> to vector<16xf32>
        %swap3A_242 = vector.shape_cast %mul3A_234 : vector<16xf32> to vector<16xf32>
        tpu.vector_store %arg8[%swap3A_239], %swap3A_242 {strides = array<i32>} : memref<16384xf32, #tpu.memory_space<vmem>>, vector<16xf32>,
        %mul3A_243 = arith.constant 128 : i32
        %mul3A_244 = arith.muli %scan3A_145, %mul3A_243 : i32
        %add3A_245 = arith.constant 64 : i32
        %add3A_246 = arith.addi %mul3A_244, %add3A_245 : i32
        %get3A_247 = arith.index_cast %add3A_246 : i32 to index
        %get3A_248 = tpu.vector_load %arg7[%get3A_247] {strides = array<i32>} : memref<16384xf32, #tpu.memory_space<vmem>>, vector<16xf32>,
        %get3A_249 = vector.shape_cast %get3A_248 : vector<16xf32> to vector<16xf32>
        %mul3A_250 = arith.constant 128 : i32
        %mul3A_251 = arith.muli %squeeze3A, %mul3A_250 : i32
        %add3A_252 = arith.constant 64 : i32
        %add3A_253 = arith.addi %mul3A_251, %add3A_252 : i32
        %get3A_254 = arith.index_cast %add3A_253 : i32 to index
        %get3A_255 = tpu.vector_load %arg11[%get3A_254] {strides = array<i32>} : memref<8192xf32, #tpu.memory_space<vmem>>, vector<16xf32>,
        %get3A_256 = vector.shape_cast %get3A_255 : vector<16xf32> to vector<16xf32>
        %mul3A_257 = arith.mulf %get3A_249, %get3A_256 : vector<16xf32>
        %mul3A_258 = arith.constant 128 : i32
        %mul3A_259 = arith.muli %scan3A_145, %mul3A_258 : i32
        %add3A_260 = arith.constant 64 : i32
        %add3A_261 = arith.addi %mul3A_259, %add3A_260 : i32
        %swap3A_262 = arith.index_cast %add3A_261 : i32 to index
        %swap3A_263 = tpu.vector_load %arg8[%swap3A_262] {strides = array<i32>} : memref<16384xf32, #tpu.memory_space<vmem>>, vector<16xf32>,
        %swap3A_264 = vector.shape_cast %swap3A_263 : vector<16xf32> to vector<16xf32>
        %swap3A_265 = vector.shape_cast %mul3A_257 : vector<16xf32> to vector<16xf32>
        tpu.vector_store %arg8[%swap3A_262], %swap3A_265 {strides = array<i32>} : memref<16384xf32, #tpu.memory_space<vmem>>, vector<16xf32>,
        %mul3A_266 = arith.constant 128 : i32
        %mul3A_267 = arith.muli %scan3A_145, %mul3A_266 : i32
        %add3A_268 = arith.constant 80 : i32
        %add3A_269 = arith.addi %mul3A_267, %add3A_268 : i32
        %get3A_270 = arith.index_cast %add3A_269 : i32 to index
        %get3A_271 = tpu.vector_load %arg7[%get3A_270] {strides = array<i32>} : memref<16384xf32, #tpu.memory_space<vmem>>, vector<16xf32>,
        %get3A_272 = vector.shape_cast %get3A_271 : vector<16xf32> to vector<16xf32>
        %mul3A_273 = arith.constant 128 : i32
        %mul3A_274 = arith.muli %squeeze3A, %mul3A_273 : i32
        %add3A_275 = arith.constant 80 : i32
        %add3A_276 = arith.addi %mul3A_274, %add3A_275 : i32
        %get3A_277 = arith.index_cast %add3A_276 : i32 to index
        %get3A_278 = tpu.vector_load %arg11[%get3A_277] {strides = array<i32>} : memref<8192xf32, #tpu.memory_space<vmem>>, vector<16xf32>,
        %get3A_279 = vector.shape_cast %get3A_278 : vector<16xf32> to vector<16xf32>
        %mul3A_280 = arith.mulf %get3A_272, %get3A_279 : vector<16xf32>
        %mul3A_281 = arith.constant 128 : i32
        %mul3A_282 = arith.muli %scan3A_145, %mul3A_281 : i32
        %add3A_283 = arith.constant 80 : i32
        %add3A_284 = arith.addi %mul3A_282, %add3A_283 : i32
        %swap3A_285 = arith.index_cast %add3A_284 : i32 to index
        %swap3A_286 = tpu.vector_load %arg8[%swap3A_285] {strides = array<i32>} : memref<16384xf32, #tpu.memory_space<vmem>>, vector<16xf32>,
        %swap3A_287 = vector.shape_cast %swap3A_286 : vector<16xf32> to vector<16xf32>
        %swap3A_288 = vector.shape_cast %mul3A_280 : vector<16xf32> to vector<16xf32>
        tpu.vector_store %arg8[%swap3A_285], %swap3A_288 {strides = array<i32>} : memref<16384xf32, #tpu.memory_space<vmem>>, vector<16xf32>,
        %mul3A_289 = arith.constant 128 : i32
        %mul3A_290 = arith.muli %scan3A_145, %mul3A_289 : i32
        %add3A_291 = arith.constant 96 : i32
        %add3A_292 = arith.addi %mul3A_290, %add3A_291 : i32
        %get3A_293 = arith.index_cast %add3A_292 : i32 to index
        %get3A_294 = tpu.vector_load %arg7[%get3A_293] {strides = array<i32>} : memref<16384xf32, #tpu.memory_space<vmem>>, vector<16xf32>,
        %get3A_295 = vector.shape_cast %get3A_294 : vector<16xf32> to vector<16xf32>
        %mul3A_296 = arith.constant 128 : i32
        %mul3A_297 = arith.muli %squeeze3A, %mul3A_296 : i32
        %add3A_298 = arith.constant 96 : i32
        %add3A_299 = arith.addi %mul3A_297, %add3A_298 : i32
        %get3A_300 = arith.index_cast %add3A_299 : i32 to index
        %get3A_301 = tpu.vector_load %arg11[%get3A_300] {strides = array<i32>} : memref<8192xf32, #tpu.memory_space<vmem>>, vector<16xf32>,
        %get3A_302 = vector.shape_cast %get3A_301 : vector<16xf32> to vector<16xf32>
        %mul3A_303 = arith.mulf %get3A_295, %get3A_302 : vector<16xf32>
        %mul3A_304 = arith.constant 128 : i32
        %mul3A_305 = arith.muli %scan3A_145, %mul3A_304 : i32
        %add3A_306 = arith.constant 96 : i32
        %add3A_307 = arith.addi %mul3A_305, %add3A_306 : i32
        %swap3A_308 = arith.index_cast %add3A_307 : i32 to index
        %swap3A_309 = tpu.vector_load %arg8[%swap3A_308] {strides = array<i32>} : memref<16384xf32, #tpu.memory_space<vmem>>, vector<16xf32>,
        %swap3A_310 = vector.shape_cast %swap3A_309 : vector<16xf32> to vector<16xf32>
        %swap3A_311 = vector.shape_cast %mul3A_303 : vector<16xf32> to vector<16xf32>
        tpu.vector_store %arg8[%swap3A_308], %swap3A_311 {strides = array<i32>} : memref<16384xf32, #tpu.memory_space<vmem>>, vector<16xf32>,
        %mul3A_312 = arith.constant 128 : i32
        %mul3A_313 = arith.muli %scan3A_145, %mul3A_312 : i32
        %add3A_314 = arith.constant 112 : i32
        %add3A_315 = arith.addi %mul3A_313, %add3A_314 : i32
        %get3A_316 = arith.index_cast %add3A_315 : i32 to index
        %get3A_317 = tpu.vector_load %arg7[%get3A_316] {strides = array<i32>} : memref<16384xf32, #tpu.memory_space<vmem>>, vector<16xf32>,
        %get3A_318 = vector.shape_cast %get3A_317 : vector<16xf32> to vector<16xf32>
        %mul3A_319 = arith.constant 128 : i32
        %mul3A_320 = arith.muli %squeeze3A, %mul3A_319 : i32
        %add3A_321 = arith.constant 112 : i32
        %add3A_322 = arith.addi %mul3A_320, %add3A_321 : i32
        %get3A_323 = arith.index_cast %add3A_322 : i32 to index
        %get3A_324 = tpu.vector_load %arg11[%get3A_323] {strides = array<i32>} : memref<8192xf32, #tpu.memory_space<vmem>>, vector<16xf32>,
        %get3A_325 = vector.shape_cast %get3A_324 : vector<16xf32> to vector<16xf32>
        %mul3A_326 = arith.mulf %get3A_318, %get3A_325 : vector<16xf32>
        %mul3A_327 = arith.constant 128 : i32
        %mul3A_328 = arith.muli %scan3A_145, %mul3A_327 : i32
        %add3A_329 = arith.constant 112 : i32
        %add3A_330 = arith.addi %mul3A_328, %add3A_329 : i32
        %swap3A_331 = arith.index_cast %add3A_330 : i32 to index
        %swap3A_332 = tpu.vector_load %arg8[%swap3A_331] {strides = array<i32>} : memref<16384xf32, #tpu.memory_space<vmem>>, vector<16xf32>,
        %swap3A_333 = vector.shape_cast %swap3A_332 : vector<16xf32> to vector<16xf32>
        %swap3A_334 = vector.shape_cast %mul3A_326 : vector<16xf32> to vector<16xf32>
        tpu.vector_store %arg8[%swap3A_331], %swap3A_334 {strides = array<i32>} : memref<16384xf32, #tpu.memory_space<vmem>>, vector<16xf32>,
        %scan3A_335 = arith.constant 0 : i32
        scf.yield %scan3A_335 : i32
      }
      %scan3A_138 = arith.constant 128 : i32
      %mul3A_139 = arith.constant 128 : i32
      %mul3A_140 = arith.muli %while3A_126, %mul3A_139 : i32
      %add3A_141 = arith.addi %mul3A_20, %mul3A_140 : i32
      %mul3A_142 = arith.constant 128 : i32
      %mul3A_143 = arith.muli %add3A_141, %mul3A_142 : i32
      "tpu.region"() ({
        %run_scoped3A = tpu.sem_alloc : memref<!tpu.dma_semaphore, #tpu.memory_space<semaphore_mem>>
        %dma_start3A = tpu.memref_slice %arg5[%mul3A_143] : memref<12800000xf32, #tpu.memory_space<hbm>> -> memref<16384xf32, #tpu.memory_space<hbm>>
        %dma_start3A_145 = tpu.memref_slice %arg5[%mul3A_143] : memref<12800000xf32, #tpu.memory_space<hbm>> -> memref<16384xf32, #tpu.memory_space<hbm>>
        tpu.enqueue_dma source(%arg8 : memref<16384xf32, #tpu.memory_space<vmem>>) target(%dma_start3A_145 : memref<16384xf32, #tpu.memory_space<hbm>>) target_semaphore(%run_scoped3A : memref<!tpu.dma_semaphore, #tpu.memory_space<semaphore_mem>>)
        %dma_wait3A = tpu.memref_slice %arg5[%mul3A_143] : memref<12800000xf32, #tpu.memory_space<hbm>> -> memref<16384xf32, #tpu.memory_space<hbm>>
        %dma_wait3A_146 = tpu.memref_slice %arg5[%mul3A_143] : memref<12800000xf32, #tpu.memory_space<hbm>> -> memref<16384xf32, #tpu.memory_space<hbm>>
        tpu.wait_dma2 semaphore(%run_scoped3A : memref<!tpu.dma_semaphore, #tpu.memory_space<semaphore_mem>>) src(%arg8 : memref<16384xf32, #tpu.memory_space<vmem>>) dst(%dma_wait3A_146 : memref<16384xf32, #tpu.memory_space<hbm>>)
        tpu.yield
      }) : () -> ()
      %while3A_144 = arith.constant 0 : i32
      scf.yield %while3A_144 : i32
    }
    %mul3A_87 = arith.constant 128 : i32
    %mul3A_88 = arith.muli %select_n3A_75, %mul3A_87 : i32
    %sub3A_89 = arith.subi %sub3A_51, %mul3A_88 : i32
    %jit3A_90 = arith.constant 8 : i32
    %div3A_91 = arith.divsi %sub3A_89, %jit3A_90 : i32
    %sign3A_92 = arith.constant 0 : i32
    %sign3A_93 = arith.cmpi sgt, %sub3A_89, %sign3A_92 : i32
    %sign3A_94 = arith.extui %sign3A_93 : i1 to i32
    %sign3A_95 = arith.constant 0 : i32
    %sign3A_96 = arith.cmpi slt, %sub3A_89, %sign3A_95 : i32
    %sign3A_97 = arith.extui %sign3A_96 : i1 to i32
    %sign3A_98 = arith.subi %sign3A_94, %sign3A_97 : i32
    %sign3A_99 = arith.constant 0 : i32
    %sign3A_100 = arith.cmpi sgt, %jit3A_90, %sign3A_99 : i32
    %sign3A_101 = arith.extui %sign3A_100 : i1 to i32
    %sign3A_102 = arith.constant 0 : i32
    %sign3A_103 = arith.cmpi slt, %jit3A_90, %sign3A_102 : i32
    %sign3A_104 = arith.extui %sign3A_103 : i1 to i32
    %sign3A_105 = arith.subi %sign3A_101, %sign3A_104 : i32
    %ne3A_106 = arith.cmpi ne, %sign3A_98, %sign3A_105 : i32
    %rem3A_107 = arith.remsi %sub3A_89, %jit3A_90 : i32
    %ne3A_108 = arith.constant 0 : i32
    %ne3A_109 = arith.cmpi ne, %rem3A_107, %ne3A_108 : i32
    %and3A_110 = arith.andi %ne3A_106, %ne3A_109 : i1
    %sub3A_111 = arith.constant 1 : i32
    %sub3A_112 = arith.subi %div3A_91, %sub3A_111 : i32
    %select_n3A_113 = arith.select %and3A_110, %sub3A_112, %div3A_91 : i32
    %while3A_114 = arith.constant 0 : i32
    %while3A_115 = arith.constant 0 : i32
    %while3A_116 = arith.subi %select_n3A_113, %while3A_114 : i32
    %while3A_117 = arith.addi %while3A_114, %while3A_116 : i32
    %while3A_118 = arith.constant 1 : i32
    %while3A_119 = arith.divsi %while3A_116, %while3A_118 : i32
    %while3A_120 = arith.muli %while3A_119, %while3A_118 : i32
    %while3A_121 = arith.addi %while3A_114, %while3A_120 : i32
    %while3A_122 = arith.constant 1 : i32
    %while3A_123 = scf.for %while3A_126 = %while3A_114 to %while3A_121 step %while3A_122 iter_args(%while3A_127 = %while3A_115) -> (i32)  : i32 {
      %mul3A_128 = arith.constant 128 : i32
      %mul3A_129 = arith.muli %select_n3A_75, %mul3A_128 : i32
      %mul3A_130 = arith.constant 8 : i32
      %mul3A_131 = arith.muli %while3A_126, %mul3A_130 : i32
      %add3A_132 = arith.addi %mul3A_129, %mul3A_131 : i32
      %add3A_133 = arith.addi %mul3A_20, %add3A_132 : i32
      %mul3A_134 = arith.constant 128 : i32
      %mul3A_135 = arith.muli %add3A_133, %mul3A_134 : i32
      "tpu.region"() ({
        %run_scoped3A = tpu.sem_alloc : memref<!tpu.dma_semaphore, #tpu.memory_space<semaphore_mem>>
        %dma_start3A = tpu.memref_slice %arg2[%mul3A_135] : memref<12800000xf32, #tpu.memory_space<hbm>> -> memref<1024xf32, #tpu.memory_space<hbm>>
        %dma_start3A_146 = tpu.memref_slice %arg2[%mul3A_135] : memref<12800000xf32, #tpu.memory_space<hbm>> -> memref<1024xf32, #tpu.memory_space<hbm>>
        tpu.enqueue_dma source(%dma_start3A_146 : memref<1024xf32, #tpu.memory_space<hbm>>) target(%arg9 : memref<1024xf32, #tpu.memory_space<vmem>>) target_semaphore(%run_scoped3A : memref<!tpu.dma_semaphore, #tpu.memory_space<semaphore_mem>>)
        %dma_wait3A = tpu.memref_slice %arg2[%mul3A_135] : memref<12800000xf32, #tpu.memory_space<hbm>> -> memref<1024xf32, #tpu.memory_space<hbm>>
        %dma_wait3A_147 = tpu.memref_slice %arg2[%mul3A_135] : memref<12800000xf32, #tpu.memory_space<hbm>> -> memref<1024xf32, #tpu.memory_space<hbm>>
        tpu.wait_dma2 semaphore(%run_scoped3A : memref<!tpu.dma_semaphore, #tpu.memory_space<semaphore_mem>>) src(%dma_wait3A_147 : memref<1024xf32, #tpu.memory_space<hbm>>) dst(%arg9 : memref<1024xf32, #tpu.memory_space<vmem>>)
        tpu.yield
      }) : () -> ()
      %scan3A = arith.constant 0 : i32
      %scan3A_136 = arith.constant 0 : i32
      %scan3A_137 = arith.constant 8 : i32
      %scan3A_138 = arith.addi %scan3A_136, %scan3A_137 : i32
      %scan3A_139 = arith.constant 1 : i32
      %scan3A_140 = scf.for %scan3A_146 = %scan3A_136 to %scan3A_138 step %scan3A_139 iter_args(%scan3A_147 = %scan3A) -> (i32)  : i32 {
        %add3A_148 = arith.addi %add3A_132, %scan3A_146 : i32
        %get3A = arith.index_cast %add3A_148 : i32 to index
        %get3A_149 = tpu.vector_load %arg6[%get3A] {strides = array<i32>} : memref<3144xi32, #tpu.memory_space<vmem>>, vector<16xi32>,
        %get3A_150 = vector.shape_cast %get3A_149 : vector<16xi32> to vector<16xi32>
        %slice3A = vector.extract_strided_slice %get3A_150 {offsets = [0], sizes = [1], strides = [1]} : vector<16xi32> to vector<1xi32>
        %squeeze3A = vector.extract %slice3A[0] : i32 from vector<1xi32>
        %mul3A_151 = arith.constant 128 : i32
        %mul3A_152 = arith.muli %scan3A_146, %mul3A_151 : i32
        %add3A_153 = arith.constant 0 : i32
        %add3A_154 = arith.addi %mul3A_152, %add3A_153 : i32
        %get3A_155 = arith.index_cast %add3A_154 : i32 to index
        %get3A_156 = tpu.vector_load %arg9[%get3A_155] {strides = array<i32>} : memref<1024xf32, #tpu.memory_space<vmem>>, vector<16xf32>,
        %get3A_157 = vector.shape_cast %get3A_156 : vector<16xf32> to vector<16xf32>
        %mul3A_158 = arith.constant 128 : i32
        %mul3A_159 = arith.muli %squeeze3A, %mul3A_158 : i32
        %add3A_160 = arith.constant 0 : i32
        %add3A_161 = arith.addi %mul3A_159, %add3A_160 : i32
        %get3A_162 = arith.index_cast %add3A_161 : i32 to index
        %get3A_163 = tpu.vector_load %arg11[%get3A_162] {strides = array<i32>} : memref<8192xf32, #tpu.memory_space<vmem>>, vector<16xf32>,
        %get3A_164 = vector.shape_cast %get3A_163 : vector<16xf32> to vector<16xf32>
        %mul3A_165 = arith.mulf %get3A_157, %get3A_164 : vector<16xf32>
        %mul3A_166 = arith.constant 128 : i32
        %mul3A_167 = arith.muli %scan3A_146, %mul3A_166 : i32
        %add3A_168 = arith.constant 0 : i32
        %add3A_169 = arith.addi %mul3A_167, %add3A_168 : i32
        %swap3A = arith.index_cast %add3A_169 : i32 to index
        %swap3A_170 = tpu.vector_load %arg10[%swap3A] {strides = array<i32>} : memref<1024xf32, #tpu.memory_space<vmem>>, vector<16xf32>,
        %swap3A_171 = vector.shape_cast %swap3A_170 : vector<16xf32> to vector<16xf32>
        %swap3A_172 = vector.shape_cast %mul3A_165 : vector<16xf32> to vector<16xf32>
        tpu.vector_store %arg10[%swap3A], %swap3A_172 {strides = array<i32>} : memref<1024xf32, #tpu.memory_space<vmem>>, vector<16xf32>,
        %mul3A_173 = arith.constant 128 : i32
        %mul3A_174 = arith.muli %scan3A_146, %mul3A_173 : i32
        %add3A_175 = arith.constant 16 : i32
        %add3A_176 = arith.addi %mul3A_174, %add3A_175 : i32
        %get3A_177 = arith.index_cast %add3A_176 : i32 to index
        %get3A_178 = tpu.vector_load %arg9[%get3A_177] {strides = array<i32>} : memref<1024xf32, #tpu.memory_space<vmem>>, vector<16xf32>,
        %get3A_179 = vector.shape_cast %get3A_178 : vector<16xf32> to vector<16xf32>
        %mul3A_180 = arith.constant 128 : i32
        %mul3A_181 = arith.muli %squeeze3A, %mul3A_180 : i32
        %add3A_182 = arith.constant 16 : i32
        %add3A_183 = arith.addi %mul3A_181, %add3A_182 : i32
        %get3A_184 = arith.index_cast %add3A_183 : i32 to index
        %get3A_185 = tpu.vector_load %arg11[%get3A_184] {strides = array<i32>} : memref<8192xf32, #tpu.memory_space<vmem>>, vector<16xf32>,
        %get3A_186 = vector.shape_cast %get3A_185 : vector<16xf32> to vector<16xf32>
        %mul3A_187 = arith.mulf %get3A_179, %get3A_186 : vector<16xf32>
        %mul3A_188 = arith.constant 128 : i32
        %mul3A_189 = arith.muli %scan3A_146, %mul3A_188 : i32
        %add3A_190 = arith.constant 16 : i32
        %add3A_191 = arith.addi %mul3A_189, %add3A_190 : i32
        %swap3A_192 = arith.index_cast %add3A_191 : i32 to index
        %swap3A_193 = tpu.vector_load %arg10[%swap3A_192] {strides = array<i32>} : memref<1024xf32, #tpu.memory_space<vmem>>, vector<16xf32>,
        %swap3A_194 = vector.shape_cast %swap3A_193 : vector<16xf32> to vector<16xf32>
        %swap3A_195 = vector.shape_cast %mul3A_187 : vector<16xf32> to vector<16xf32>
        tpu.vector_store %arg10[%swap3A_192], %swap3A_195 {strides = array<i32>} : memref<1024xf32, #tpu.memory_space<vmem>>, vector<16xf32>,
        %mul3A_196 = arith.constant 128 : i32
        %mul3A_197 = arith.muli %scan3A_146, %mul3A_196 : i32
        %add3A_198 = arith.constant 32 : i32
        %add3A_199 = arith.addi %mul3A_197, %add3A_198 : i32
        %get3A_200 = arith.index_cast %add3A_199 : i32 to index
        %get3A_201 = tpu.vector_load %arg9[%get3A_200] {strides = array<i32>} : memref<1024xf32, #tpu.memory_space<vmem>>, vector<16xf32>,
        %get3A_202 = vector.shape_cast %get3A_201 : vector<16xf32> to vector<16xf32>
        %mul3A_203 = arith.constant 128 : i32
        %mul3A_204 = arith.muli %squeeze3A, %mul3A_203 : i32
        %add3A_205 = arith.constant 32 : i32
        %add3A_206 = arith.addi %mul3A_204, %add3A_205 : i32
        %get3A_207 = arith.index_cast %add3A_206 : i32 to index
        %get3A_208 = tpu.vector_load %arg11[%get3A_207] {strides = array<i32>} : memref<8192xf32, #tpu.memory_space<vmem>>, vector<16xf32>,
        %get3A_209 = vector.shape_cast %get3A_208 : vector<16xf32> to vector<16xf32>
        %mul3A_210 = arith.mulf %get3A_202, %get3A_209 : vector<16xf32>
        %mul3A_211 = arith.constant 128 : i32
        %mul3A_212 = arith.muli %scan3A_146, %mul3A_211 : i32
        %add3A_213 = arith.constant 32 : i32
        %add3A_214 = arith.addi %mul3A_212, %add3A_213 : i32
        %swap3A_215 = arith.index_cast %add3A_214 : i32 to index
        %swap3A_216 = tpu.vector_load %arg10[%swap3A_215] {strides = array<i32>} : memref<1024xf32, #tpu.memory_space<vmem>>, vector<16xf32>,
        %swap3A_217 = vector.shape_cast %swap3A_216 : vector<16xf32> to vector<16xf32>
        %swap3A_218 = vector.shape_cast %mul3A_210 : vector<16xf32> to vector<16xf32>
        tpu.vector_store %arg10[%swap3A_215], %swap3A_218 {strides = array<i32>} : memref<1024xf32, #tpu.memory_space<vmem>>, vector<16xf32>,
        %mul3A_219 = arith.constant 128 : i32
        %mul3A_220 = arith.muli %scan3A_146, %mul3A_219 : i32
        %add3A_221 = arith.constant 48 : i32
        %add3A_222 = arith.addi %mul3A_220, %add3A_221 : i32
        %get3A_223 = arith.index_cast %add3A_222 : i32 to index
        %get3A_224 = tpu.vector_load %arg9[%get3A_223] {strides = array<i32>} : memref<1024xf32, #tpu.memory_space<vmem>>, vector<16xf32>,
        %get3A_225 = vector.shape_cast %get3A_224 : vector<16xf32> to vector<16xf32>
        %mul3A_226 = arith.constant 128 : i32
        %mul3A_227 = arith.muli %squeeze3A, %mul3A_226 : i32
        %add3A_228 = arith.constant 48 : i32
        %add3A_229 = arith.addi %mul3A_227, %add3A_228 : i32
        %get3A_230 = arith.index_cast %add3A_229 : i32 to index
        %get3A_231 = tpu.vector_load %arg11[%get3A_230] {strides = array<i32>} : memref<8192xf32, #tpu.memory_space<vmem>>, vector<16xf32>,
        %get3A_232 = vector.shape_cast %get3A_231 : vector<16xf32> to vector<16xf32>
        %mul3A_233 = arith.mulf %get3A_225, %get3A_232 : vector<16xf32>
        %mul3A_234 = arith.constant 128 : i32
        %mul3A_235 = arith.muli %scan3A_146, %mul3A_234 : i32
        %add3A_236 = arith.constant 48 : i32
        %add3A_237 = arith.addi %mul3A_235, %add3A_236 : i32
        %swap3A_238 = arith.index_cast %add3A_237 : i32 to index
        %swap3A_239 = tpu.vector_load %arg10[%swap3A_238] {strides = array<i32>} : memref<1024xf32, #tpu.memory_space<vmem>>, vector<16xf32>,
        %swap3A_240 = vector.shape_cast %swap3A_239 : vector<16xf32> to vector<16xf32>
        %swap3A_241 = vector.shape_cast %mul3A_233 : vector<16xf32> to vector<16xf32>
        tpu.vector_store %arg10[%swap3A_238], %swap3A_241 {strides = array<i32>} : memref<1024xf32, #tpu.memory_space<vmem>>, vector<16xf32>,
        %mul3A_242 = arith.constant 128 : i32
        %mul3A_243 = arith.muli %scan3A_146, %mul3A_242 : i32
        %add3A_244 = arith.constant 64 : i32
        %add3A_245 = arith.addi %mul3A_243, %add3A_244 : i32
        %get3A_246 = arith.index_cast %add3A_245 : i32 to index
        %get3A_247 = tpu.vector_load %arg9[%get3A_246] {strides = array<i32>} : memref<1024xf32, #tpu.memory_space<vmem>>, vector<16xf32>,
        %get3A_248 = vector.shape_cast %get3A_247 : vector<16xf32> to vector<16xf32>
        %mul3A_249 = arith.constant 128 : i32
        %mul3A_250 = arith.muli %squeeze3A, %mul3A_249 : i32
        %add3A_251 = arith.constant 64 : i32
        %add3A_252 = arith.addi %mul3A_250, %add3A_251 : i32
        %get3A_253 = arith.index_cast %add3A_252 : i32 to index
        %get3A_254 = tpu.vector_load %arg11[%get3A_253] {strides = array<i32>} : memref<8192xf32, #tpu.memory_space<vmem>>, vector<16xf32>,
        %get3A_255 = vector.shape_cast %get3A_254 : vector<16xf32> to vector<16xf32>
        %mul3A_256 = arith.mulf %get3A_248, %get3A_255 : vector<16xf32>
        %mul3A_257 = arith.constant 128 : i32
        %mul3A_258 = arith.muli %scan3A_146, %mul3A_257 : i32
        %add3A_259 = arith.constant 64 : i32
        %add3A_260 = arith.addi %mul3A_258, %add3A_259 : i32
        %swap3A_261 = arith.index_cast %add3A_260 : i32 to index
        %swap3A_262 = tpu.vector_load %arg10[%swap3A_261] {strides = array<i32>} : memref<1024xf32, #tpu.memory_space<vmem>>, vector<16xf32>,
        %swap3A_263 = vector.shape_cast %swap3A_262 : vector<16xf32> to vector<16xf32>
        %swap3A_264 = vector.shape_cast %mul3A_256 : vector<16xf32> to vector<16xf32>
        tpu.vector_store %arg10[%swap3A_261], %swap3A_264 {strides = array<i32>} : memref<1024xf32, #tpu.memory_space<vmem>>, vector<16xf32>,
        %mul3A_265 = arith.constant 128 : i32
        %mul3A_266 = arith.muli %scan3A_146, %mul3A_265 : i32
        %add3A_267 = arith.constant 80 : i32
        %add3A_268 = arith.addi %mul3A_266, %add3A_267 : i32
        %get3A_269 = arith.index_cast %add3A_268 : i32 to index
        %get3A_270 = tpu.vector_load %arg9[%get3A_269] {strides = array<i32>} : memref<1024xf32, #tpu.memory_space<vmem>>, vector<16xf32>,
        %get3A_271 = vector.shape_cast %get3A_270 : vector<16xf32> to vector<16xf32>
        %mul3A_272 = arith.constant 128 : i32
        %mul3A_273 = arith.muli %squeeze3A, %mul3A_272 : i32
        %add3A_274 = arith.constant 80 : i32
        %add3A_275 = arith.addi %mul3A_273, %add3A_274 : i32
        %get3A_276 = arith.index_cast %add3A_275 : i32 to index
        %get3A_277 = tpu.vector_load %arg11[%get3A_276] {strides = array<i32>} : memref<8192xf32, #tpu.memory_space<vmem>>, vector<16xf32>,
        %get3A_278 = vector.shape_cast %get3A_277 : vector<16xf32> to vector<16xf32>
        %mul3A_279 = arith.mulf %get3A_271, %get3A_278 : vector<16xf32>
        %mul3A_280 = arith.constant 128 : i32
        %mul3A_281 = arith.muli %scan3A_146, %mul3A_280 : i32
        %add3A_282 = arith.constant 80 : i32
        %add3A_283 = arith.addi %mul3A_281, %add3A_282 : i32
        %swap3A_284 = arith.index_cast %add3A_283 : i32 to index
        %swap3A_285 = tpu.vector_load %arg10[%swap3A_284] {strides = array<i32>} : memref<1024xf32, #tpu.memory_space<vmem>>, vector<16xf32>,
        %swap3A_286 = vector.shape_cast %swap3A_285 : vector<16xf32> to vector<16xf32>
        %swap3A_287 = vector.shape_cast %mul3A_279 : vector<16xf32> to vector<16xf32>
        tpu.vector_store %arg10[%swap3A_284], %swap3A_287 {strides = array<i32>} : memref<1024xf32, #tpu.memory_space<vmem>>, vector<16xf32>,
        %mul3A_288 = arith.constant 128 : i32
        %mul3A_289 = arith.muli %scan3A_146, %mul3A_288 : i32
        %add3A_290 = arith.constant 96 : i32
        %add3A_291 = arith.addi %mul3A_289, %add3A_290 : i32
        %get3A_292 = arith.index_cast %add3A_291 : i32 to index
        %get3A_293 = tpu.vector_load %arg9[%get3A_292] {strides = array<i32>} : memref<1024xf32, #tpu.memory_space<vmem>>, vector<16xf32>,
        %get3A_294 = vector.shape_cast %get3A_293 : vector<16xf32> to vector<16xf32>
        %mul3A_295 = arith.constant 128 : i32
        %mul3A_296 = arith.muli %squeeze3A, %mul3A_295 : i32
        %add3A_297 = arith.constant 96 : i32
        %add3A_298 = arith.addi %mul3A_296, %add3A_297 : i32
        %get3A_299 = arith.index_cast %add3A_298 : i32 to index
        %get3A_300 = tpu.vector_load %arg11[%get3A_299] {strides = array<i32>} : memref<8192xf32, #tpu.memory_space<vmem>>, vector<16xf32>,
        %get3A_301 = vector.shape_cast %get3A_300 : vector<16xf32> to vector<16xf32>
        %mul3A_302 = arith.mulf %get3A_294, %get3A_301 : vector<16xf32>
        %mul3A_303 = arith.constant 128 : i32
        %mul3A_304 = arith.muli %scan3A_146, %mul3A_303 : i32
        %add3A_305 = arith.constant 96 : i32
        %add3A_306 = arith.addi %mul3A_304, %add3A_305 : i32
        %swap3A_307 = arith.index_cast %add3A_306 : i32 to index
        %swap3A_308 = tpu.vector_load %arg10[%swap3A_307] {strides = array<i32>} : memref<1024xf32, #tpu.memory_space<vmem>>, vector<16xf32>,
        %swap3A_309 = vector.shape_cast %swap3A_308 : vector<16xf32> to vector<16xf32>
        %swap3A_310 = vector.shape_cast %mul3A_302 : vector<16xf32> to vector<16xf32>
        tpu.vector_store %arg10[%swap3A_307], %swap3A_310 {strides = array<i32>} : memref<1024xf32, #tpu.memory_space<vmem>>, vector<16xf32>,
        %mul3A_311 = arith.constant 128 : i32
        %mul3A_312 = arith.muli %scan3A_146, %mul3A_311 : i32
        %add3A_313 = arith.constant 112 : i32
        %add3A_314 = arith.addi %mul3A_312, %add3A_313 : i32
        %get3A_315 = arith.index_cast %add3A_314 : i32 to index
        %get3A_316 = tpu.vector_load %arg9[%get3A_315] {strides = array<i32>} : memref<1024xf32, #tpu.memory_space<vmem>>, vector<16xf32>,
        %get3A_317 = vector.shape_cast %get3A_316 : vector<16xf32> to vector<16xf32>
        %mul3A_318 = arith.constant 128 : i32
        %mul3A_319 = arith.muli %squeeze3A, %mul3A_318 : i32
        %add3A_320 = arith.constant 112 : i32
        %add3A_321 = arith.addi %mul3A_319, %add3A_320 : i32
        %get3A_322 = arith.index_cast %add3A_321 : i32 to index
        %get3A_323 = tpu.vector_load %arg11[%get3A_322] {strides = array<i32>} : memref<8192xf32, #tpu.memory_space<vmem>>, vector<16xf32>,
        %get3A_324 = vector.shape_cast %get3A_323 : vector<16xf32> to vector<16xf32>
        %mul3A_325 = arith.mulf %get3A_317, %get3A_324 : vector<16xf32>
        %mul3A_326 = arith.constant 128 : i32
        %mul3A_327 = arith.muli %scan3A_146, %mul3A_326 : i32
        %add3A_328 = arith.constant 112 : i32
        %add3A_329 = arith.addi %mul3A_327, %add3A_328 : i32
        %swap3A_330 = arith.index_cast %add3A_329 : i32 to index
        %swap3A_331 = tpu.vector_load %arg10[%swap3A_330] {strides = array<i32>} : memref<1024xf32, #tpu.memory_space<vmem>>, vector<16xf32>,
        %swap3A_332 = vector.shape_cast %swap3A_331 : vector<16xf32> to vector<16xf32>
        %swap3A_333 = vector.shape_cast %mul3A_325 : vector<16xf32> to vector<16xf32>
        tpu.vector_store %arg10[%swap3A_330], %swap3A_333 {strides = array<i32>} : memref<1024xf32, #tpu.memory_space<vmem>>, vector<16xf32>,
        %scan3A_334 = arith.constant 0 : i32
        scf.yield %scan3A_334 : i32
      }
      %scan3A_141 = arith.constant 8 : i32
      %add3A_142 = arith.addi %mul3A_20, %add3A_132 : i32
      %mul3A_143 = arith.constant 128 : i32
      %mul3A_144 = arith.muli %add3A_142, %mul3A_143 : i32
      "tpu.region"() ({
        %run_scoped3A = tpu.sem_alloc : memref<!tpu.dma_semaphore, #tpu.memory_space<semaphore_mem>>
        %dma_start3A = tpu.memref_slice %arg5[%mul3A_144] : memref<12800000xf32, #tpu.memory_space<hbm>> -> memref<1024xf32, #tpu.memory_space<hbm>>
        %dma_start3A_146 = tpu.memref_slice %arg5[%mul3A_144] : memref<12800000xf32, #tpu.memory_space<hbm>> -> memref<1024xf32, #tpu.memory_space<hbm>>
        tpu.enqueue_dma source(%arg10 : memref<1024xf32, #tpu.memory_space<vmem>>) target(%dma_start3A_146 : memref<1024xf32, #tpu.memory_space<hbm>>) target_semaphore(%run_scoped3A : memref<!tpu.dma_semaphore, #tpu.memory_space<semaphore_mem>>)
        %dma_wait3A = tpu.memref_slice %arg5[%mul3A_144] : memref<12800000xf32, #tpu.memory_space<hbm>> -> memref<1024xf32, #tpu.memory_space<hbm>>
        %dma_wait3A_147 = tpu.memref_slice %arg5[%mul3A_144] : memref<12800000xf32, #tpu.memory_space<hbm>> -> memref<1024xf32, #tpu.memory_space<hbm>>
        tpu.wait_dma2 semaphore(%run_scoped3A : memref<!tpu.dma_semaphore, #tpu.memory_space<semaphore_mem>>) src(%arg10 : memref<1024xf32, #tpu.memory_space<vmem>>) dst(%dma_wait3A_147 : memref<1024xf32, #tpu.memory_space<hbm>>)
        tpu.yield
      }) : () -> ()
      %while3A_145 = arith.constant 0 : i32
      scf.yield %while3A_145 : i32
    }
    %while3A_124 = arith.constant 1 : i32
    %while3A_125 = scf.for %while3A_126 = %while3A_121 to %while3A_117 step %while3A_124 iter_args(%while3A_127 = %while3A_123) -> (i32)  : i32 {
      %mul3A_128 = arith.constant 128 : i32
      %mul3A_129 = arith.muli %select_n3A_75, %mul3A_128 : i32
      %mul3A_130 = arith.constant 8 : i32
      %mul3A_131 = arith.muli %while3A_126, %mul3A_130 : i32
      %add3A_132 = arith.addi %mul3A_129, %mul3A_131 : i32
      %add3A_133 = arith.addi %mul3A_20, %add3A_132 : i32
      %mul3A_134 = arith.constant 128 : i32
      %mul3A_135 = arith.muli %add3A_133, %mul3A_134 : i32
      "tpu.region"() ({
        %run_scoped3A = tpu.sem_alloc : memref<!tpu.dma_semaphore, #tpu.memory_space<semaphore_mem>>
        %dma_start3A = tpu.memref_slice %arg2[%mul3A_135] : memref<12800000xf32, #tpu.memory_space<hbm>> -> memref<1024xf32, #tpu.memory_space<hbm>>
        %dma_start3A_146 = tpu.memref_slice %arg2[%mul3A_135] : memref<12800000xf32, #tpu.memory_space<hbm>> -> memref<1024xf32, #tpu.memory_space<hbm>>
        tpu.enqueue_dma source(%dma_start3A_146 : memref<1024xf32, #tpu.memory_space<hbm>>) target(%arg9 : memref<1024xf32, #tpu.memory_space<vmem>>) target_semaphore(%run_scoped3A : memref<!tpu.dma_semaphore, #tpu.memory_space<semaphore_mem>>)
        %dma_wait3A = tpu.memref_slice %arg2[%mul3A_135] : memref<12800000xf32, #tpu.memory_space<hbm>> -> memref<1024xf32, #tpu.memory_space<hbm>>
        %dma_wait3A_147 = tpu.memref_slice %arg2[%mul3A_135] : memref<12800000xf32, #tpu.memory_space<hbm>> -> memref<1024xf32, #tpu.memory_space<hbm>>
        tpu.wait_dma2 semaphore(%run_scoped3A : memref<!tpu.dma_semaphore, #tpu.memory_space<semaphore_mem>>) src(%dma_wait3A_147 : memref<1024xf32, #tpu.memory_space<hbm>>) dst(%arg9 : memref<1024xf32, #tpu.memory_space<vmem>>)
        tpu.yield
      }) : () -> ()
      %scan3A = arith.constant 0 : i32
      %scan3A_136 = arith.constant 0 : i32
      %scan3A_137 = arith.constant 8 : i32
      %scan3A_138 = arith.addi %scan3A_136, %scan3A_137 : i32
      %scan3A_139 = arith.constant 1 : i32
      %scan3A_140 = scf.for %scan3A_146 = %scan3A_136 to %scan3A_138 step %scan3A_139 iter_args(%scan3A_147 = %scan3A) -> (i32)  : i32 {
        %add3A_148 = arith.addi %add3A_132, %scan3A_146 : i32
        %get3A = arith.index_cast %add3A_148 : i32 to index
        %get3A_149 = tpu.vector_load %arg6[%get3A] {strides = array<i32>} : memref<3144xi32, #tpu.memory_space<vmem>>, vector<16xi32>,
        %get3A_150 = vector.shape_cast %get3A_149 : vector<16xi32> to vector<16xi32>
        %slice3A = vector.extract_strided_slice %get3A_150 {offsets = [0], sizes = [1], strides = [1]} : vector<16xi32> to vector<1xi32>
        %squeeze3A = vector.extract %slice3A[0] : i32 from vector<1xi32>
        %mul3A_151 = arith.constant 128 : i32
        %mul3A_152 = arith.muli %scan3A_146, %mul3A_151 : i32
        %add3A_153 = arith.constant 0 : i32
        %add3A_154 = arith.addi %mul3A_152, %add3A_153 : i32
        %get3A_155 = arith.index_cast %add3A_154 : i32 to index
        %get3A_156 = tpu.vector_load %arg9[%get3A_155] {strides = array<i32>} : memref<1024xf32, #tpu.memory_space<vmem>>, vector<16xf32>,
        %get3A_157 = vector.shape_cast %get3A_156 : vector<16xf32> to vector<16xf32>
        %mul3A_158 = arith.constant 128 : i32
        %mul3A_159 = arith.muli %squeeze3A, %mul3A_158 : i32
        %add3A_160 = arith.constant 0 : i32
        %add3A_161 = arith.addi %mul3A_159, %add3A_160 : i32
        %get3A_162 = arith.index_cast %add3A_161 : i32 to index
        %get3A_163 = tpu.vector_load %arg11[%get3A_162] {strides = array<i32>} : memref<8192xf32, #tpu.memory_space<vmem>>, vector<16xf32>,
        %get3A_164 = vector.shape_cast %get3A_163 : vector<16xf32> to vector<16xf32>
        %mul3A_165 = arith.mulf %get3A_157, %get3A_164 : vector<16xf32>
        %mul3A_166 = arith.constant 128 : i32
        %mul3A_167 = arith.muli %scan3A_146, %mul3A_166 : i32
        %add3A_168 = arith.constant 0 : i32
        %add3A_169 = arith.addi %mul3A_167, %add3A_168 : i32
        %swap3A = arith.index_cast %add3A_169 : i32 to index
        %swap3A_170 = tpu.vector_load %arg10[%swap3A] {strides = array<i32>} : memref<1024xf32, #tpu.memory_space<vmem>>, vector<16xf32>,
        %swap3A_171 = vector.shape_cast %swap3A_170 : vector<16xf32> to vector<16xf32>
        %swap3A_172 = vector.shape_cast %mul3A_165 : vector<16xf32> to vector<16xf32>
        tpu.vector_store %arg10[%swap3A], %swap3A_172 {strides = array<i32>} : memref<1024xf32, #tpu.memory_space<vmem>>, vector<16xf32>,
        %mul3A_173 = arith.constant 128 : i32
        %mul3A_174 = arith.muli %scan3A_146, %mul3A_173 : i32
        %add3A_175 = arith.constant 16 : i32
        %add3A_176 = arith.addi %mul3A_174, %add3A_175 : i32
        %get3A_177 = arith.index_cast %add3A_176 : i32 to index
        %get3A_178 = tpu.vector_load %arg9[%get3A_177] {strides = array<i32>} : memref<1024xf32, #tpu.memory_space<vmem>>, vector<16xf32>,
        %get3A_179 = vector.shape_cast %get3A_178 : vector<16xf32> to vector<16xf32>
        %mul3A_180 = arith.constant 128 : i32
        %mul3A_181 = arith.muli %squeeze3A, %mul3A_180 : i32
        %add3A_182 = arith.constant 16 : i32
        %add3A_183 = arith.addi %mul3A_181, %add3A_182 : i32
        %get3A_184 = arith.index_cast %add3A_183 : i32 to index
        %get3A_185 = tpu.vector_load %arg11[%get3A_184] {strides = array<i32>} : memref<8192xf32, #tpu.memory_space<vmem>>, vector<16xf32>,
        %get3A_186 = vector.shape_cast %get3A_185 : vector<16xf32> to vector<16xf32>
        %mul3A_187 = arith.mulf %get3A_179, %get3A_186 : vector<16xf32>
        %mul3A_188 = arith.constant 128 : i32
        %mul3A_189 = arith.muli %scan3A_146, %mul3A_188 : i32
        %add3A_190 = arith.constant 16 : i32
        %add3A_191 = arith.addi %mul3A_189, %add3A_190 : i32
        %swap3A_192 = arith.index_cast %add3A_191 : i32 to index
        %swap3A_193 = tpu.vector_load %arg10[%swap3A_192] {strides = array<i32>} : memref<1024xf32, #tpu.memory_space<vmem>>, vector<16xf32>,
        %swap3A_194 = vector.shape_cast %swap3A_193 : vector<16xf32> to vector<16xf32>
        %swap3A_195 = vector.shape_cast %mul3A_187 : vector<16xf32> to vector<16xf32>
        tpu.vector_store %arg10[%swap3A_192], %swap3A_195 {strides = array<i32>} : memref<1024xf32, #tpu.memory_space<vmem>>, vector<16xf32>,
        %mul3A_196 = arith.constant 128 : i32
        %mul3A_197 = arith.muli %scan3A_146, %mul3A_196 : i32
        %add3A_198 = arith.constant 32 : i32
        %add3A_199 = arith.addi %mul3A_197, %add3A_198 : i32
        %get3A_200 = arith.index_cast %add3A_199 : i32 to index
        %get3A_201 = tpu.vector_load %arg9[%get3A_200] {strides = array<i32>} : memref<1024xf32, #tpu.memory_space<vmem>>, vector<16xf32>,
        %get3A_202 = vector.shape_cast %get3A_201 : vector<16xf32> to vector<16xf32>
        %mul3A_203 = arith.constant 128 : i32
        %mul3A_204 = arith.muli %squeeze3A, %mul3A_203 : i32
        %add3A_205 = arith.constant 32 : i32
        %add3A_206 = arith.addi %mul3A_204, %add3A_205 : i32
        %get3A_207 = arith.index_cast %add3A_206 : i32 to index
        %get3A_208 = tpu.vector_load %arg11[%get3A_207] {strides = array<i32>} : memref<8192xf32, #tpu.memory_space<vmem>>, vector<16xf32>,
        %get3A_209 = vector.shape_cast %get3A_208 : vector<16xf32> to vector<16xf32>
        %mul3A_210 = arith.mulf %get3A_202, %get3A_209 : vector<16xf32>
        %mul3A_211 = arith.constant 128 : i32
        %mul3A_212 = arith.muli %scan3A_146, %mul3A_211 : i32
        %add3A_213 = arith.constant 32 : i32
        %add3A_214 = arith.addi %mul3A_212, %add3A_213 : i32
        %swap3A_215 = arith.index_cast %add3A_214 : i32 to index
        %swap3A_216 = tpu.vector_load %arg10[%swap3A_215] {strides = array<i32>} : memref<1024xf32, #tpu.memory_space<vmem>>, vector<16xf32>,
        %swap3A_217 = vector.shape_cast %swap3A_216 : vector<16xf32> to vector<16xf32>
        %swap3A_218 = vector.shape_cast %mul3A_210 : vector<16xf32> to vector<16xf32>
        tpu.vector_store %arg10[%swap3A_215], %swap3A_218 {strides = array<i32>} : memref<1024xf32, #tpu.memory_space<vmem>>, vector<16xf32>,
        %mul3A_219 = arith.constant 128 : i32
        %mul3A_220 = arith.muli %scan3A_146, %mul3A_219 : i32
        %add3A_221 = arith.constant 48 : i32
        %add3A_222 = arith.addi %mul3A_220, %add3A_221 : i32
        %get3A_223 = arith.index_cast %add3A_222 : i32 to index
        %get3A_224 = tpu.vector_load %arg9[%get3A_223] {strides = array<i32>} : memref<1024xf32, #tpu.memory_space<vmem>>, vector<16xf32>,
        %get3A_225 = vector.shape_cast %get3A_224 : vector<16xf32> to vector<16xf32>
        %mul3A_226 = arith.constant 128 : i32
        %mul3A_227 = arith.muli %squeeze3A, %mul3A_226 : i32
        %add3A_228 = arith.constant 48 : i32
        %add3A_229 = arith.addi %mul3A_227, %add3A_228 : i32
        %get3A_230 = arith.index_cast %add3A_229 : i32 to index
        %get3A_231 = tpu.vector_load %arg11[%get3A_230] {strides = array<i32>} : memref<8192xf32, #tpu.memory_space<vmem>>, vector<16xf32>,
        %get3A_232 = vector.shape_cast %get3A_231 : vector<16xf32> to vector<16xf32>
        %mul3A_233 = arith.mulf %get3A_225, %get3A_232 : vector<16xf32>
        %mul3A_234 = arith.constant 128 : i32
        %mul3A_235 = arith.muli %scan3A_146, %mul3A_234 : i32
        %add3A_236 = arith.constant 48 : i32
        %add3A_237 = arith.addi %mul3A_235, %add3A_236 : i32
        %swap3A_238 = arith.index_cast %add3A_237 : i32 to index
        %swap3A_239 = tpu.vector_load %arg10[%swap3A_238] {strides = array<i32>} : memref<1024xf32, #tpu.memory_space<vmem>>, vector<16xf32>,
        %swap3A_240 = vector.shape_cast %swap3A_239 : vector<16xf32> to vector<16xf32>
        %swap3A_241 = vector.shape_cast %mul3A_233 : vector<16xf32> to vector<16xf32>
        tpu.vector_store %arg10[%swap3A_238], %swap3A_241 {strides = array<i32>} : memref<1024xf32, #tpu.memory_space<vmem>>, vector<16xf32>,
        %mul3A_242 = arith.constant 128 : i32
        %mul3A_243 = arith.muli %scan3A_146, %mul3A_242 : i32
        %add3A_244 = arith.constant 64 : i32
        %add3A_245 = arith.addi %mul3A_243, %add3A_244 : i32
        %get3A_246 = arith.index_cast %add3A_245 : i32 to index
        %get3A_247 = tpu.vector_load %arg9[%get3A_246] {strides = array<i32>} : memref<1024xf32, #tpu.memory_space<vmem>>, vector<16xf32>,
        %get3A_248 = vector.shape_cast %get3A_247 : vector<16xf32> to vector<16xf32>
        %mul3A_249 = arith.constant 128 : i32
        %mul3A_250 = arith.muli %squeeze3A, %mul3A_249 : i32
        %add3A_251 = arith.constant 64 : i32
        %add3A_252 = arith.addi %mul3A_250, %add3A_251 : i32
        %get3A_253 = arith.index_cast %add3A_252 : i32 to index
        %get3A_254 = tpu.vector_load %arg11[%get3A_253] {strides = array<i32>} : memref<8192xf32, #tpu.memory_space<vmem>>, vector<16xf32>,
        %get3A_255 = vector.shape_cast %get3A_254 : vector<16xf32> to vector<16xf32>
        %mul3A_256 = arith.mulf %get3A_248, %get3A_255 : vector<16xf32>
        %mul3A_257 = arith.constant 128 : i32
        %mul3A_258 = arith.muli %scan3A_146, %mul3A_257 : i32
        %add3A_259 = arith.constant 64 : i32
        %add3A_260 = arith.addi %mul3A_258, %add3A_259 : i32
        %swap3A_261 = arith.index_cast %add3A_260 : i32 to index
        %swap3A_262 = tpu.vector_load %arg10[%swap3A_261] {strides = array<i32>} : memref<1024xf32, #tpu.memory_space<vmem>>, vector<16xf32>,
        %swap3A_263 = vector.shape_cast %swap3A_262 : vector<16xf32> to vector<16xf32>
        %swap3A_264 = vector.shape_cast %mul3A_256 : vector<16xf32> to vector<16xf32>
        tpu.vector_store %arg10[%swap3A_261], %swap3A_264 {strides = array<i32>} : memref<1024xf32, #tpu.memory_space<vmem>>, vector<16xf32>,
        %mul3A_265 = arith.constant 128 : i32
        %mul3A_266 = arith.muli %scan3A_146, %mul3A_265 : i32
        %add3A_267 = arith.constant 80 : i32
        %add3A_268 = arith.addi %mul3A_266, %add3A_267 : i32
        %get3A_269 = arith.index_cast %add3A_268 : i32 to index
        %get3A_270 = tpu.vector_load %arg9[%get3A_269] {strides = array<i32>} : memref<1024xf32, #tpu.memory_space<vmem>>, vector<16xf32>,
        %get3A_271 = vector.shape_cast %get3A_270 : vector<16xf32> to vector<16xf32>
        %mul3A_272 = arith.constant 128 : i32
        %mul3A_273 = arith.muli %squeeze3A, %mul3A_272 : i32
        %add3A_274 = arith.constant 80 : i32
        %add3A_275 = arith.addi %mul3A_273, %add3A_274 : i32
        %get3A_276 = arith.index_cast %add3A_275 : i32 to index
        %get3A_277 = tpu.vector_load %arg11[%get3A_276] {strides = array<i32>} : memref<8192xf32, #tpu.memory_space<vmem>>, vector<16xf32>,
        %get3A_278 = vector.shape_cast %get3A_277 : vector<16xf32> to vector<16xf32>
        %mul3A_279 = arith.mulf %get3A_271, %get3A_278 : vector<16xf32>
        %mul3A_280 = arith.constant 128 : i32
        %mul3A_281 = arith.muli %scan3A_146, %mul3A_280 : i32
        %add3A_282 = arith.constant 80 : i32
        %add3A_283 = arith.addi %mul3A_281, %add3A_282 : i32
        %swap3A_284 = arith.index_cast %add3A_283 : i32 to index
        %swap3A_285 = tpu.vector_load %arg10[%swap3A_284] {strides = array<i32>} : memref<1024xf32, #tpu.memory_space<vmem>>, vector<16xf32>,
        %swap3A_286 = vector.shape_cast %swap3A_285 : vector<16xf32> to vector<16xf32>
        %swap3A_287 = vector.shape_cast %mul3A_279 : vector<16xf32> to vector<16xf32>
        tpu.vector_store %arg10[%swap3A_284], %swap3A_287 {strides = array<i32>} : memref<1024xf32, #tpu.memory_space<vmem>>, vector<16xf32>,
        %mul3A_288 = arith.constant 128 : i32
        %mul3A_289 = arith.muli %scan3A_146, %mul3A_288 : i32
        %add3A_290 = arith.constant 96 : i32
        %add3A_291 = arith.addi %mul3A_289, %add3A_290 : i32
        %get3A_292 = arith.index_cast %add3A_291 : i32 to index
        %get3A_293 = tpu.vector_load %arg9[%get3A_292] {strides = array<i32>} : memref<1024xf32, #tpu.memory_space<vmem>>, vector<16xf32>,
        %get3A_294 = vector.shape_cast %get3A_293 : vector<16xf32> to vector<16xf32>
        %mul3A_295 = arith.constant 128 : i32
        %mul3A_296 = arith.muli %squeeze3A, %mul3A_295 : i32
        %add3A_297 = arith.constant 96 : i32
        %add3A_298 = arith.addi %mul3A_296, %add3A_297 : i32
        %get3A_299 = arith.index_cast %add3A_298 : i32 to index
        %get3A_300 = tpu.vector_load %arg11[%get3A_299] {strides = array<i32>} : memref<8192xf32, #tpu.memory_space<vmem>>, vector<16xf32>,
        %get3A_301 = vector.shape_cast %get3A_300 : vector<16xf32> to vector<16xf32>
        %mul3A_302 = arith.mulf %get3A_294, %get3A_301 : vector<16xf32>
        %mul3A_303 = arith.constant 128 : i32
        %mul3A_304 = arith.muli %scan3A_146, %mul3A_303 : i32
        %add3A_305 = arith.constant 96 : i32
        %add3A_306 = arith.addi %mul3A_304, %add3A_305 : i32
        %swap3A_307 = arith.index_cast %add3A_306 : i32 to index
        %swap3A_308 = tpu.vector_load %arg10[%swap3A_307] {strides = array<i32>} : memref<1024xf32, #tpu.memory_space<vmem>>, vector<16xf32>,
        %swap3A_309 = vector.shape_cast %swap3A_308 : vector<16xf32> to vector<16xf32>
        %swap3A_310 = vector.shape_cast %mul3A_302 : vector<16xf32> to vector<16xf32>
        tpu.vector_store %arg10[%swap3A_307], %swap3A_310 {strides = array<i32>} : memref<1024xf32, #tpu.memory_space<vmem>>, vector<16xf32>,
        %mul3A_311 = arith.constant 128 : i32
        %mul3A_312 = arith.muli %scan3A_146, %mul3A_311 : i32
        %add3A_313 = arith.constant 112 : i32
        %add3A_314 = arith.addi %mul3A_312, %add3A_313 : i32
        %get3A_315 = arith.index_cast %add3A_314 : i32 to index
        %get3A_316 = tpu.vector_load %arg9[%get3A_315] {strides = array<i32>} : memref<1024xf32, #tpu.memory_space<vmem>>, vector<16xf32>,
        %get3A_317 = vector.shape_cast %get3A_316 : vector<16xf32> to vector<16xf32>
        %mul3A_318 = arith.constant 128 : i32
        %mul3A_319 = arith.muli %squeeze3A, %mul3A_318 : i32
        %add3A_320 = arith.constant 112 : i32
        %add3A_321 = arith.addi %mul3A_319, %add3A_320 : i32
        %get3A_322 = arith.index_cast %add3A_321 : i32 to index
        %get3A_323 = tpu.vector_load %arg11[%get3A_322] {strides = array<i32>} : memref<8192xf32, #tpu.memory_space<vmem>>, vector<16xf32>,
        %get3A_324 = vector.shape_cast %get3A_323 : vector<16xf32> to vector<16xf32>
        %mul3A_325 = arith.mulf %get3A_317, %get3A_324 : vector<16xf32>
        %mul3A_326 = arith.constant 128 : i32
        %mul3A_327 = arith.muli %scan3A_146, %mul3A_326 : i32
        %add3A_328 = arith.constant 112 : i32
        %add3A_329 = arith.addi %mul3A_327, %add3A_328 : i32
        %swap3A_330 = arith.index_cast %add3A_329 : i32 to index
        %swap3A_331 = tpu.vector_load %arg10[%swap3A_330] {strides = array<i32>} : memref<1024xf32, #tpu.memory_space<vmem>>, vector<16xf32>,
        %swap3A_332 = vector.shape_cast %swap3A_331 : vector<16xf32> to vector<16xf32>
        %swap3A_333 = vector.shape_cast %mul3A_325 : vector<16xf32> to vector<16xf32>
        tpu.vector_store %arg10[%swap3A_330], %swap3A_333 {strides = array<i32>} : memref<1024xf32, #tpu.memory_space<vmem>>, vector<16xf32>,
        %scan3A_334 = arith.constant 0 : i32
        scf.yield %scan3A_334 : i32
      }
      %scan3A_141 = arith.constant 8 : i32
      %add3A_142 = arith.addi %mul3A_20, %add3A_132 : i32
      %mul3A_143 = arith.constant 128 : i32
      %mul3A_144 = arith.muli %add3A_142, %mul3A_143 : i32
      "tpu.region"() ({
        %run_scoped3A = tpu.sem_alloc : memref<!tpu.dma_semaphore, #tpu.memory_space<semaphore_mem>>
        %dma_start3A = tpu.memref_slice %arg5[%mul3A_144] : memref<12800000xf32, #tpu.memory_space<hbm>> -> memref<1024xf32, #tpu.memory_space<hbm>>
        %dma_start3A_146 = tpu.memref_slice %arg5[%mul3A_144] : memref<12800000xf32, #tpu.memory_space<hbm>> -> memref<1024xf32, #tpu.memory_space<hbm>>
        tpu.enqueue_dma source(%arg10 : memref<1024xf32, #tpu.memory_space<vmem>>) target(%dma_start3A_146 : memref<1024xf32, #tpu.memory_space<hbm>>) target_semaphore(%run_scoped3A : memref<!tpu.dma_semaphore, #tpu.memory_space<semaphore_mem>>)
        %dma_wait3A = tpu.memref_slice %arg5[%mul3A_144] : memref<12800000xf32, #tpu.memory_space<hbm>> -> memref<1024xf32, #tpu.memory_space<hbm>>
        %dma_wait3A_147 = tpu.memref_slice %arg5[%mul3A_144] : memref<12800000xf32, #tpu.memory_space<hbm>> -> memref<1024xf32, #tpu.memory_space<hbm>>
        tpu.wait_dma2 semaphore(%run_scoped3A : memref<!tpu.dma_semaphore, #tpu.memory_space<semaphore_mem>>) src(%arg10 : memref<1024xf32, #tpu.memory_space<vmem>>) dst(%dma_wait3A_147 : memref<1024xf32, #tpu.memory_space<hbm>>)
        tpu.yield
      }) : () -> ()
      %while3A_145 = arith.constant 0 : i32
      scf.yield %while3A_145 : i32
    }
    return
  }
}

#map = affine_map<(d0, d1) -> (0)>
module attributes {stable_mosaic.version = 14 : i64} {
  func.func @_segment_reduce(%arg0: i32, %arg1: i32, %arg2: memref<12800000xf32, #tpu.memory_space<hbm>>, %arg3: memref<100000xi32, #tpu.memory_space<hbm>>, %arg4: memref<262144xf32, #tpu.memory_space<hbm>>, %arg5: memref<262144xf32, #tpu.memory_space<hbm>>, %arg6: memref<32768xf32, #tpu.memory_space<hbm>>, %arg7: memref<3144xi32, #tpu.memory_space<vmem>>, %arg8: memref<16384xf32, #tpu.memory_space<vmem>>, %arg9: memref<1024xf32, #tpu.memory_space<vmem>>, %arg10: memref<8192xf32, #tpu.memory_space<vmem>>, %arg11: memref<8192xf32, #tpu.memory_space<vmem>>, %arg12: memref<1024xf32, #tpu.memory_space<vmem>>) attributes {dimension_semantics = [#tpu.dimension_semantics<core_parallel>, #tpu.dimension_semantics<subcore_parallel>], iteration_bounds = array<i64: 2, 16>, scalar_prefetch = 0 : i64, scratch_operands = 6 : i64, tpu.core_type = #tpu.core_type<sc_vector_subcore>, window_params = [{transform_indices = #map}, {transform_indices = #map}, {transform_indices = #map}, {transform_indices = #map}, {transform_indices = #map}]} {
    %mul3A = arith.constant 2 : i32
    %mul3A_0 = arith.muli %arg1, %mul3A : i32
    %add3A = arith.addi %mul3A_0, %arg0 : i32
    %mul3A_1 = arith.constant 12500 : i32
    %mul3A_2 = arith.muli %add3A, %mul3A_1 : i32
    %jit3A = arith.constant 32 : i32
    %div3A = arith.divsi %mul3A_2, %jit3A : i32
    %sign3A = arith.constant 0 : i32
    %sign3A_3 = arith.cmpi sgt, %mul3A_2, %sign3A : i32
    %sign3A_4 = arith.extui %sign3A_3 : i1 to i32
    %sign3A_5 = arith.constant 0 : i32
    %sign3A_6 = arith.cmpi slt, %mul3A_2, %sign3A_5 : i32
    %sign3A_7 = arith.extui %sign3A_6 : i1 to i32
    %sign3A_8 = arith.subi %sign3A_4, %sign3A_7 : i32
    %sign3A_9 = arith.constant 0 : i32
    %sign3A_10 = arith.cmpi sgt, %jit3A, %sign3A_9 : i32
    %sign3A_11 = arith.extui %sign3A_10 : i1 to i32
    %sign3A_12 = arith.constant 0 : i32
    %sign3A_13 = arith.cmpi slt, %jit3A, %sign3A_12 : i32
    %sign3A_14 = arith.extui %sign3A_13 : i1 to i32
    %sign3A_15 = arith.subi %sign3A_11, %sign3A_14 : i32
    %ne3A = arith.cmpi ne, %sign3A_8, %sign3A_15 : i32
    %rem3A = arith.remsi %mul3A_2, %jit3A : i32
    %ne3A_16 = arith.constant 0 : i32
    %ne3A_17 = arith.cmpi ne, %rem3A, %ne3A_16 : i32
    %and3A = arith.andi %ne3A, %ne3A_17 : i1
    %sub3A = arith.constant 1 : i32
    %sub3A_18 = arith.subi %div3A, %sub3A : i32
    %select_n3A = arith.select %and3A, %sub3A_18, %div3A : i32
    %mul3A_19 = arith.constant 8 : i32
    %mul3A_20 = arith.muli %mul3A_19, %select_n3A : i32
    %add3A_21 = arith.constant 1 : i32
    %add3A_22 = arith.addi %add3A, %add3A_21 : i32
    %mul3A_23 = arith.constant 12500 : i32
    %mul3A_24 = arith.muli %add3A_22, %mul3A_23 : i32
    %jit3A_25 = arith.constant 32 : i32
    %div3A_26 = arith.divsi %mul3A_24, %jit3A_25 : i32
    %sign3A_27 = arith.constant 0 : i32
    %sign3A_28 = arith.cmpi sgt, %mul3A_24, %sign3A_27 : i32
    %sign3A_29 = arith.extui %sign3A_28 : i1 to i32
    %sign3A_30 = arith.constant 0 : i32
    %sign3A_31 = arith.cmpi slt, %mul3A_24, %sign3A_30 : i32
    %sign3A_32 = arith.extui %sign3A_31 : i1 to i32
    %sign3A_33 = arith.subi %sign3A_29, %sign3A_32 : i32
    %sign3A_34 = arith.constant 0 : i32
    %sign3A_35 = arith.cmpi sgt, %jit3A_25, %sign3A_34 : i32
    %sign3A_36 = arith.extui %sign3A_35 : i1 to i32
    %sign3A_37 = arith.constant 0 : i32
    %sign3A_38 = arith.cmpi slt, %jit3A_25, %sign3A_37 : i32
    %sign3A_39 = arith.extui %sign3A_38 : i1 to i32
    %sign3A_40 = arith.subi %sign3A_36, %sign3A_39 : i32
    %ne3A_41 = arith.cmpi ne, %sign3A_33, %sign3A_40 : i32
    %rem3A_42 = arith.remsi %mul3A_24, %jit3A_25 : i32
    %ne3A_43 = arith.constant 0 : i32
    %ne3A_44 = arith.cmpi ne, %rem3A_42, %ne3A_43 : i32
    %and3A_45 = arith.andi %ne3A_41, %ne3A_44 : i1
    %sub3A_46 = arith.constant 1 : i32
    %sub3A_47 = arith.subi %div3A_26, %sub3A_46 : i32
    %select_n3A_48 = arith.select %and3A_45, %sub3A_47, %div3A_26 : i32
    %mul3A_49 = arith.constant 8 : i32
    %mul3A_50 = arith.muli %mul3A_49, %select_n3A_48 : i32
    %sub3A_51 = arith.subi %mul3A_50, %mul3A_20 : i32
    "tpu.region"() ({
      %run_scoped3A = tpu.sem_alloc : memref<!tpu.dma_semaphore, #tpu.memory_space<semaphore_mem>>
      %dma_start3A = arith.constant 0 : i32
      %dma_start3A_317 = tpu.memref_slice %arg7[%dma_start3A] : memref<3144xi32, #tpu.memory_space<vmem>> -> memref<3128xi32, #tpu.memory_space<vmem>>
      %dma_start3A_318 = tpu.memref_slice %arg3[%mul3A_20] : memref<100000xi32, #tpu.memory_space<hbm>> -> memref<3128xi32, #tpu.memory_space<hbm>>
      %dma_start3A_319 = arith.constant 0 : i32
      %dma_start3A_320 = tpu.memref_slice %arg7[%dma_start3A_319] : memref<3144xi32, #tpu.memory_space<vmem>> -> memref<3128xi32, #tpu.memory_space<vmem>>
      %dma_start3A_321 = tpu.memref_slice %arg3[%mul3A_20] : memref<100000xi32, #tpu.memory_space<hbm>> -> memref<3128xi32, #tpu.memory_space<hbm>>
      tpu.enqueue_dma source(%dma_start3A_321 : memref<3128xi32, #tpu.memory_space<hbm>>) target(%dma_start3A_320 : memref<3128xi32, #tpu.memory_space<vmem>>) target_semaphore(%run_scoped3A : memref<!tpu.dma_semaphore, #tpu.memory_space<semaphore_mem>>)
      %dma_wait3A = arith.constant 0 : i32
      %dma_wait3A_322 = tpu.memref_slice %arg7[%dma_wait3A] : memref<3144xi32, #tpu.memory_space<vmem>> -> memref<3128xi32, #tpu.memory_space<vmem>>
      %dma_wait3A_323 = tpu.memref_slice %arg3[%mul3A_20] : memref<100000xi32, #tpu.memory_space<hbm>> -> memref<3128xi32, #tpu.memory_space<hbm>>
      %dma_wait3A_324 = arith.constant 0 : i32
      %dma_wait3A_325 = tpu.memref_slice %arg7[%dma_wait3A_324] : memref<3144xi32, #tpu.memory_space<vmem>> -> memref<3128xi32, #tpu.memory_space<vmem>>
      %dma_wait3A_326 = tpu.memref_slice %arg3[%mul3A_20] : memref<100000xi32, #tpu.memory_space<hbm>> -> memref<3128xi32, #tpu.memory_space<hbm>>
      tpu.wait_dma2 semaphore(%run_scoped3A : memref<!tpu.dma_semaphore, #tpu.memory_space<semaphore_mem>>) src(%dma_wait3A_326 : memref<3128xi32, #tpu.memory_space<hbm>>) dst(%dma_wait3A_325 : memref<3128xi32, #tpu.memory_space<vmem>>)
      tpu.yield
    }) : () -> ()
    %scan3A = arith.constant 0 : i32
    %scan3A_52 = arith.constant 0 : i32
    %scan3A_53 = arith.constant 512 : i32
    %scan3A_54 = arith.addi %scan3A_52, %scan3A_53 : i32
    %scan3A_55 = arith.constant 1 : i32
    %scan3A_56 = scf.for %scan3A_317 = %scan3A_52 to %scan3A_54 step %scan3A_55 iter_args(%scan3A_318 = %scan3A) -> (i32)  : i32 {
      %broadcast_in_dim3A_319 = arith.constant 0.000000e+00 : f32
      %broadcast_in_dim3A_320 = vector.broadcast %broadcast_in_dim3A_319 : f32 to vector<16xf32>
      %mul3A_321 = arith.constant 16 : i32
      %mul3A_322 = arith.muli %scan3A_317, %mul3A_321 : i32
      %swap3A_323 = arith.index_cast %mul3A_322 : i32 to index
      %swap3A_324 = tpu.vector_load %arg10[%swap3A_323] {strides = array<i32>} : memref<8192xf32, #tpu.memory_space<vmem>>, vector<16xf32>,
      %swap3A_325 = vector.shape_cast %swap3A_324 : vector<16xf32> to vector<16xf32>
      %swap3A_326 = vector.shape_cast %broadcast_in_dim3A_320 : vector<16xf32> to vector<16xf32>
      tpu.vector_store %arg10[%swap3A_323], %swap3A_326 {strides = array<i32>} : memref<8192xf32, #tpu.memory_space<vmem>>, vector<16xf32>,
      %broadcast_in_dim3A_327 = arith.constant 0xFF800000 : f32
      %broadcast_in_dim3A_328 = vector.broadcast %broadcast_in_dim3A_327 : f32 to vector<16xf32>
      %mul3A_329 = arith.constant 16 : i32
      %mul3A_330 = arith.muli %scan3A_317, %mul3A_329 : i32
      %swap3A_331 = arith.index_cast %mul3A_330 : i32 to index
      %swap3A_332 = tpu.vector_load %arg11[%swap3A_331] {strides = array<i32>} : memref<8192xf32, #tpu.memory_space<vmem>>, vector<16xf32>,
      %swap3A_333 = vector.shape_cast %swap3A_332 : vector<16xf32> to vector<16xf32>
      %swap3A_334 = vector.shape_cast %broadcast_in_dim3A_328 : vector<16xf32> to vector<16xf32>
      tpu.vector_store %arg11[%swap3A_331], %swap3A_334 {strides = array<i32>} : memref<8192xf32, #tpu.memory_space<vmem>>, vector<16xf32>,
      %scan3A_335 = arith.constant 0 : i32
      scf.yield %scan3A_335 : i32
    }
    %scan3A_57 = arith.constant 512 : i32
    %scan3A_58 = arith.constant 0 : i32
    %scan3A_59 = arith.constant 0 : i32
    %scan3A_60 = arith.constant 64 : i32
    %scan3A_61 = arith.addi %scan3A_59, %scan3A_60 : i32
    %scan3A_62 = arith.constant 1 : i32
    %scan3A_63 = scf.for %scan3A_317 = %scan3A_59 to %scan3A_61 step %scan3A_62 iter_args(%scan3A_318 = %scan3A_58) -> (i32)  : i32 {
      %broadcast_in_dim3A_319 = arith.constant 0.000000e+00 : f32
      %broadcast_in_dim3A_320 = vector.broadcast %broadcast_in_dim3A_319 : f32 to vector<16xf32>
      %mul3A_321 = arith.constant 16 : i32
      %mul3A_322 = arith.muli %scan3A_317, %mul3A_321 : i32
      %swap3A_323 = arith.index_cast %mul3A_322 : i32 to index
      %swap3A_324 = tpu.vector_load %arg12[%swap3A_323] {strides = array<i32>} : memref<1024xf32, #tpu.memory_space<vmem>>, vector<16xf32>,
      %swap3A_325 = vector.shape_cast %swap3A_324 : vector<16xf32> to vector<16xf32>
      %swap3A_326 = vector.shape_cast %broadcast_in_dim3A_320 : vector<16xf32> to vector<16xf32>
      tpu.vector_store %arg12[%swap3A_323], %swap3A_326 {strides = array<i32>} : memref<1024xf32, #tpu.memory_space<vmem>>, vector<16xf32>,
      %scan3A_327 = arith.constant 0 : i32
      scf.yield %scan3A_327 : i32
    }
    %scan3A_64 = arith.constant 64 : i32
    %get3A = arith.constant 0 : index
    %get3A_65 = tpu.vector_load %arg7[%get3A] {strides = array<i32>} : memref<3144xi32, #tpu.memory_space<vmem>>, vector<16xi32>,
    %get3A_66 = vector.shape_cast %get3A_65 : vector<16xi32> to vector<16xi32>
    %slice3A = vector.extract_strided_slice %get3A_66 {offsets = [0], sizes = [1], strides = [1]} : vector<16xi32> to vector<1xi32>
    %squeeze3A = vector.extract %slice3A[0] : i32 from vector<1xi32>
    %broadcast_in_dim3A = arith.constant 0.000000e+00 : f32
    %broadcast_in_dim3A_67 = vector.broadcast %broadcast_in_dim3A : f32 to vector<16xf32>
    %broadcast_in_dim3A_68 = arith.constant 0.000000e+00 : f32
    %broadcast_in_dim3A_69 = vector.broadcast %broadcast_in_dim3A_68 : f32 to vector<16xf32>
    %broadcast_in_dim3A_70 = arith.constant 0.000000e+00 : f32
    %broadcast_in_dim3A_71 = vector.broadcast %broadcast_in_dim3A_70 : f32 to vector<16xf32>
    %broadcast_in_dim3A_72 = arith.constant 0.000000e+00 : f32
    %broadcast_in_dim3A_73 = vector.broadcast %broadcast_in_dim3A_72 : f32 to vector<16xf32>
    %broadcast_in_dim3A_74 = arith.constant 0.000000e+00 : f32
    %broadcast_in_dim3A_75 = vector.broadcast %broadcast_in_dim3A_74 : f32 to vector<16xf32>
    %broadcast_in_dim3A_76 = arith.constant 0.000000e+00 : f32
    %broadcast_in_dim3A_77 = vector.broadcast %broadcast_in_dim3A_76 : f32 to vector<16xf32>
    %broadcast_in_dim3A_78 = arith.constant 0.000000e+00 : f32
    %broadcast_in_dim3A_79 = vector.broadcast %broadcast_in_dim3A_78 : f32 to vector<16xf32>
    %broadcast_in_dim3A_80 = arith.constant 0.000000e+00 : f32
    %broadcast_in_dim3A_81 = vector.broadcast %broadcast_in_dim3A_80 : f32 to vector<16xf32>
    %broadcast_in_dim3A_82 = arith.constant 0xFF800000 : f32
    %broadcast_in_dim3A_83 = vector.broadcast %broadcast_in_dim3A_82 : f32 to vector<16xf32>
    %broadcast_in_dim3A_84 = arith.constant 0xFF800000 : f32
    %broadcast_in_dim3A_85 = vector.broadcast %broadcast_in_dim3A_84 : f32 to vector<16xf32>
    %broadcast_in_dim3A_86 = arith.constant 0xFF800000 : f32
    %broadcast_in_dim3A_87 = vector.broadcast %broadcast_in_dim3A_86 : f32 to vector<16xf32>
    %broadcast_in_dim3A_88 = arith.constant 0xFF800000 : f32
    %broadcast_in_dim3A_89 = vector.broadcast %broadcast_in_dim3A_88 : f32 to vector<16xf32>
    %broadcast_in_dim3A_90 = arith.constant 0xFF800000 : f32
    %broadcast_in_dim3A_91 = vector.broadcast %broadcast_in_dim3A_90 : f32 to vector<16xf32>
    %broadcast_in_dim3A_92 = arith.constant 0xFF800000 : f32
    %broadcast_in_dim3A_93 = vector.broadcast %broadcast_in_dim3A_92 : f32 to vector<16xf32>
    %broadcast_in_dim3A_94 = arith.constant 0xFF800000 : f32
    %broadcast_in_dim3A_95 = vector.broadcast %broadcast_in_dim3A_94 : f32 to vector<16xf32>
    %broadcast_in_dim3A_96 = arith.constant 0xFF800000 : f32
    %broadcast_in_dim3A_97 = vector.broadcast %broadcast_in_dim3A_96 : f32 to vector<16xf32>
    %jit3A_98 = arith.constant 128 : i32
    %div3A_99 = arith.divsi %sub3A_51, %jit3A_98 : i32
    %sign3A_100 = arith.constant 0 : i32
    %sign3A_101 = arith.cmpi sgt, %sub3A_51, %sign3A_100 : i32
    %sign3A_102 = arith.extui %sign3A_101 : i1 to i32
    %sign3A_103 = arith.constant 0 : i32
    %sign3A_104 = arith.cmpi slt, %sub3A_51, %sign3A_103 : i32
    %sign3A_105 = arith.extui %sign3A_104 : i1 to i32
    %sign3A_106 = arith.subi %sign3A_102, %sign3A_105 : i32
    %sign3A_107 = arith.constant 0 : i32
    %sign3A_108 = arith.cmpi sgt, %jit3A_98, %sign3A_107 : i32
    %sign3A_109 = arith.extui %sign3A_108 : i1 to i32
    %sign3A_110 = arith.constant 0 : i32
    %sign3A_111 = arith.cmpi slt, %jit3A_98, %sign3A_110 : i32
    %sign3A_112 = arith.extui %sign3A_111 : i1 to i32
    %sign3A_113 = arith.subi %sign3A_109, %sign3A_112 : i32
    %ne3A_114 = arith.cmpi ne, %sign3A_106, %sign3A_113 : i32
    %rem3A_115 = arith.remsi %sub3A_51, %jit3A_98 : i32
    %ne3A_116 = arith.constant 0 : i32
    %ne3A_117 = arith.cmpi ne, %rem3A_115, %ne3A_116 : i32
    %and3A_118 = arith.andi %ne3A_114, %ne3A_117 : i1
    %sub3A_119 = arith.constant 1 : i32
    %sub3A_120 = arith.subi %div3A_99, %sub3A_119 : i32
    %select_n3A_121 = arith.select %and3A_118, %sub3A_120, %div3A_99 : i32
    %while3A = arith.constant 0 : i32
    %while3A_122 = arith.constant 0.000000e+00 : f32
    %while3A_123 = arith.subi %select_n3A_121, %while3A : i32
    %while3A_124 = arith.addi %while3A, %while3A_123 : i32
    %while3A_125 = arith.constant 1 : i32
    %while3A_126 = arith.divsi %while3A_123, %while3A_125 : i32
    %while3A_127 = arith.muli %while3A_126, %while3A_125 : i32
    %while3A_128 = arith.addi %while3A, %while3A_127 : i32
    %while3A_129 = arith.constant 1 : i32
    %while3A_130:18 = scf.for %while3A_317 = %while3A to %while3A_128 step %while3A_129 iter_args(%while3A_318 = %squeeze3A, %while3A_319 = %while3A_122, %while3A_320 = %broadcast_in_dim3A_67, %while3A_321 = %broadcast_in_dim3A_69, %while3A_322 = %broadcast_in_dim3A_71, %while3A_323 = %broadcast_in_dim3A_73, %while3A_324 = %broadcast_in_dim3A_75, %while3A_325 = %broadcast_in_dim3A_77, %while3A_326 = %broadcast_in_dim3A_79, %while3A_327 = %broadcast_in_dim3A_81, %while3A_328 = %broadcast_in_dim3A_83, %while3A_329 = %broadcast_in_dim3A_85, %while3A_330 = %broadcast_in_dim3A_87, %while3A_331 = %broadcast_in_dim3A_89, %while3A_332 = %broadcast_in_dim3A_91, %while3A_333 = %broadcast_in_dim3A_93, %while3A_334 = %broadcast_in_dim3A_95, %while3A_335 = %broadcast_in_dim3A_97) -> (i32, f32, vector<16xf32>, vector<16xf32>, vector<16xf32>, vector<16xf32>, vector<16xf32>, vector<16xf32>, vector<16xf32>, vector<16xf32>, vector<16xf32>, vector<16xf32>, vector<16xf32>, vector<16xf32>, vector<16xf32>, vector<16xf32>, vector<16xf32>, vector<16xf32>)  : i32 {
      %mul3A_336 = arith.constant 128 : i32
      %mul3A_337 = arith.muli %while3A_317, %mul3A_336 : i32
      %add3A_338 = arith.addi %mul3A_20, %mul3A_337 : i32
      %mul3A_339 = arith.constant 128 : i32
      %mul3A_340 = arith.muli %add3A_338, %mul3A_339 : i32
      "tpu.region"() ({
        %run_scoped3A = tpu.sem_alloc : memref<!tpu.dma_semaphore, #tpu.memory_space<semaphore_mem>>
        %dma_start3A = tpu.memref_slice %arg2[%mul3A_340] : memref<12800000xf32, #tpu.memory_space<hbm>> -> memref<16384xf32, #tpu.memory_space<hbm>>
        %dma_start3A_347 = tpu.memref_slice %arg2[%mul3A_340] : memref<12800000xf32, #tpu.memory_space<hbm>> -> memref<16384xf32, #tpu.memory_space<hbm>>
        tpu.enqueue_dma source(%dma_start3A_347 : memref<16384xf32, #tpu.memory_space<hbm>>) target(%arg8 : memref<16384xf32, #tpu.memory_space<vmem>>) target_semaphore(%run_scoped3A : memref<!tpu.dma_semaphore, #tpu.memory_space<semaphore_mem>>)
        %dma_wait3A = tpu.memref_slice %arg2[%mul3A_340] : memref<12800000xf32, #tpu.memory_space<hbm>> -> memref<16384xf32, #tpu.memory_space<hbm>>
        %dma_wait3A_348 = tpu.memref_slice %arg2[%mul3A_340] : memref<12800000xf32, #tpu.memory_space<hbm>> -> memref<16384xf32, #tpu.memory_space<hbm>>
        tpu.wait_dma2 semaphore(%run_scoped3A : memref<!tpu.dma_semaphore, #tpu.memory_space<semaphore_mem>>) src(%dma_wait3A_348 : memref<16384xf32, #tpu.memory_space<hbm>>) dst(%arg8 : memref<16384xf32, #tpu.memory_space<vmem>>)
        tpu.yield
      }) : () -> ()
      %scan3A_341 = arith.constant 0 : i32
      %scan3A_342 = arith.constant 128 : i32
      %scan3A_343 = arith.addi %scan3A_341, %scan3A_342 : i32
      %scan3A_344 = arith.constant 1 : i32
      %scan3A_345:18 = scf.for %scan3A_347 = %scan3A_341 to %scan3A_343 step %scan3A_344 iter_args(%scan3A_348 = %while3A_318, %scan3A_349 = %while3A_319, %scan3A_350 = %while3A_320, %scan3A_351 = %while3A_321, %scan3A_352 = %while3A_322, %scan3A_353 = %while3A_323, %scan3A_354 = %while3A_324, %scan3A_355 = %while3A_325, %scan3A_356 = %while3A_326, %scan3A_357 = %while3A_327, %scan3A_358 = %while3A_328, %scan3A_359 = %while3A_329, %scan3A_360 = %while3A_330, %scan3A_361 = %while3A_331, %scan3A_362 = %while3A_332, %scan3A_363 = %while3A_333, %scan3A_364 = %while3A_334, %scan3A_365 = %while3A_335) -> (i32, f32, vector<16xf32>, vector<16xf32>, vector<16xf32>, vector<16xf32>, vector<16xf32>, vector<16xf32>, vector<16xf32>, vector<16xf32>, vector<16xf32>, vector<16xf32>, vector<16xf32>, vector<16xf32>, vector<16xf32>, vector<16xf32>, vector<16xf32>, vector<16xf32>)  : i32 {
        %mul3A_366 = arith.constant 128 : i32
        %mul3A_367 = arith.muli %while3A_317, %mul3A_366 : i32
        %add3A_368 = arith.addi %mul3A_367, %scan3A_347 : i32
        %get3A_369 = arith.index_cast %add3A_368 : i32 to index
        %get3A_370 = tpu.vector_load %arg7[%get3A_369] {strides = array<i32>} : memref<3144xi32, #tpu.memory_space<vmem>>, vector<16xi32>,
        %get3A_371 = vector.shape_cast %get3A_370 : vector<16xi32> to vector<16xi32>
        %slice3A_372 = vector.extract_strided_slice %get3A_371 {offsets = [0], sizes = [1], strides = [1]} : vector<16xi32> to vector<1xi32>
        %squeeze3A_373 = vector.extract %slice3A_372[0] : i32 from vector<1xi32>
        %ne3A_374 = arith.cmpi ne, %squeeze3A_373, %scan3A_348 : i32
        %convert_element_type3A = arith.extui %ne3A_374 : i1 to i32
        %cond3A = arith.constant 0 : i32
        %cond3A_375 = arith.cmpi ne, %convert_element_type3A, %cond3A : i32
        scf.if %cond3A_375 {
          %mul3A_499 = arith.constant 128 : i32
          %mul3A_500 = arith.muli %scan3A_348, %mul3A_499 : i32
          %add3A_501 = arith.constant 0 : i32
          %add3A_502 = arith.addi %mul3A_500, %add3A_501 : i32
          %swap3A_503 = arith.index_cast %add3A_502 : i32 to index
          %swap3A_504 = tpu.vector_load %arg10[%swap3A_503] {strides = array<i32>} : memref<8192xf32, #tpu.memory_space<vmem>>, vector<16xf32>,
          %swap3A_505 = vector.shape_cast %swap3A_504 : vector<16xf32> to vector<16xf32>
          %swap3A_506 = vector.shape_cast %scan3A_350 : vector<16xf32> to vector<16xf32>
          tpu.vector_store %arg10[%swap3A_503], %swap3A_506 {strides = array<i32>} : memref<8192xf32, #tpu.memory_space<vmem>>, vector<16xf32>,
          %mul3A_507 = arith.constant 128 : i32
          %mul3A_508 = arith.muli %scan3A_348, %mul3A_507 : i32
          %add3A_509 = arith.constant 0 : i32
          %add3A_510 = arith.addi %mul3A_508, %add3A_509 : i32
          %swap3A_511 = arith.index_cast %add3A_510 : i32 to index
          %swap3A_512 = tpu.vector_load %arg11[%swap3A_511] {strides = array<i32>} : memref<8192xf32, #tpu.memory_space<vmem>>, vector<16xf32>,
          %swap3A_513 = vector.shape_cast %swap3A_512 : vector<16xf32> to vector<16xf32>
          %swap3A_514 = vector.shape_cast %scan3A_358 : vector<16xf32> to vector<16xf32>
          tpu.vector_store %arg11[%swap3A_511], %swap3A_514 {strides = array<i32>} : memref<8192xf32, #tpu.memory_space<vmem>>, vector<16xf32>,
          %mul3A_515 = arith.constant 128 : i32
          %mul3A_516 = arith.muli %scan3A_348, %mul3A_515 : i32
          %add3A_517 = arith.constant 16 : i32
          %add3A_518 = arith.addi %mul3A_516, %add3A_517 : i32
          %swap3A_519 = arith.index_cast %add3A_518 : i32 to index
          %swap3A_520 = tpu.vector_load %arg10[%swap3A_519] {strides = array<i32>} : memref<8192xf32, #tpu.memory_space<vmem>>, vector<16xf32>,
          %swap3A_521 = vector.shape_cast %swap3A_520 : vector<16xf32> to vector<16xf32>
          %swap3A_522 = vector.shape_cast %scan3A_351 : vector<16xf32> to vector<16xf32>
          tpu.vector_store %arg10[%swap3A_519], %swap3A_522 {strides = array<i32>} : memref<8192xf32, #tpu.memory_space<vmem>>, vector<16xf32>,
          %mul3A_523 = arith.constant 128 : i32
          %mul3A_524 = arith.muli %scan3A_348, %mul3A_523 : i32
          %add3A_525 = arith.constant 16 : i32
          %add3A_526 = arith.addi %mul3A_524, %add3A_525 : i32
          %swap3A_527 = arith.index_cast %add3A_526 : i32 to index
          %swap3A_528 = tpu.vector_load %arg11[%swap3A_527] {strides = array<i32>} : memref<8192xf32, #tpu.memory_space<vmem>>, vector<16xf32>,
          %swap3A_529 = vector.shape_cast %swap3A_528 : vector<16xf32> to vector<16xf32>
          %swap3A_530 = vector.shape_cast %scan3A_359 : vector<16xf32> to vector<16xf32>
          tpu.vector_store %arg11[%swap3A_527], %swap3A_530 {strides = array<i32>} : memref<8192xf32, #tpu.memory_space<vmem>>, vector<16xf32>,
          %mul3A_531 = arith.constant 128 : i32
          %mul3A_532 = arith.muli %scan3A_348, %mul3A_531 : i32
          %add3A_533 = arith.constant 32 : i32
          %add3A_534 = arith.addi %mul3A_532, %add3A_533 : i32
          %swap3A_535 = arith.index_cast %add3A_534 : i32 to index
          %swap3A_536 = tpu.vector_load %arg10[%swap3A_535] {strides = array<i32>} : memref<8192xf32, #tpu.memory_space<vmem>>, vector<16xf32>,
          %swap3A_537 = vector.shape_cast %swap3A_536 : vector<16xf32> to vector<16xf32>
          %swap3A_538 = vector.shape_cast %scan3A_352 : vector<16xf32> to vector<16xf32>
          tpu.vector_store %arg10[%swap3A_535], %swap3A_538 {strides = array<i32>} : memref<8192xf32, #tpu.memory_space<vmem>>, vector<16xf32>,
          %mul3A_539 = arith.constant 128 : i32
          %mul3A_540 = arith.muli %scan3A_348, %mul3A_539 : i32
          %add3A_541 = arith.constant 32 : i32
          %add3A_542 = arith.addi %mul3A_540, %add3A_541 : i32
          %swap3A_543 = arith.index_cast %add3A_542 : i32 to index
          %swap3A_544 = tpu.vector_load %arg11[%swap3A_543] {strides = array<i32>} : memref<8192xf32, #tpu.memory_space<vmem>>, vector<16xf32>,
          %swap3A_545 = vector.shape_cast %swap3A_544 : vector<16xf32> to vector<16xf32>
          %swap3A_546 = vector.shape_cast %scan3A_360 : vector<16xf32> to vector<16xf32>
          tpu.vector_store %arg11[%swap3A_543], %swap3A_546 {strides = array<i32>} : memref<8192xf32, #tpu.memory_space<vmem>>, vector<16xf32>,
          %mul3A_547 = arith.constant 128 : i32
          %mul3A_548 = arith.muli %scan3A_348, %mul3A_547 : i32
          %add3A_549 = arith.constant 48 : i32
          %add3A_550 = arith.addi %mul3A_548, %add3A_549 : i32
          %swap3A_551 = arith.index_cast %add3A_550 : i32 to index
          %swap3A_552 = tpu.vector_load %arg10[%swap3A_551] {strides = array<i32>} : memref<8192xf32, #tpu.memory_space<vmem>>, vector<16xf32>,
          %swap3A_553 = vector.shape_cast %swap3A_552 : vector<16xf32> to vector<16xf32>
          %swap3A_554 = vector.shape_cast %scan3A_353 : vector<16xf32> to vector<16xf32>
          tpu.vector_store %arg10[%swap3A_551], %swap3A_554 {strides = array<i32>} : memref<8192xf32, #tpu.memory_space<vmem>>, vector<16xf32>,
          %mul3A_555 = arith.constant 128 : i32
          %mul3A_556 = arith.muli %scan3A_348, %mul3A_555 : i32
          %add3A_557 = arith.constant 48 : i32
          %add3A_558 = arith.addi %mul3A_556, %add3A_557 : i32
          %swap3A_559 = arith.index_cast %add3A_558 : i32 to index
          %swap3A_560 = tpu.vector_load %arg11[%swap3A_559] {strides = array<i32>} : memref<8192xf32, #tpu.memory_space<vmem>>, vector<16xf32>,
          %swap3A_561 = vector.shape_cast %swap3A_560 : vector<16xf32> to vector<16xf32>
          %swap3A_562 = vector.shape_cast %scan3A_361 : vector<16xf32> to vector<16xf32>
          tpu.vector_store %arg11[%swap3A_559], %swap3A_562 {strides = array<i32>} : memref<8192xf32, #tpu.memory_space<vmem>>, vector<16xf32>,
          %mul3A_563 = arith.constant 128 : i32
          %mul3A_564 = arith.muli %scan3A_348, %mul3A_563 : i32
          %add3A_565 = arith.constant 64 : i32
          %add3A_566 = arith.addi %mul3A_564, %add3A_565 : i32
          %swap3A_567 = arith.index_cast %add3A_566 : i32 to index
          %swap3A_568 = tpu.vector_load %arg10[%swap3A_567] {strides = array<i32>} : memref<8192xf32, #tpu.memory_space<vmem>>, vector<16xf32>,
          %swap3A_569 = vector.shape_cast %swap3A_568 : vector<16xf32> to vector<16xf32>
          %swap3A_570 = vector.shape_cast %scan3A_354 : vector<16xf32> to vector<16xf32>
          tpu.vector_store %arg10[%swap3A_567], %swap3A_570 {strides = array<i32>} : memref<8192xf32, #tpu.memory_space<vmem>>, vector<16xf32>,
          %mul3A_571 = arith.constant 128 : i32
          %mul3A_572 = arith.muli %scan3A_348, %mul3A_571 : i32
          %add3A_573 = arith.constant 64 : i32
          %add3A_574 = arith.addi %mul3A_572, %add3A_573 : i32
          %swap3A_575 = arith.index_cast %add3A_574 : i32 to index
          %swap3A_576 = tpu.vector_load %arg11[%swap3A_575] {strides = array<i32>} : memref<8192xf32, #tpu.memory_space<vmem>>, vector<16xf32>,
          %swap3A_577 = vector.shape_cast %swap3A_576 : vector<16xf32> to vector<16xf32>
          %swap3A_578 = vector.shape_cast %scan3A_362 : vector<16xf32> to vector<16xf32>
          tpu.vector_store %arg11[%swap3A_575], %swap3A_578 {strides = array<i32>} : memref<8192xf32, #tpu.memory_space<vmem>>, vector<16xf32>,
          %mul3A_579 = arith.constant 128 : i32
          %mul3A_580 = arith.muli %scan3A_348, %mul3A_579 : i32
          %add3A_581 = arith.constant 80 : i32
          %add3A_582 = arith.addi %mul3A_580, %add3A_581 : i32
          %swap3A_583 = arith.index_cast %add3A_582 : i32 to index
          %swap3A_584 = tpu.vector_load %arg10[%swap3A_583] {strides = array<i32>} : memref<8192xf32, #tpu.memory_space<vmem>>, vector<16xf32>,
          %swap3A_585 = vector.shape_cast %swap3A_584 : vector<16xf32> to vector<16xf32>
          %swap3A_586 = vector.shape_cast %scan3A_355 : vector<16xf32> to vector<16xf32>
          tpu.vector_store %arg10[%swap3A_583], %swap3A_586 {strides = array<i32>} : memref<8192xf32, #tpu.memory_space<vmem>>, vector<16xf32>,
          %mul3A_587 = arith.constant 128 : i32
          %mul3A_588 = arith.muli %scan3A_348, %mul3A_587 : i32
          %add3A_589 = arith.constant 80 : i32
          %add3A_590 = arith.addi %mul3A_588, %add3A_589 : i32
          %swap3A_591 = arith.index_cast %add3A_590 : i32 to index
          %swap3A_592 = tpu.vector_load %arg11[%swap3A_591] {strides = array<i32>} : memref<8192xf32, #tpu.memory_space<vmem>>, vector<16xf32>,
          %swap3A_593 = vector.shape_cast %swap3A_592 : vector<16xf32> to vector<16xf32>
          %swap3A_594 = vector.shape_cast %scan3A_363 : vector<16xf32> to vector<16xf32>
          tpu.vector_store %arg11[%swap3A_591], %swap3A_594 {strides = array<i32>} : memref<8192xf32, #tpu.memory_space<vmem>>, vector<16xf32>,
          %mul3A_595 = arith.constant 128 : i32
          %mul3A_596 = arith.muli %scan3A_348, %mul3A_595 : i32
          %add3A_597 = arith.constant 96 : i32
          %add3A_598 = arith.addi %mul3A_596, %add3A_597 : i32
          %swap3A_599 = arith.index_cast %add3A_598 : i32 to index
          %swap3A_600 = tpu.vector_load %arg10[%swap3A_599] {strides = array<i32>} : memref<8192xf32, #tpu.memory_space<vmem>>, vector<16xf32>,
          %swap3A_601 = vector.shape_cast %swap3A_600 : vector<16xf32> to vector<16xf32>
          %swap3A_602 = vector.shape_cast %scan3A_356 : vector<16xf32> to vector<16xf32>
          tpu.vector_store %arg10[%swap3A_599], %swap3A_602 {strides = array<i32>} : memref<8192xf32, #tpu.memory_space<vmem>>, vector<16xf32>,
          %mul3A_603 = arith.constant 128 : i32
          %mul3A_604 = arith.muli %scan3A_348, %mul3A_603 : i32
          %add3A_605 = arith.constant 96 : i32
          %add3A_606 = arith.addi %mul3A_604, %add3A_605 : i32
          %swap3A_607 = arith.index_cast %add3A_606 : i32 to index
          %swap3A_608 = tpu.vector_load %arg11[%swap3A_607] {strides = array<i32>} : memref<8192xf32, #tpu.memory_space<vmem>>, vector<16xf32>,
          %swap3A_609 = vector.shape_cast %swap3A_608 : vector<16xf32> to vector<16xf32>
          %swap3A_610 = vector.shape_cast %scan3A_364 : vector<16xf32> to vector<16xf32>
          tpu.vector_store %arg11[%swap3A_607], %swap3A_610 {strides = array<i32>} : memref<8192xf32, #tpu.memory_space<vmem>>, vector<16xf32>,
          %mul3A_611 = arith.constant 128 : i32
          %mul3A_612 = arith.muli %scan3A_348, %mul3A_611 : i32
          %add3A_613 = arith.constant 112 : i32
          %add3A_614 = arith.addi %mul3A_612, %add3A_613 : i32
          %swap3A_615 = arith.index_cast %add3A_614 : i32 to index
          %swap3A_616 = tpu.vector_load %arg10[%swap3A_615] {strides = array<i32>} : memref<8192xf32, #tpu.memory_space<vmem>>, vector<16xf32>,
          %swap3A_617 = vector.shape_cast %swap3A_616 : vector<16xf32> to vector<16xf32>
          %swap3A_618 = vector.shape_cast %scan3A_357 : vector<16xf32> to vector<16xf32>
          tpu.vector_store %arg10[%swap3A_615], %swap3A_618 {strides = array<i32>} : memref<8192xf32, #tpu.memory_space<vmem>>, vector<16xf32>,
          %mul3A_619 = arith.constant 128 : i32
          %mul3A_620 = arith.muli %scan3A_348, %mul3A_619 : i32
          %add3A_621 = arith.constant 112 : i32
          %add3A_622 = arith.addi %mul3A_620, %add3A_621 : i32
          %swap3A_623 = arith.index_cast %add3A_622 : i32 to index
          %swap3A_624 = tpu.vector_load %arg11[%swap3A_623] {strides = array<i32>} : memref<8192xf32, #tpu.memory_space<vmem>>, vector<16xf32>,
          %swap3A_625 = vector.shape_cast %swap3A_624 : vector<16xf32> to vector<16xf32>
          %swap3A_626 = vector.shape_cast %scan3A_365 : vector<16xf32> to vector<16xf32>
          tpu.vector_store %arg11[%swap3A_623], %swap3A_626 {strides = array<i32>} : memref<8192xf32, #tpu.memory_space<vmem>>, vector<16xf32>,
          %broadcast_in_dim3A_627 = vector.broadcast %scan3A_349 : f32 to vector<16xf32>
          %mul3A_628 = arith.constant 16 : i32
          %mul3A_629 = arith.muli %scan3A_348, %mul3A_628 : i32
          %swap3A_630 = arith.index_cast %mul3A_629 : i32 to index
          %swap3A_631 = tpu.vector_load %arg12[%swap3A_630] {strides = array<i32>} : memref<1024xf32, #tpu.memory_space<vmem>>, vector<16xf32>,
          %swap3A_632 = vector.shape_cast %swap3A_631 : vector<16xf32> to vector<16xf32>
          %swap3A_633 = vector.shape_cast %broadcast_in_dim3A_627 : vector<16xf32> to vector<16xf32>
          tpu.vector_store %arg12[%swap3A_630], %swap3A_633 {strides = array<i32>} : memref<1024xf32, #tpu.memory_space<vmem>>, vector<16xf32>,
        } else {
        }
        %jit3A_376 = arith.constant 0.000000e+00 : f32
        %select_n3A_377 = arith.select %ne3A_374, %jit3A_376, %scan3A_349 : f32
        %jit3A_378 = arith.constant 0.000000e+00 : f32
        %broadcast_in_dim3A_379 = vector.broadcast %jit3A_378 : f32 to vector<16xf32>
        %select_n3A_380 = arith.select %ne3A_374, %broadcast_in_dim3A_379, %scan3A_350 : vector<16xf32>
        %jit3A_381 = arith.constant 0.000000e+00 : f32
        %broadcast_in_dim3A_382 = vector.broadcast %jit3A_381 : f32 to vector<16xf32>
        %select_n3A_383 = arith.select %ne3A_374, %broadcast_in_dim3A_382, %scan3A_351 : vector<16xf32>
        %jit3A_384 = arith.constant 0.000000e+00 : f32
        %broadcast_in_dim3A_385 = vector.broadcast %jit3A_384 : f32 to vector<16xf32>
        %select_n3A_386 = arith.select %ne3A_374, %broadcast_in_dim3A_385, %scan3A_352 : vector<16xf32>
        %jit3A_387 = arith.constant 0.000000e+00 : f32
        %broadcast_in_dim3A_388 = vector.broadcast %jit3A_387 : f32 to vector<16xf32>
        %select_n3A_389 = arith.select %ne3A_374, %broadcast_in_dim3A_388, %scan3A_353 : vector<16xf32>
        %jit3A_390 = arith.constant 0.000000e+00 : f32
        %broadcast_in_dim3A_391 = vector.broadcast %jit3A_390 : f32 to vector<16xf32>
        %select_n3A_392 = arith.select %ne3A_374, %broadcast_in_dim3A_391, %scan3A_354 : vector<16xf32>
        %jit3A_393 = arith.constant 0.000000e+00 : f32
        %broadcast_in_dim3A_394 = vector.broadcast %jit3A_393 : f32 to vector<16xf32>
        %select_n3A_395 = arith.select %ne3A_374, %broadcast_in_dim3A_394, %scan3A_355 : vector<16xf32>
        %jit3A_396 = arith.constant 0.000000e+00 : f32
        %broadcast_in_dim3A_397 = vector.broadcast %jit3A_396 : f32 to vector<16xf32>
        %select_n3A_398 = arith.select %ne3A_374, %broadcast_in_dim3A_397, %scan3A_356 : vector<16xf32>
        %jit3A_399 = arith.constant 0.000000e+00 : f32
        %broadcast_in_dim3A_400 = vector.broadcast %jit3A_399 : f32 to vector<16xf32>
        %select_n3A_401 = arith.select %ne3A_374, %broadcast_in_dim3A_400, %scan3A_357 : vector<16xf32>
        %jit3A_402 = arith.constant 0xFF800000 : f32
        %broadcast_in_dim3A_403 = vector.broadcast %jit3A_402 : f32 to vector<16xf32>
        %select_n3A_404 = arith.select %ne3A_374, %broadcast_in_dim3A_403, %scan3A_358 : vector<16xf32>
        %jit3A_405 = arith.constant 0xFF800000 : f32
        %broadcast_in_dim3A_406 = vector.broadcast %jit3A_405 : f32 to vector<16xf32>
        %select_n3A_407 = arith.select %ne3A_374, %broadcast_in_dim3A_406, %scan3A_359 : vector<16xf32>
        %jit3A_408 = arith.constant 0xFF800000 : f32
        %broadcast_in_dim3A_409 = vector.broadcast %jit3A_408 : f32 to vector<16xf32>
        %select_n3A_410 = arith.select %ne3A_374, %broadcast_in_dim3A_409, %scan3A_360 : vector<16xf32>
        %jit3A_411 = arith.constant 0xFF800000 : f32
        %broadcast_in_dim3A_412 = vector.broadcast %jit3A_411 : f32 to vector<16xf32>
        %select_n3A_413 = arith.select %ne3A_374, %broadcast_in_dim3A_412, %scan3A_361 : vector<16xf32>
        %jit3A_414 = arith.constant 0xFF800000 : f32
        %broadcast_in_dim3A_415 = vector.broadcast %jit3A_414 : f32 to vector<16xf32>
        %select_n3A_416 = arith.select %ne3A_374, %broadcast_in_dim3A_415, %scan3A_362 : vector<16xf32>
        %jit3A_417 = arith.constant 0xFF800000 : f32
        %broadcast_in_dim3A_418 = vector.broadcast %jit3A_417 : f32 to vector<16xf32>
        %select_n3A_419 = arith.select %ne3A_374, %broadcast_in_dim3A_418, %scan3A_363 : vector<16xf32>
        %jit3A_420 = arith.constant 0xFF800000 : f32
        %broadcast_in_dim3A_421 = vector.broadcast %jit3A_420 : f32 to vector<16xf32>
        %select_n3A_422 = arith.select %ne3A_374, %broadcast_in_dim3A_421, %scan3A_364 : vector<16xf32>
        %jit3A_423 = arith.constant 0xFF800000 : f32
        %broadcast_in_dim3A_424 = vector.broadcast %jit3A_423 : f32 to vector<16xf32>
        %select_n3A_425 = arith.select %ne3A_374, %broadcast_in_dim3A_424, %scan3A_365 : vector<16xf32>
        %mul3A_426 = arith.constant 128 : i32
        %mul3A_427 = arith.muli %scan3A_347, %mul3A_426 : i32
        %add3A_428 = arith.constant 0 : i32
        %add3A_429 = arith.addi %mul3A_427, %add3A_428 : i32
        %get3A_430 = arith.index_cast %add3A_429 : i32 to index
        %get3A_431 = tpu.vector_load %arg8[%get3A_430] {strides = array<i32>} : memref<16384xf32, #tpu.memory_space<vmem>>, vector<16xf32>,
        %get3A_432 = vector.shape_cast %get3A_431 : vector<16xf32> to vector<16xf32>
        %mul3A_433 = arith.constant 128 : i32
        %mul3A_434 = arith.muli %scan3A_347, %mul3A_433 : i32
        %add3A_435 = arith.constant 16 : i32
        %add3A_436 = arith.addi %mul3A_434, %add3A_435 : i32
        %get3A_437 = arith.index_cast %add3A_436 : i32 to index
        %get3A_438 = tpu.vector_load %arg8[%get3A_437] {strides = array<i32>} : memref<16384xf32, #tpu.memory_space<vmem>>, vector<16xf32>,
        %get3A_439 = vector.shape_cast %get3A_438 : vector<16xf32> to vector<16xf32>
        %mul3A_440 = arith.constant 128 : i32
        %mul3A_441 = arith.muli %scan3A_347, %mul3A_440 : i32
        %add3A_442 = arith.constant 32 : i32
        %add3A_443 = arith.addi %mul3A_441, %add3A_442 : i32
        %get3A_444 = arith.index_cast %add3A_443 : i32 to index
        %get3A_445 = tpu.vector_load %arg8[%get3A_444] {strides = array<i32>} : memref<16384xf32, #tpu.memory_space<vmem>>, vector<16xf32>,
        %get3A_446 = vector.shape_cast %get3A_445 : vector<16xf32> to vector<16xf32>
        %mul3A_447 = arith.constant 128 : i32
        %mul3A_448 = arith.muli %scan3A_347, %mul3A_447 : i32
        %add3A_449 = arith.constant 48 : i32
        %add3A_450 = arith.addi %mul3A_448, %add3A_449 : i32
        %get3A_451 = arith.index_cast %add3A_450 : i32 to index
        %get3A_452 = tpu.vector_load %arg8[%get3A_451] {strides = array<i32>} : memref<16384xf32, #tpu.memory_space<vmem>>, vector<16xf32>,
        %get3A_453 = vector.shape_cast %get3A_452 : vector<16xf32> to vector<16xf32>
        %mul3A_454 = arith.constant 128 : i32
        %mul3A_455 = arith.muli %scan3A_347, %mul3A_454 : i32
        %add3A_456 = arith.constant 64 : i32
        %add3A_457 = arith.addi %mul3A_455, %add3A_456 : i32
        %get3A_458 = arith.index_cast %add3A_457 : i32 to index
        %get3A_459 = tpu.vector_load %arg8[%get3A_458] {strides = array<i32>} : memref<16384xf32, #tpu.memory_space<vmem>>, vector<16xf32>,
        %get3A_460 = vector.shape_cast %get3A_459 : vector<16xf32> to vector<16xf32>
        %mul3A_461 = arith.constant 128 : i32
        %mul3A_462 = arith.muli %scan3A_347, %mul3A_461 : i32
        %add3A_463 = arith.constant 80 : i32
        %add3A_464 = arith.addi %mul3A_462, %add3A_463 : i32
        %get3A_465 = arith.index_cast %add3A_464 : i32 to index
        %get3A_466 = tpu.vector_load %arg8[%get3A_465] {strides = array<i32>} : memref<16384xf32, #tpu.memory_space<vmem>>, vector<16xf32>,
        %get3A_467 = vector.shape_cast %get3A_466 : vector<16xf32> to vector<16xf32>
        %mul3A_468 = arith.constant 128 : i32
        %mul3A_469 = arith.muli %scan3A_347, %mul3A_468 : i32
        %add3A_470 = arith.constant 96 : i32
        %add3A_471 = arith.addi %mul3A_469, %add3A_470 : i32
        %get3A_472 = arith.index_cast %add3A_471 : i32 to index
        %get3A_473 = tpu.vector_load %arg8[%get3A_472] {strides = array<i32>} : memref<16384xf32, #tpu.memory_space<vmem>>, vector<16xf32>,
        %get3A_474 = vector.shape_cast %get3A_473 : vector<16xf32> to vector<16xf32>
        %mul3A_475 = arith.constant 128 : i32
        %mul3A_476 = arith.muli %scan3A_347, %mul3A_475 : i32
        %add3A_477 = arith.constant 112 : i32
        %add3A_478 = arith.addi %mul3A_476, %add3A_477 : i32
        %get3A_479 = arith.index_cast %add3A_478 : i32 to index
        %get3A_480 = tpu.vector_load %arg8[%get3A_479] {strides = array<i32>} : memref<16384xf32, #tpu.memory_space<vmem>>, vector<16xf32>,
        %get3A_481 = vector.shape_cast %get3A_480 : vector<16xf32> to vector<16xf32>
        %add3A_482 = arith.addf %select_n3A_380, %get3A_432 : vector<16xf32>
        %add3A_483 = arith.addf %select_n3A_383, %get3A_439 : vector<16xf32>
        %add3A_484 = arith.addf %select_n3A_386, %get3A_446 : vector<16xf32>
        %add3A_485 = arith.addf %select_n3A_389, %get3A_453 : vector<16xf32>
        %add3A_486 = arith.addf %select_n3A_392, %get3A_460 : vector<16xf32>
        %add3A_487 = arith.addf %select_n3A_395, %get3A_467 : vector<16xf32>
        %add3A_488 = arith.addf %select_n3A_398, %get3A_474 : vector<16xf32>
        %add3A_489 = arith.addf %select_n3A_401, %get3A_481 : vector<16xf32>
        %max3A = arith.maximumf %select_n3A_404, %get3A_432 : vector<16xf32>
        %max3A_490 = arith.maximumf %select_n3A_407, %get3A_439 : vector<16xf32>
        %max3A_491 = arith.maximumf %select_n3A_410, %get3A_446 : vector<16xf32>
        %max3A_492 = arith.maximumf %select_n3A_413, %get3A_453 : vector<16xf32>
        %max3A_493 = arith.maximumf %select_n3A_416, %get3A_460 : vector<16xf32>
        %max3A_494 = arith.maximumf %select_n3A_419, %get3A_467 : vector<16xf32>
        %max3A_495 = arith.maximumf %select_n3A_422, %get3A_474 : vector<16xf32>
        %max3A_496 = arith.maximumf %select_n3A_425, %get3A_481 : vector<16xf32>
        %add3A_497 = arith.constant 1.000000e+00 : f32
        %add3A_498 = arith.addf %select_n3A_377, %add3A_497 : f32
        scf.yield %squeeze3A_373, %add3A_498, %add3A_482, %add3A_483, %add3A_484, %add3A_485, %add3A_486, %add3A_487, %add3A_488, %add3A_489, %max3A, %max3A_490, %max3A_491, %max3A_492, %max3A_493, %max3A_494, %max3A_495, %max3A_496 : i32, f32, vector<16xf32>, vector<16xf32>, vector<16xf32>, vector<16xf32>, vector<16xf32>, vector<16xf32>, vector<16xf32>, vector<16xf32>, vector<16xf32>, vector<16xf32>, vector<16xf32>, vector<16xf32>, vector<16xf32>, vector<16xf32>, vector<16xf32>, vector<16xf32>
      }
      %scan3A_346 = arith.constant 128 : i32
      scf.yield %scan3A_345#0, %scan3A_345#1, %scan3A_345#2, %scan3A_345#3, %scan3A_345#4, %scan3A_345#5, %scan3A_345#6, %scan3A_345#7, %scan3A_345#8, %scan3A_345#9, %scan3A_345#10, %scan3A_345#11, %scan3A_345#12, %scan3A_345#13, %scan3A_345#14, %scan3A_345#15, %scan3A_345#16, %scan3A_345#17 : i32, f32, vector<16xf32>, vector<16xf32>, vector<16xf32>, vector<16xf32>, vector<16xf32>, vector<16xf32>, vector<16xf32>, vector<16xf32>, vector<16xf32>, vector<16xf32>, vector<16xf32>, vector<16xf32>, vector<16xf32>, vector<16xf32>, vector<16xf32>, vector<16xf32>
    }
    %while3A_131 = arith.constant 1 : i32
    %while3A_132:18 = scf.for %while3A_317 = %while3A_128 to %while3A_124 step %while3A_131 iter_args(%while3A_318 = %while3A_130#0, %while3A_319 = %while3A_130#1, %while3A_320 = %while3A_130#2, %while3A_321 = %while3A_130#3, %while3A_322 = %while3A_130#4, %while3A_323 = %while3A_130#5, %while3A_324 = %while3A_130#6, %while3A_325 = %while3A_130#7, %while3A_326 = %while3A_130#8, %while3A_327 = %while3A_130#9, %while3A_328 = %while3A_130#10, %while3A_329 = %while3A_130#11, %while3A_330 = %while3A_130#12, %while3A_331 = %while3A_130#13, %while3A_332 = %while3A_130#14, %while3A_333 = %while3A_130#15, %while3A_334 = %while3A_130#16, %while3A_335 = %while3A_130#17) -> (i32, f32, vector<16xf32>, vector<16xf32>, vector<16xf32>, vector<16xf32>, vector<16xf32>, vector<16xf32>, vector<16xf32>, vector<16xf32>, vector<16xf32>, vector<16xf32>, vector<16xf32>, vector<16xf32>, vector<16xf32>, vector<16xf32>, vector<16xf32>, vector<16xf32>)  : i32 {
      %mul3A_336 = arith.constant 128 : i32
      %mul3A_337 = arith.muli %while3A_317, %mul3A_336 : i32
      %add3A_338 = arith.addi %mul3A_20, %mul3A_337 : i32
      %mul3A_339 = arith.constant 128 : i32
      %mul3A_340 = arith.muli %add3A_338, %mul3A_339 : i32
      "tpu.region"() ({
        %run_scoped3A = tpu.sem_alloc : memref<!tpu.dma_semaphore, #tpu.memory_space<semaphore_mem>>
        %dma_start3A = tpu.memref_slice %arg2[%mul3A_340] : memref<12800000xf32, #tpu.memory_space<hbm>> -> memref<16384xf32, #tpu.memory_space<hbm>>
        %dma_start3A_347 = tpu.memref_slice %arg2[%mul3A_340] : memref<12800000xf32, #tpu.memory_space<hbm>> -> memref<16384xf32, #tpu.memory_space<hbm>>
        tpu.enqueue_dma source(%dma_start3A_347 : memref<16384xf32, #tpu.memory_space<hbm>>) target(%arg8 : memref<16384xf32, #tpu.memory_space<vmem>>) target_semaphore(%run_scoped3A : memref<!tpu.dma_semaphore, #tpu.memory_space<semaphore_mem>>)
        %dma_wait3A = tpu.memref_slice %arg2[%mul3A_340] : memref<12800000xf32, #tpu.memory_space<hbm>> -> memref<16384xf32, #tpu.memory_space<hbm>>
        %dma_wait3A_348 = tpu.memref_slice %arg2[%mul3A_340] : memref<12800000xf32, #tpu.memory_space<hbm>> -> memref<16384xf32, #tpu.memory_space<hbm>>
        tpu.wait_dma2 semaphore(%run_scoped3A : memref<!tpu.dma_semaphore, #tpu.memory_space<semaphore_mem>>) src(%dma_wait3A_348 : memref<16384xf32, #tpu.memory_space<hbm>>) dst(%arg8 : memref<16384xf32, #tpu.memory_space<vmem>>)
        tpu.yield
      }) : () -> ()
      %scan3A_341 = arith.constant 0 : i32
      %scan3A_342 = arith.constant 128 : i32
      %scan3A_343 = arith.addi %scan3A_341, %scan3A_342 : i32
      %scan3A_344 = arith.constant 1 : i32
      %scan3A_345:18 = scf.for %scan3A_347 = %scan3A_341 to %scan3A_343 step %scan3A_344 iter_args(%scan3A_348 = %while3A_318, %scan3A_349 = %while3A_319, %scan3A_350 = %while3A_320, %scan3A_351 = %while3A_321, %scan3A_352 = %while3A_322, %scan3A_353 = %while3A_323, %scan3A_354 = %while3A_324, %scan3A_355 = %while3A_325, %scan3A_356 = %while3A_326, %scan3A_357 = %while3A_327, %scan3A_358 = %while3A_328, %scan3A_359 = %while3A_329, %scan3A_360 = %while3A_330, %scan3A_361 = %while3A_331, %scan3A_362 = %while3A_332, %scan3A_363 = %while3A_333, %scan3A_364 = %while3A_334, %scan3A_365 = %while3A_335) -> (i32, f32, vector<16xf32>, vector<16xf32>, vector<16xf32>, vector<16xf32>, vector<16xf32>, vector<16xf32>, vector<16xf32>, vector<16xf32>, vector<16xf32>, vector<16xf32>, vector<16xf32>, vector<16xf32>, vector<16xf32>, vector<16xf32>, vector<16xf32>, vector<16xf32>)  : i32 {
        %mul3A_366 = arith.constant 128 : i32
        %mul3A_367 = arith.muli %while3A_317, %mul3A_366 : i32
        %add3A_368 = arith.addi %mul3A_367, %scan3A_347 : i32
        %get3A_369 = arith.index_cast %add3A_368 : i32 to index
        %get3A_370 = tpu.vector_load %arg7[%get3A_369] {strides = array<i32>} : memref<3144xi32, #tpu.memory_space<vmem>>, vector<16xi32>,
        %get3A_371 = vector.shape_cast %get3A_370 : vector<16xi32> to vector<16xi32>
        %slice3A_372 = vector.extract_strided_slice %get3A_371 {offsets = [0], sizes = [1], strides = [1]} : vector<16xi32> to vector<1xi32>
        %squeeze3A_373 = vector.extract %slice3A_372[0] : i32 from vector<1xi32>
        %ne3A_374 = arith.cmpi ne, %squeeze3A_373, %scan3A_348 : i32
        %convert_element_type3A = arith.extui %ne3A_374 : i1 to i32
        %cond3A = arith.constant 0 : i32
        %cond3A_375 = arith.cmpi ne, %convert_element_type3A, %cond3A : i32
        scf.if %cond3A_375 {
          %mul3A_499 = arith.constant 128 : i32
          %mul3A_500 = arith.muli %scan3A_348, %mul3A_499 : i32
          %add3A_501 = arith.constant 0 : i32
          %add3A_502 = arith.addi %mul3A_500, %add3A_501 : i32
          %swap3A_503 = arith.index_cast %add3A_502 : i32 to index
          %swap3A_504 = tpu.vector_load %arg10[%swap3A_503] {strides = array<i32>} : memref<8192xf32, #tpu.memory_space<vmem>>, vector<16xf32>,
          %swap3A_505 = vector.shape_cast %swap3A_504 : vector<16xf32> to vector<16xf32>
          %swap3A_506 = vector.shape_cast %scan3A_350 : vector<16xf32> to vector<16xf32>
          tpu.vector_store %arg10[%swap3A_503], %swap3A_506 {strides = array<i32>} : memref<8192xf32, #tpu.memory_space<vmem>>, vector<16xf32>,
          %mul3A_507 = arith.constant 128 : i32
          %mul3A_508 = arith.muli %scan3A_348, %mul3A_507 : i32
          %add3A_509 = arith.constant 0 : i32
          %add3A_510 = arith.addi %mul3A_508, %add3A_509 : i32
          %swap3A_511 = arith.index_cast %add3A_510 : i32 to index
          %swap3A_512 = tpu.vector_load %arg11[%swap3A_511] {strides = array<i32>} : memref<8192xf32, #tpu.memory_space<vmem>>, vector<16xf32>,
          %swap3A_513 = vector.shape_cast %swap3A_512 : vector<16xf32> to vector<16xf32>
          %swap3A_514 = vector.shape_cast %scan3A_358 : vector<16xf32> to vector<16xf32>
          tpu.vector_store %arg11[%swap3A_511], %swap3A_514 {strides = array<i32>} : memref<8192xf32, #tpu.memory_space<vmem>>, vector<16xf32>,
          %mul3A_515 = arith.constant 128 : i32
          %mul3A_516 = arith.muli %scan3A_348, %mul3A_515 : i32
          %add3A_517 = arith.constant 16 : i32
          %add3A_518 = arith.addi %mul3A_516, %add3A_517 : i32
          %swap3A_519 = arith.index_cast %add3A_518 : i32 to index
          %swap3A_520 = tpu.vector_load %arg10[%swap3A_519] {strides = array<i32>} : memref<8192xf32, #tpu.memory_space<vmem>>, vector<16xf32>,
          %swap3A_521 = vector.shape_cast %swap3A_520 : vector<16xf32> to vector<16xf32>
          %swap3A_522 = vector.shape_cast %scan3A_351 : vector<16xf32> to vector<16xf32>
          tpu.vector_store %arg10[%swap3A_519], %swap3A_522 {strides = array<i32>} : memref<8192xf32, #tpu.memory_space<vmem>>, vector<16xf32>,
          %mul3A_523 = arith.constant 128 : i32
          %mul3A_524 = arith.muli %scan3A_348, %mul3A_523 : i32
          %add3A_525 = arith.constant 16 : i32
          %add3A_526 = arith.addi %mul3A_524, %add3A_525 : i32
          %swap3A_527 = arith.index_cast %add3A_526 : i32 to index
          %swap3A_528 = tpu.vector_load %arg11[%swap3A_527] {strides = array<i32>} : memref<8192xf32, #tpu.memory_space<vmem>>, vector<16xf32>,
          %swap3A_529 = vector.shape_cast %swap3A_528 : vector<16xf32> to vector<16xf32>
          %swap3A_530 = vector.shape_cast %scan3A_359 : vector<16xf32> to vector<16xf32>
          tpu.vector_store %arg11[%swap3A_527], %swap3A_530 {strides = array<i32>} : memref<8192xf32, #tpu.memory_space<vmem>>, vector<16xf32>,
          %mul3A_531 = arith.constant 128 : i32
          %mul3A_532 = arith.muli %scan3A_348, %mul3A_531 : i32
          %add3A_533 = arith.constant 32 : i32
          %add3A_534 = arith.addi %mul3A_532, %add3A_533 : i32
          %swap3A_535 = arith.index_cast %add3A_534 : i32 to index
          %swap3A_536 = tpu.vector_load %arg10[%swap3A_535] {strides = array<i32>} : memref<8192xf32, #tpu.memory_space<vmem>>, vector<16xf32>,
          %swap3A_537 = vector.shape_cast %swap3A_536 : vector<16xf32> to vector<16xf32>
          %swap3A_538 = vector.shape_cast %scan3A_352 : vector<16xf32> to vector<16xf32>
          tpu.vector_store %arg10[%swap3A_535], %swap3A_538 {strides = array<i32>} : memref<8192xf32, #tpu.memory_space<vmem>>, vector<16xf32>,
          %mul3A_539 = arith.constant 128 : i32
          %mul3A_540 = arith.muli %scan3A_348, %mul3A_539 : i32
          %add3A_541 = arith.constant 32 : i32
          %add3A_542 = arith.addi %mul3A_540, %add3A_541 : i32
          %swap3A_543 = arith.index_cast %add3A_542 : i32 to index
          %swap3A_544 = tpu.vector_load %arg11[%swap3A_543] {strides = array<i32>} : memref<8192xf32, #tpu.memory_space<vmem>>, vector<16xf32>,
          %swap3A_545 = vector.shape_cast %swap3A_544 : vector<16xf32> to vector<16xf32>
          %swap3A_546 = vector.shape_cast %scan3A_360 : vector<16xf32> to vector<16xf32>
          tpu.vector_store %arg11[%swap3A_543], %swap3A_546 {strides = array<i32>} : memref<8192xf32, #tpu.memory_space<vmem>>, vector<16xf32>,
          %mul3A_547 = arith.constant 128 : i32
          %mul3A_548 = arith.muli %scan3A_348, %mul3A_547 : i32
          %add3A_549 = arith.constant 48 : i32
          %add3A_550 = arith.addi %mul3A_548, %add3A_549 : i32
          %swap3A_551 = arith.index_cast %add3A_550 : i32 to index
          %swap3A_552 = tpu.vector_load %arg10[%swap3A_551] {strides = array<i32>} : memref<8192xf32, #tpu.memory_space<vmem>>, vector<16xf32>,
          %swap3A_553 = vector.shape_cast %swap3A_552 : vector<16xf32> to vector<16xf32>
          %swap3A_554 = vector.shape_cast %scan3A_353 : vector<16xf32> to vector<16xf32>
          tpu.vector_store %arg10[%swap3A_551], %swap3A_554 {strides = array<i32>} : memref<8192xf32, #tpu.memory_space<vmem>>, vector<16xf32>,
          %mul3A_555 = arith.constant 128 : i32
          %mul3A_556 = arith.muli %scan3A_348, %mul3A_555 : i32
          %add3A_557 = arith.constant 48 : i32
          %add3A_558 = arith.addi %mul3A_556, %add3A_557 : i32
          %swap3A_559 = arith.index_cast %add3A_558 : i32 to index
          %swap3A_560 = tpu.vector_load %arg11[%swap3A_559] {strides = array<i32>} : memref<8192xf32, #tpu.memory_space<vmem>>, vector<16xf32>,
          %swap3A_561 = vector.shape_cast %swap3A_560 : vector<16xf32> to vector<16xf32>
          %swap3A_562 = vector.shape_cast %scan3A_361 : vector<16xf32> to vector<16xf32>
          tpu.vector_store %arg11[%swap3A_559], %swap3A_562 {strides = array<i32>} : memref<8192xf32, #tpu.memory_space<vmem>>, vector<16xf32>,
          %mul3A_563 = arith.constant 128 : i32
          %mul3A_564 = arith.muli %scan3A_348, %mul3A_563 : i32
          %add3A_565 = arith.constant 64 : i32
          %add3A_566 = arith.addi %mul3A_564, %add3A_565 : i32
          %swap3A_567 = arith.index_cast %add3A_566 : i32 to index
          %swap3A_568 = tpu.vector_load %arg10[%swap3A_567] {strides = array<i32>} : memref<8192xf32, #tpu.memory_space<vmem>>, vector<16xf32>,
          %swap3A_569 = vector.shape_cast %swap3A_568 : vector<16xf32> to vector<16xf32>
          %swap3A_570 = vector.shape_cast %scan3A_354 : vector<16xf32> to vector<16xf32>
          tpu.vector_store %arg10[%swap3A_567], %swap3A_570 {strides = array<i32>} : memref<8192xf32, #tpu.memory_space<vmem>>, vector<16xf32>,
          %mul3A_571 = arith.constant 128 : i32
          %mul3A_572 = arith.muli %scan3A_348, %mul3A_571 : i32
          %add3A_573 = arith.constant 64 : i32
          %add3A_574 = arith.addi %mul3A_572, %add3A_573 : i32
          %swap3A_575 = arith.index_cast %add3A_574 : i32 to index
          %swap3A_576 = tpu.vector_load %arg11[%swap3A_575] {strides = array<i32>} : memref<8192xf32, #tpu.memory_space<vmem>>, vector<16xf32>,
          %swap3A_577 = vector.shape_cast %swap3A_576 : vector<16xf32> to vector<16xf32>
          %swap3A_578 = vector.shape_cast %scan3A_362 : vector<16xf32> to vector<16xf32>
          tpu.vector_store %arg11[%swap3A_575], %swap3A_578 {strides = array<i32>} : memref<8192xf32, #tpu.memory_space<vmem>>, vector<16xf32>,
          %mul3A_579 = arith.constant 128 : i32
          %mul3A_580 = arith.muli %scan3A_348, %mul3A_579 : i32
          %add3A_581 = arith.constant 80 : i32
          %add3A_582 = arith.addi %mul3A_580, %add3A_581 : i32
          %swap3A_583 = arith.index_cast %add3A_582 : i32 to index
          %swap3A_584 = tpu.vector_load %arg10[%swap3A_583] {strides = array<i32>} : memref<8192xf32, #tpu.memory_space<vmem>>, vector<16xf32>,
          %swap3A_585 = vector.shape_cast %swap3A_584 : vector<16xf32> to vector<16xf32>
          %swap3A_586 = vector.shape_cast %scan3A_355 : vector<16xf32> to vector<16xf32>
          tpu.vector_store %arg10[%swap3A_583], %swap3A_586 {strides = array<i32>} : memref<8192xf32, #tpu.memory_space<vmem>>, vector<16xf32>,
          %mul3A_587 = arith.constant 128 : i32
          %mul3A_588 = arith.muli %scan3A_348, %mul3A_587 : i32
          %add3A_589 = arith.constant 80 : i32
          %add3A_590 = arith.addi %mul3A_588, %add3A_589 : i32
          %swap3A_591 = arith.index_cast %add3A_590 : i32 to index
          %swap3A_592 = tpu.vector_load %arg11[%swap3A_591] {strides = array<i32>} : memref<8192xf32, #tpu.memory_space<vmem>>, vector<16xf32>,
          %swap3A_593 = vector.shape_cast %swap3A_592 : vector<16xf32> to vector<16xf32>
          %swap3A_594 = vector.shape_cast %scan3A_363 : vector<16xf32> to vector<16xf32>
          tpu.vector_store %arg11[%swap3A_591], %swap3A_594 {strides = array<i32>} : memref<8192xf32, #tpu.memory_space<vmem>>, vector<16xf32>,
          %mul3A_595 = arith.constant 128 : i32
          %mul3A_596 = arith.muli %scan3A_348, %mul3A_595 : i32
          %add3A_597 = arith.constant 96 : i32
          %add3A_598 = arith.addi %mul3A_596, %add3A_597 : i32
          %swap3A_599 = arith.index_cast %add3A_598 : i32 to index
          %swap3A_600 = tpu.vector_load %arg10[%swap3A_599] {strides = array<i32>} : memref<8192xf32, #tpu.memory_space<vmem>>, vector<16xf32>,
          %swap3A_601 = vector.shape_cast %swap3A_600 : vector<16xf32> to vector<16xf32>
          %swap3A_602 = vector.shape_cast %scan3A_356 : vector<16xf32> to vector<16xf32>
          tpu.vector_store %arg10[%swap3A_599], %swap3A_602 {strides = array<i32>} : memref<8192xf32, #tpu.memory_space<vmem>>, vector<16xf32>,
          %mul3A_603 = arith.constant 128 : i32
          %mul3A_604 = arith.muli %scan3A_348, %mul3A_603 : i32
          %add3A_605 = arith.constant 96 : i32
          %add3A_606 = arith.addi %mul3A_604, %add3A_605 : i32
          %swap3A_607 = arith.index_cast %add3A_606 : i32 to index
          %swap3A_608 = tpu.vector_load %arg11[%swap3A_607] {strides = array<i32>} : memref<8192xf32, #tpu.memory_space<vmem>>, vector<16xf32>,
          %swap3A_609 = vector.shape_cast %swap3A_608 : vector<16xf32> to vector<16xf32>
          %swap3A_610 = vector.shape_cast %scan3A_364 : vector<16xf32> to vector<16xf32>
          tpu.vector_store %arg11[%swap3A_607], %swap3A_610 {strides = array<i32>} : memref<8192xf32, #tpu.memory_space<vmem>>, vector<16xf32>,
          %mul3A_611 = arith.constant 128 : i32
          %mul3A_612 = arith.muli %scan3A_348, %mul3A_611 : i32
          %add3A_613 = arith.constant 112 : i32
          %add3A_614 = arith.addi %mul3A_612, %add3A_613 : i32
          %swap3A_615 = arith.index_cast %add3A_614 : i32 to index
          %swap3A_616 = tpu.vector_load %arg10[%swap3A_615] {strides = array<i32>} : memref<8192xf32, #tpu.memory_space<vmem>>, vector<16xf32>,
          %swap3A_617 = vector.shape_cast %swap3A_616 : vector<16xf32> to vector<16xf32>
          %swap3A_618 = vector.shape_cast %scan3A_357 : vector<16xf32> to vector<16xf32>
          tpu.vector_store %arg10[%swap3A_615], %swap3A_618 {strides = array<i32>} : memref<8192xf32, #tpu.memory_space<vmem>>, vector<16xf32>,
          %mul3A_619 = arith.constant 128 : i32
          %mul3A_620 = arith.muli %scan3A_348, %mul3A_619 : i32
          %add3A_621 = arith.constant 112 : i32
          %add3A_622 = arith.addi %mul3A_620, %add3A_621 : i32
          %swap3A_623 = arith.index_cast %add3A_622 : i32 to index
          %swap3A_624 = tpu.vector_load %arg11[%swap3A_623] {strides = array<i32>} : memref<8192xf32, #tpu.memory_space<vmem>>, vector<16xf32>,
          %swap3A_625 = vector.shape_cast %swap3A_624 : vector<16xf32> to vector<16xf32>
          %swap3A_626 = vector.shape_cast %scan3A_365 : vector<16xf32> to vector<16xf32>
          tpu.vector_store %arg11[%swap3A_623], %swap3A_626 {strides = array<i32>} : memref<8192xf32, #tpu.memory_space<vmem>>, vector<16xf32>,
          %broadcast_in_dim3A_627 = vector.broadcast %scan3A_349 : f32 to vector<16xf32>
          %mul3A_628 = arith.constant 16 : i32
          %mul3A_629 = arith.muli %scan3A_348, %mul3A_628 : i32
          %swap3A_630 = arith.index_cast %mul3A_629 : i32 to index
          %swap3A_631 = tpu.vector_load %arg12[%swap3A_630] {strides = array<i32>} : memref<1024xf32, #tpu.memory_space<vmem>>, vector<16xf32>,
          %swap3A_632 = vector.shape_cast %swap3A_631 : vector<16xf32> to vector<16xf32>
          %swap3A_633 = vector.shape_cast %broadcast_in_dim3A_627 : vector<16xf32> to vector<16xf32>
          tpu.vector_store %arg12[%swap3A_630], %swap3A_633 {strides = array<i32>} : memref<1024xf32, #tpu.memory_space<vmem>>, vector<16xf32>,
        } else {
        }
        %jit3A_376 = arith.constant 0.000000e+00 : f32
        %select_n3A_377 = arith.select %ne3A_374, %jit3A_376, %scan3A_349 : f32
        %jit3A_378 = arith.constant 0.000000e+00 : f32
        %broadcast_in_dim3A_379 = vector.broadcast %jit3A_378 : f32 to vector<16xf32>
        %select_n3A_380 = arith.select %ne3A_374, %broadcast_in_dim3A_379, %scan3A_350 : vector<16xf32>
        %jit3A_381 = arith.constant 0.000000e+00 : f32
        %broadcast_in_dim3A_382 = vector.broadcast %jit3A_381 : f32 to vector<16xf32>
        %select_n3A_383 = arith.select %ne3A_374, %broadcast_in_dim3A_382, %scan3A_351 : vector<16xf32>
        %jit3A_384 = arith.constant 0.000000e+00 : f32
        %broadcast_in_dim3A_385 = vector.broadcast %jit3A_384 : f32 to vector<16xf32>
        %select_n3A_386 = arith.select %ne3A_374, %broadcast_in_dim3A_385, %scan3A_352 : vector<16xf32>
        %jit3A_387 = arith.constant 0.000000e+00 : f32
        %broadcast_in_dim3A_388 = vector.broadcast %jit3A_387 : f32 to vector<16xf32>
        %select_n3A_389 = arith.select %ne3A_374, %broadcast_in_dim3A_388, %scan3A_353 : vector<16xf32>
        %jit3A_390 = arith.constant 0.000000e+00 : f32
        %broadcast_in_dim3A_391 = vector.broadcast %jit3A_390 : f32 to vector<16xf32>
        %select_n3A_392 = arith.select %ne3A_374, %broadcast_in_dim3A_391, %scan3A_354 : vector<16xf32>
        %jit3A_393 = arith.constant 0.000000e+00 : f32
        %broadcast_in_dim3A_394 = vector.broadcast %jit3A_393 : f32 to vector<16xf32>
        %select_n3A_395 = arith.select %ne3A_374, %broadcast_in_dim3A_394, %scan3A_355 : vector<16xf32>
        %jit3A_396 = arith.constant 0.000000e+00 : f32
        %broadcast_in_dim3A_397 = vector.broadcast %jit3A_396 : f32 to vector<16xf32>
        %select_n3A_398 = arith.select %ne3A_374, %broadcast_in_dim3A_397, %scan3A_356 : vector<16xf32>
        %jit3A_399 = arith.constant 0.000000e+00 : f32
        %broadcast_in_dim3A_400 = vector.broadcast %jit3A_399 : f32 to vector<16xf32>
        %select_n3A_401 = arith.select %ne3A_374, %broadcast_in_dim3A_400, %scan3A_357 : vector<16xf32>
        %jit3A_402 = arith.constant 0xFF800000 : f32
        %broadcast_in_dim3A_403 = vector.broadcast %jit3A_402 : f32 to vector<16xf32>
        %select_n3A_404 = arith.select %ne3A_374, %broadcast_in_dim3A_403, %scan3A_358 : vector<16xf32>
        %jit3A_405 = arith.constant 0xFF800000 : f32
        %broadcast_in_dim3A_406 = vector.broadcast %jit3A_405 : f32 to vector<16xf32>
        %select_n3A_407 = arith.select %ne3A_374, %broadcast_in_dim3A_406, %scan3A_359 : vector<16xf32>
        %jit3A_408 = arith.constant 0xFF800000 : f32
        %broadcast_in_dim3A_409 = vector.broadcast %jit3A_408 : f32 to vector<16xf32>
        %select_n3A_410 = arith.select %ne3A_374, %broadcast_in_dim3A_409, %scan3A_360 : vector<16xf32>
        %jit3A_411 = arith.constant 0xFF800000 : f32
        %broadcast_in_dim3A_412 = vector.broadcast %jit3A_411 : f32 to vector<16xf32>
        %select_n3A_413 = arith.select %ne3A_374, %broadcast_in_dim3A_412, %scan3A_361 : vector<16xf32>
        %jit3A_414 = arith.constant 0xFF800000 : f32
        %broadcast_in_dim3A_415 = vector.broadcast %jit3A_414 : f32 to vector<16xf32>
        %select_n3A_416 = arith.select %ne3A_374, %broadcast_in_dim3A_415, %scan3A_362 : vector<16xf32>
        %jit3A_417 = arith.constant 0xFF800000 : f32
        %broadcast_in_dim3A_418 = vector.broadcast %jit3A_417 : f32 to vector<16xf32>
        %select_n3A_419 = arith.select %ne3A_374, %broadcast_in_dim3A_418, %scan3A_363 : vector<16xf32>
        %jit3A_420 = arith.constant 0xFF800000 : f32
        %broadcast_in_dim3A_421 = vector.broadcast %jit3A_420 : f32 to vector<16xf32>
        %select_n3A_422 = arith.select %ne3A_374, %broadcast_in_dim3A_421, %scan3A_364 : vector<16xf32>
        %jit3A_423 = arith.constant 0xFF800000 : f32
        %broadcast_in_dim3A_424 = vector.broadcast %jit3A_423 : f32 to vector<16xf32>
        %select_n3A_425 = arith.select %ne3A_374, %broadcast_in_dim3A_424, %scan3A_365 : vector<16xf32>
        %mul3A_426 = arith.constant 128 : i32
        %mul3A_427 = arith.muli %scan3A_347, %mul3A_426 : i32
        %add3A_428 = arith.constant 0 : i32
        %add3A_429 = arith.addi %mul3A_427, %add3A_428 : i32
        %get3A_430 = arith.index_cast %add3A_429 : i32 to index
        %get3A_431 = tpu.vector_load %arg8[%get3A_430] {strides = array<i32>} : memref<16384xf32, #tpu.memory_space<vmem>>, vector<16xf32>,
        %get3A_432 = vector.shape_cast %get3A_431 : vector<16xf32> to vector<16xf32>
        %mul3A_433 = arith.constant 128 : i32
        %mul3A_434 = arith.muli %scan3A_347, %mul3A_433 : i32
        %add3A_435 = arith.constant 16 : i32
        %add3A_436 = arith.addi %mul3A_434, %add3A_435 : i32
        %get3A_437 = arith.index_cast %add3A_436 : i32 to index
        %get3A_438 = tpu.vector_load %arg8[%get3A_437] {strides = array<i32>} : memref<16384xf32, #tpu.memory_space<vmem>>, vector<16xf32>,
        %get3A_439 = vector.shape_cast %get3A_438 : vector<16xf32> to vector<16xf32>
        %mul3A_440 = arith.constant 128 : i32
        %mul3A_441 = arith.muli %scan3A_347, %mul3A_440 : i32
        %add3A_442 = arith.constant 32 : i32
        %add3A_443 = arith.addi %mul3A_441, %add3A_442 : i32
        %get3A_444 = arith.index_cast %add3A_443 : i32 to index
        %get3A_445 = tpu.vector_load %arg8[%get3A_444] {strides = array<i32>} : memref<16384xf32, #tpu.memory_space<vmem>>, vector<16xf32>,
        %get3A_446 = vector.shape_cast %get3A_445 : vector<16xf32> to vector<16xf32>
        %mul3A_447 = arith.constant 128 : i32
        %mul3A_448 = arith.muli %scan3A_347, %mul3A_447 : i32
        %add3A_449 = arith.constant 48 : i32
        %add3A_450 = arith.addi %mul3A_448, %add3A_449 : i32
        %get3A_451 = arith.index_cast %add3A_450 : i32 to index
        %get3A_452 = tpu.vector_load %arg8[%get3A_451] {strides = array<i32>} : memref<16384xf32, #tpu.memory_space<vmem>>, vector<16xf32>,
        %get3A_453 = vector.shape_cast %get3A_452 : vector<16xf32> to vector<16xf32>
        %mul3A_454 = arith.constant 128 : i32
        %mul3A_455 = arith.muli %scan3A_347, %mul3A_454 : i32
        %add3A_456 = arith.constant 64 : i32
        %add3A_457 = arith.addi %mul3A_455, %add3A_456 : i32
        %get3A_458 = arith.index_cast %add3A_457 : i32 to index
        %get3A_459 = tpu.vector_load %arg8[%get3A_458] {strides = array<i32>} : memref<16384xf32, #tpu.memory_space<vmem>>, vector<16xf32>,
        %get3A_460 = vector.shape_cast %get3A_459 : vector<16xf32> to vector<16xf32>
        %mul3A_461 = arith.constant 128 : i32
        %mul3A_462 = arith.muli %scan3A_347, %mul3A_461 : i32
        %add3A_463 = arith.constant 80 : i32
        %add3A_464 = arith.addi %mul3A_462, %add3A_463 : i32
        %get3A_465 = arith.index_cast %add3A_464 : i32 to index
        %get3A_466 = tpu.vector_load %arg8[%get3A_465] {strides = array<i32>} : memref<16384xf32, #tpu.memory_space<vmem>>, vector<16xf32>,
        %get3A_467 = vector.shape_cast %get3A_466 : vector<16xf32> to vector<16xf32>
        %mul3A_468 = arith.constant 128 : i32
        %mul3A_469 = arith.muli %scan3A_347, %mul3A_468 : i32
        %add3A_470 = arith.constant 96 : i32
        %add3A_471 = arith.addi %mul3A_469, %add3A_470 : i32
        %get3A_472 = arith.index_cast %add3A_471 : i32 to index
        %get3A_473 = tpu.vector_load %arg8[%get3A_472] {strides = array<i32>} : memref<16384xf32, #tpu.memory_space<vmem>>, vector<16xf32>,
        %get3A_474 = vector.shape_cast %get3A_473 : vector<16xf32> to vector<16xf32>
        %mul3A_475 = arith.constant 128 : i32
        %mul3A_476 = arith.muli %scan3A_347, %mul3A_475 : i32
        %add3A_477 = arith.constant 112 : i32
        %add3A_478 = arith.addi %mul3A_476, %add3A_477 : i32
        %get3A_479 = arith.index_cast %add3A_478 : i32 to index
        %get3A_480 = tpu.vector_load %arg8[%get3A_479] {strides = array<i32>} : memref<16384xf32, #tpu.memory_space<vmem>>, vector<16xf32>,
        %get3A_481 = vector.shape_cast %get3A_480 : vector<16xf32> to vector<16xf32>
        %add3A_482 = arith.addf %select_n3A_380, %get3A_432 : vector<16xf32>
        %add3A_483 = arith.addf %select_n3A_383, %get3A_439 : vector<16xf32>
        %add3A_484 = arith.addf %select_n3A_386, %get3A_446 : vector<16xf32>
        %add3A_485 = arith.addf %select_n3A_389, %get3A_453 : vector<16xf32>
        %add3A_486 = arith.addf %select_n3A_392, %get3A_460 : vector<16xf32>
        %add3A_487 = arith.addf %select_n3A_395, %get3A_467 : vector<16xf32>
        %add3A_488 = arith.addf %select_n3A_398, %get3A_474 : vector<16xf32>
        %add3A_489 = arith.addf %select_n3A_401, %get3A_481 : vector<16xf32>
        %max3A = arith.maximumf %select_n3A_404, %get3A_432 : vector<16xf32>
        %max3A_490 = arith.maximumf %select_n3A_407, %get3A_439 : vector<16xf32>
        %max3A_491 = arith.maximumf %select_n3A_410, %get3A_446 : vector<16xf32>
        %max3A_492 = arith.maximumf %select_n3A_413, %get3A_453 : vector<16xf32>
        %max3A_493 = arith.maximumf %select_n3A_416, %get3A_460 : vector<16xf32>
        %max3A_494 = arith.maximumf %select_n3A_419, %get3A_467 : vector<16xf32>
        %max3A_495 = arith.maximumf %select_n3A_422, %get3A_474 : vector<16xf32>
        %max3A_496 = arith.maximumf %select_n3A_425, %get3A_481 : vector<16xf32>
        %add3A_497 = arith.constant 1.000000e+00 : f32
        %add3A_498 = arith.addf %select_n3A_377, %add3A_497 : f32
        scf.yield %squeeze3A_373, %add3A_498, %add3A_482, %add3A_483, %add3A_484, %add3A_485, %add3A_486, %add3A_487, %add3A_488, %add3A_489, %max3A, %max3A_490, %max3A_491, %max3A_492, %max3A_493, %max3A_494, %max3A_495, %max3A_496 : i32, f32, vector<16xf32>, vector<16xf32>, vector<16xf32>, vector<16xf32>, vector<16xf32>, vector<16xf32>, vector<16xf32>, vector<16xf32>, vector<16xf32>, vector<16xf32>, vector<16xf32>, vector<16xf32>, vector<16xf32>, vector<16xf32>, vector<16xf32>, vector<16xf32>
      }
      %scan3A_346 = arith.constant 128 : i32
      scf.yield %scan3A_345#0, %scan3A_345#1, %scan3A_345#2, %scan3A_345#3, %scan3A_345#4, %scan3A_345#5, %scan3A_345#6, %scan3A_345#7, %scan3A_345#8, %scan3A_345#9, %scan3A_345#10, %scan3A_345#11, %scan3A_345#12, %scan3A_345#13, %scan3A_345#14, %scan3A_345#15, %scan3A_345#16, %scan3A_345#17 : i32, f32, vector<16xf32>, vector<16xf32>, vector<16xf32>, vector<16xf32>, vector<16xf32>, vector<16xf32>, vector<16xf32>, vector<16xf32>, vector<16xf32>, vector<16xf32>, vector<16xf32>, vector<16xf32>, vector<16xf32>, vector<16xf32>, vector<16xf32>, vector<16xf32>
    }
    %mul3A_133 = arith.constant 128 : i32
    %mul3A_134 = arith.muli %select_n3A_121, %mul3A_133 : i32
    %sub3A_135 = arith.subi %sub3A_51, %mul3A_134 : i32
    %jit3A_136 = arith.constant 8 : i32
    %div3A_137 = arith.divsi %sub3A_135, %jit3A_136 : i32
    %sign3A_138 = arith.constant 0 : i32
    %sign3A_139 = arith.cmpi sgt, %sub3A_135, %sign3A_138 : i32
    %sign3A_140 = arith.extui %sign3A_139 : i1 to i32
    %sign3A_141 = arith.constant 0 : i32
    %sign3A_142 = arith.cmpi slt, %sub3A_135, %sign3A_141 : i32
    %sign3A_143 = arith.extui %sign3A_142 : i1 to i32
    %sign3A_144 = arith.subi %sign3A_140, %sign3A_143 : i32
    %sign3A_145 = arith.constant 0 : i32
    %sign3A_146 = arith.cmpi sgt, %jit3A_136, %sign3A_145 : i32
    %sign3A_147 = arith.extui %sign3A_146 : i1 to i32
    %sign3A_148 = arith.constant 0 : i32
    %sign3A_149 = arith.cmpi slt, %jit3A_136, %sign3A_148 : i32
    %sign3A_150 = arith.extui %sign3A_149 : i1 to i32
    %sign3A_151 = arith.subi %sign3A_147, %sign3A_150 : i32
    %ne3A_152 = arith.cmpi ne, %sign3A_144, %sign3A_151 : i32
    %rem3A_153 = arith.remsi %sub3A_135, %jit3A_136 : i32
    %ne3A_154 = arith.constant 0 : i32
    %ne3A_155 = arith.cmpi ne, %rem3A_153, %ne3A_154 : i32
    %and3A_156 = arith.andi %ne3A_152, %ne3A_155 : i1
    %sub3A_157 = arith.constant 1 : i32
    %sub3A_158 = arith.subi %div3A_137, %sub3A_157 : i32
    %select_n3A_159 = arith.select %and3A_156, %sub3A_158, %div3A_137 : i32
    %while3A_160 = arith.constant 0 : i32
    %while3A_161 = arith.subi %select_n3A_159, %while3A_160 : i32
    %while3A_162 = arith.addi %while3A_160, %while3A_161 : i32
    %while3A_163 = arith.constant 1 : i32
    %while3A_164 = arith.divsi %while3A_161, %while3A_163 : i32
    %while3A_165 = arith.muli %while3A_164, %while3A_163 : i32
    %while3A_166 = arith.addi %while3A_160, %while3A_165 : i32
    %while3A_167 = arith.constant 1 : i32
    %while3A_168:18 = scf.for %while3A_317 = %while3A_160 to %while3A_166 step %while3A_167 iter_args(%while3A_318 = %while3A_132#0, %while3A_319 = %while3A_132#1, %while3A_320 = %while3A_132#2, %while3A_321 = %while3A_132#3, %while3A_322 = %while3A_132#4, %while3A_323 = %while3A_132#5, %while3A_324 = %while3A_132#6, %while3A_325 = %while3A_132#7, %while3A_326 = %while3A_132#8, %while3A_327 = %while3A_132#9, %while3A_328 = %while3A_132#10, %while3A_329 = %while3A_132#11, %while3A_330 = %while3A_132#12, %while3A_331 = %while3A_132#13, %while3A_332 = %while3A_132#14, %while3A_333 = %while3A_132#15, %while3A_334 = %while3A_132#16, %while3A_335 = %while3A_132#17) -> (i32, f32, vector<16xf32>, vector<16xf32>, vector<16xf32>, vector<16xf32>, vector<16xf32>, vector<16xf32>, vector<16xf32>, vector<16xf32>, vector<16xf32>, vector<16xf32>, vector<16xf32>, vector<16xf32>, vector<16xf32>, vector<16xf32>, vector<16xf32>, vector<16xf32>)  : i32 {
      %mul3A_336 = arith.constant 128 : i32
      %mul3A_337 = arith.muli %select_n3A_121, %mul3A_336 : i32
      %mul3A_338 = arith.constant 8 : i32
      %mul3A_339 = arith.muli %while3A_317, %mul3A_338 : i32
      %add3A_340 = arith.addi %mul3A_337, %mul3A_339 : i32
      %add3A_341 = arith.addi %mul3A_20, %add3A_340 : i32
      %mul3A_342 = arith.constant 128 : i32
      %mul3A_343 = arith.muli %add3A_341, %mul3A_342 : i32
      "tpu.region"() ({
        %run_scoped3A = tpu.sem_alloc : memref<!tpu.dma_semaphore, #tpu.memory_space<semaphore_mem>>
        %dma_start3A = tpu.memref_slice %arg2[%mul3A_343] : memref<12800000xf32, #tpu.memory_space<hbm>> -> memref<1024xf32, #tpu.memory_space<hbm>>
        %dma_start3A_350 = tpu.memref_slice %arg2[%mul3A_343] : memref<12800000xf32, #tpu.memory_space<hbm>> -> memref<1024xf32, #tpu.memory_space<hbm>>
        tpu.enqueue_dma source(%dma_start3A_350 : memref<1024xf32, #tpu.memory_space<hbm>>) target(%arg9 : memref<1024xf32, #tpu.memory_space<vmem>>) target_semaphore(%run_scoped3A : memref<!tpu.dma_semaphore, #tpu.memory_space<semaphore_mem>>)
        %dma_wait3A = tpu.memref_slice %arg2[%mul3A_343] : memref<12800000xf32, #tpu.memory_space<hbm>> -> memref<1024xf32, #tpu.memory_space<hbm>>
        %dma_wait3A_351 = tpu.memref_slice %arg2[%mul3A_343] : memref<12800000xf32, #tpu.memory_space<hbm>> -> memref<1024xf32, #tpu.memory_space<hbm>>
        tpu.wait_dma2 semaphore(%run_scoped3A : memref<!tpu.dma_semaphore, #tpu.memory_space<semaphore_mem>>) src(%dma_wait3A_351 : memref<1024xf32, #tpu.memory_space<hbm>>) dst(%arg9 : memref<1024xf32, #tpu.memory_space<vmem>>)
        tpu.yield
      }) : () -> ()
      %scan3A_344 = arith.constant 0 : i32
      %scan3A_345 = arith.constant 8 : i32
      %scan3A_346 = arith.addi %scan3A_344, %scan3A_345 : i32
      %scan3A_347 = arith.constant 1 : i32
      %scan3A_348:18 = scf.for %scan3A_350 = %scan3A_344 to %scan3A_346 step %scan3A_347 iter_args(%scan3A_351 = %while3A_318, %scan3A_352 = %while3A_319, %scan3A_353 = %while3A_320, %scan3A_354 = %while3A_321, %scan3A_355 = %while3A_322, %scan3A_356 = %while3A_323, %scan3A_357 = %while3A_324, %scan3A_358 = %while3A_325, %scan3A_359 = %while3A_326, %scan3A_360 = %while3A_327, %scan3A_361 = %while3A_328, %scan3A_362 = %while3A_329, %scan3A_363 = %while3A_330, %scan3A_364 = %while3A_331, %scan3A_365 = %while3A_332, %scan3A_366 = %while3A_333, %scan3A_367 = %while3A_334, %scan3A_368 = %while3A_335) -> (i32, f32, vector<16xf32>, vector<16xf32>, vector<16xf32>, vector<16xf32>, vector<16xf32>, vector<16xf32>, vector<16xf32>, vector<16xf32>, vector<16xf32>, vector<16xf32>, vector<16xf32>, vector<16xf32>, vector<16xf32>, vector<16xf32>, vector<16xf32>, vector<16xf32>)  : i32 {
        %add3A_369 = arith.addi %add3A_340, %scan3A_350 : i32
        %get3A_370 = arith.index_cast %add3A_369 : i32 to index
        %get3A_371 = tpu.vector_load %arg7[%get3A_370] {strides = array<i32>} : memref<3144xi32, #tpu.memory_space<vmem>>, vector<16xi32>,
        %get3A_372 = vector.shape_cast %get3A_371 : vector<16xi32> to vector<16xi32>
        %slice3A_373 = vector.extract_strided_slice %get3A_372 {offsets = [0], sizes = [1], strides = [1]} : vector<16xi32> to vector<1xi32>
        %squeeze3A_374 = vector.extract %slice3A_373[0] : i32 from vector<1xi32>
        %ne3A_375 = arith.cmpi ne, %squeeze3A_374, %scan3A_351 : i32
        %convert_element_type3A = arith.extui %ne3A_375 : i1 to i32
        %cond3A = arith.constant 0 : i32
        %cond3A_376 = arith.cmpi ne, %convert_element_type3A, %cond3A : i32
        scf.if %cond3A_376 {
          %mul3A_500 = arith.constant 128 : i32
          %mul3A_501 = arith.muli %scan3A_351, %mul3A_500 : i32
          %add3A_502 = arith.constant 0 : i32
          %add3A_503 = arith.addi %mul3A_501, %add3A_502 : i32
          %swap3A_504 = arith.index_cast %add3A_503 : i32 to index
          %swap3A_505 = tpu.vector_load %arg10[%swap3A_504] {strides = array<i32>} : memref<8192xf32, #tpu.memory_space<vmem>>, vector<16xf32>,
          %swap3A_506 = vector.shape_cast %swap3A_505 : vector<16xf32> to vector<16xf32>
          %swap3A_507 = vector.shape_cast %scan3A_353 : vector<16xf32> to vector<16xf32>
          tpu.vector_store %arg10[%swap3A_504], %swap3A_507 {strides = array<i32>} : memref<8192xf32, #tpu.memory_space<vmem>>, vector<16xf32>,
          %mul3A_508 = arith.constant 128 : i32
          %mul3A_509 = arith.muli %scan3A_351, %mul3A_508 : i32
          %add3A_510 = arith.constant 0 : i32
          %add3A_511 = arith.addi %mul3A_509, %add3A_510 : i32
          %swap3A_512 = arith.index_cast %add3A_511 : i32 to index
          %swap3A_513 = tpu.vector_load %arg11[%swap3A_512] {strides = array<i32>} : memref<8192xf32, #tpu.memory_space<vmem>>, vector<16xf32>,
          %swap3A_514 = vector.shape_cast %swap3A_513 : vector<16xf32> to vector<16xf32>
          %swap3A_515 = vector.shape_cast %scan3A_361 : vector<16xf32> to vector<16xf32>
          tpu.vector_store %arg11[%swap3A_512], %swap3A_515 {strides = array<i32>} : memref<8192xf32, #tpu.memory_space<vmem>>, vector<16xf32>,
          %mul3A_516 = arith.constant 128 : i32
          %mul3A_517 = arith.muli %scan3A_351, %mul3A_516 : i32
          %add3A_518 = arith.constant 16 : i32
          %add3A_519 = arith.addi %mul3A_517, %add3A_518 : i32
          %swap3A_520 = arith.index_cast %add3A_519 : i32 to index
          %swap3A_521 = tpu.vector_load %arg10[%swap3A_520] {strides = array<i32>} : memref<8192xf32, #tpu.memory_space<vmem>>, vector<16xf32>,
          %swap3A_522 = vector.shape_cast %swap3A_521 : vector<16xf32> to vector<16xf32>
          %swap3A_523 = vector.shape_cast %scan3A_354 : vector<16xf32> to vector<16xf32>
          tpu.vector_store %arg10[%swap3A_520], %swap3A_523 {strides = array<i32>} : memref<8192xf32, #tpu.memory_space<vmem>>, vector<16xf32>,
          %mul3A_524 = arith.constant 128 : i32
          %mul3A_525 = arith.muli %scan3A_351, %mul3A_524 : i32
          %add3A_526 = arith.constant 16 : i32
          %add3A_527 = arith.addi %mul3A_525, %add3A_526 : i32
          %swap3A_528 = arith.index_cast %add3A_527 : i32 to index
          %swap3A_529 = tpu.vector_load %arg11[%swap3A_528] {strides = array<i32>} : memref<8192xf32, #tpu.memory_space<vmem>>, vector<16xf32>,
          %swap3A_530 = vector.shape_cast %swap3A_529 : vector<16xf32> to vector<16xf32>
          %swap3A_531 = vector.shape_cast %scan3A_362 : vector<16xf32> to vector<16xf32>
          tpu.vector_store %arg11[%swap3A_528], %swap3A_531 {strides = array<i32>} : memref<8192xf32, #tpu.memory_space<vmem>>, vector<16xf32>,
          %mul3A_532 = arith.constant 128 : i32
          %mul3A_533 = arith.muli %scan3A_351, %mul3A_532 : i32
          %add3A_534 = arith.constant 32 : i32
          %add3A_535 = arith.addi %mul3A_533, %add3A_534 : i32
          %swap3A_536 = arith.index_cast %add3A_535 : i32 to index
          %swap3A_537 = tpu.vector_load %arg10[%swap3A_536] {strides = array<i32>} : memref<8192xf32, #tpu.memory_space<vmem>>, vector<16xf32>,
          %swap3A_538 = vector.shape_cast %swap3A_537 : vector<16xf32> to vector<16xf32>
          %swap3A_539 = vector.shape_cast %scan3A_355 : vector<16xf32> to vector<16xf32>
          tpu.vector_store %arg10[%swap3A_536], %swap3A_539 {strides = array<i32>} : memref<8192xf32, #tpu.memory_space<vmem>>, vector<16xf32>,
          %mul3A_540 = arith.constant 128 : i32
          %mul3A_541 = arith.muli %scan3A_351, %mul3A_540 : i32
          %add3A_542 = arith.constant 32 : i32
          %add3A_543 = arith.addi %mul3A_541, %add3A_542 : i32
          %swap3A_544 = arith.index_cast %add3A_543 : i32 to index
          %swap3A_545 = tpu.vector_load %arg11[%swap3A_544] {strides = array<i32>} : memref<8192xf32, #tpu.memory_space<vmem>>, vector<16xf32>,
          %swap3A_546 = vector.shape_cast %swap3A_545 : vector<16xf32> to vector<16xf32>
          %swap3A_547 = vector.shape_cast %scan3A_363 : vector<16xf32> to vector<16xf32>
          tpu.vector_store %arg11[%swap3A_544], %swap3A_547 {strides = array<i32>} : memref<8192xf32, #tpu.memory_space<vmem>>, vector<16xf32>,
          %mul3A_548 = arith.constant 128 : i32
          %mul3A_549 = arith.muli %scan3A_351, %mul3A_548 : i32
          %add3A_550 = arith.constant 48 : i32
          %add3A_551 = arith.addi %mul3A_549, %add3A_550 : i32
          %swap3A_552 = arith.index_cast %add3A_551 : i32 to index
          %swap3A_553 = tpu.vector_load %arg10[%swap3A_552] {strides = array<i32>} : memref<8192xf32, #tpu.memory_space<vmem>>, vector<16xf32>,
          %swap3A_554 = vector.shape_cast %swap3A_553 : vector<16xf32> to vector<16xf32>
          %swap3A_555 = vector.shape_cast %scan3A_356 : vector<16xf32> to vector<16xf32>
          tpu.vector_store %arg10[%swap3A_552], %swap3A_555 {strides = array<i32>} : memref<8192xf32, #tpu.memory_space<vmem>>, vector<16xf32>,
          %mul3A_556 = arith.constant 128 : i32
          %mul3A_557 = arith.muli %scan3A_351, %mul3A_556 : i32
          %add3A_558 = arith.constant 48 : i32
          %add3A_559 = arith.addi %mul3A_557, %add3A_558 : i32
          %swap3A_560 = arith.index_cast %add3A_559 : i32 to index
          %swap3A_561 = tpu.vector_load %arg11[%swap3A_560] {strides = array<i32>} : memref<8192xf32, #tpu.memory_space<vmem>>, vector<16xf32>,
          %swap3A_562 = vector.shape_cast %swap3A_561 : vector<16xf32> to vector<16xf32>
          %swap3A_563 = vector.shape_cast %scan3A_364 : vector<16xf32> to vector<16xf32>
          tpu.vector_store %arg11[%swap3A_560], %swap3A_563 {strides = array<i32>} : memref<8192xf32, #tpu.memory_space<vmem>>, vector<16xf32>,
          %mul3A_564 = arith.constant 128 : i32
          %mul3A_565 = arith.muli %scan3A_351, %mul3A_564 : i32
          %add3A_566 = arith.constant 64 : i32
          %add3A_567 = arith.addi %mul3A_565, %add3A_566 : i32
          %swap3A_568 = arith.index_cast %add3A_567 : i32 to index
          %swap3A_569 = tpu.vector_load %arg10[%swap3A_568] {strides = array<i32>} : memref<8192xf32, #tpu.memory_space<vmem>>, vector<16xf32>,
          %swap3A_570 = vector.shape_cast %swap3A_569 : vector<16xf32> to vector<16xf32>
          %swap3A_571 = vector.shape_cast %scan3A_357 : vector<16xf32> to vector<16xf32>
          tpu.vector_store %arg10[%swap3A_568], %swap3A_571 {strides = array<i32>} : memref<8192xf32, #tpu.memory_space<vmem>>, vector<16xf32>,
          %mul3A_572 = arith.constant 128 : i32
          %mul3A_573 = arith.muli %scan3A_351, %mul3A_572 : i32
          %add3A_574 = arith.constant 64 : i32
          %add3A_575 = arith.addi %mul3A_573, %add3A_574 : i32
          %swap3A_576 = arith.index_cast %add3A_575 : i32 to index
          %swap3A_577 = tpu.vector_load %arg11[%swap3A_576] {strides = array<i32>} : memref<8192xf32, #tpu.memory_space<vmem>>, vector<16xf32>,
          %swap3A_578 = vector.shape_cast %swap3A_577 : vector<16xf32> to vector<16xf32>
          %swap3A_579 = vector.shape_cast %scan3A_365 : vector<16xf32> to vector<16xf32>
          tpu.vector_store %arg11[%swap3A_576], %swap3A_579 {strides = array<i32>} : memref<8192xf32, #tpu.memory_space<vmem>>, vector<16xf32>,
          %mul3A_580 = arith.constant 128 : i32
          %mul3A_581 = arith.muli %scan3A_351, %mul3A_580 : i32
          %add3A_582 = arith.constant 80 : i32
          %add3A_583 = arith.addi %mul3A_581, %add3A_582 : i32
          %swap3A_584 = arith.index_cast %add3A_583 : i32 to index
          %swap3A_585 = tpu.vector_load %arg10[%swap3A_584] {strides = array<i32>} : memref<8192xf32, #tpu.memory_space<vmem>>, vector<16xf32>,
          %swap3A_586 = vector.shape_cast %swap3A_585 : vector<16xf32> to vector<16xf32>
          %swap3A_587 = vector.shape_cast %scan3A_358 : vector<16xf32> to vector<16xf32>
          tpu.vector_store %arg10[%swap3A_584], %swap3A_587 {strides = array<i32>} : memref<8192xf32, #tpu.memory_space<vmem>>, vector<16xf32>,
          %mul3A_588 = arith.constant 128 : i32
          %mul3A_589 = arith.muli %scan3A_351, %mul3A_588 : i32
          %add3A_590 = arith.constant 80 : i32
          %add3A_591 = arith.addi %mul3A_589, %add3A_590 : i32
          %swap3A_592 = arith.index_cast %add3A_591 : i32 to index
          %swap3A_593 = tpu.vector_load %arg11[%swap3A_592] {strides = array<i32>} : memref<8192xf32, #tpu.memory_space<vmem>>, vector<16xf32>,
          %swap3A_594 = vector.shape_cast %swap3A_593 : vector<16xf32> to vector<16xf32>
          %swap3A_595 = vector.shape_cast %scan3A_366 : vector<16xf32> to vector<16xf32>
          tpu.vector_store %arg11[%swap3A_592], %swap3A_595 {strides = array<i32>} : memref<8192xf32, #tpu.memory_space<vmem>>, vector<16xf32>,
          %mul3A_596 = arith.constant 128 : i32
          %mul3A_597 = arith.muli %scan3A_351, %mul3A_596 : i32
          %add3A_598 = arith.constant 96 : i32
          %add3A_599 = arith.addi %mul3A_597, %add3A_598 : i32
          %swap3A_600 = arith.index_cast %add3A_599 : i32 to index
          %swap3A_601 = tpu.vector_load %arg10[%swap3A_600] {strides = array<i32>} : memref<8192xf32, #tpu.memory_space<vmem>>, vector<16xf32>,
          %swap3A_602 = vector.shape_cast %swap3A_601 : vector<16xf32> to vector<16xf32>
          %swap3A_603 = vector.shape_cast %scan3A_359 : vector<16xf32> to vector<16xf32>
          tpu.vector_store %arg10[%swap3A_600], %swap3A_603 {strides = array<i32>} : memref<8192xf32, #tpu.memory_space<vmem>>, vector<16xf32>,
          %mul3A_604 = arith.constant 128 : i32
          %mul3A_605 = arith.muli %scan3A_351, %mul3A_604 : i32
          %add3A_606 = arith.constant 96 : i32
          %add3A_607 = arith.addi %mul3A_605, %add3A_606 : i32
          %swap3A_608 = arith.index_cast %add3A_607 : i32 to index
          %swap3A_609 = tpu.vector_load %arg11[%swap3A_608] {strides = array<i32>} : memref<8192xf32, #tpu.memory_space<vmem>>, vector<16xf32>,
          %swap3A_610 = vector.shape_cast %swap3A_609 : vector<16xf32> to vector<16xf32>
          %swap3A_611 = vector.shape_cast %scan3A_367 : vector<16xf32> to vector<16xf32>
          tpu.vector_store %arg11[%swap3A_608], %swap3A_611 {strides = array<i32>} : memref<8192xf32, #tpu.memory_space<vmem>>, vector<16xf32>,
          %mul3A_612 = arith.constant 128 : i32
          %mul3A_613 = arith.muli %scan3A_351, %mul3A_612 : i32
          %add3A_614 = arith.constant 112 : i32
          %add3A_615 = arith.addi %mul3A_613, %add3A_614 : i32
          %swap3A_616 = arith.index_cast %add3A_615 : i32 to index
          %swap3A_617 = tpu.vector_load %arg10[%swap3A_616] {strides = array<i32>} : memref<8192xf32, #tpu.memory_space<vmem>>, vector<16xf32>,
          %swap3A_618 = vector.shape_cast %swap3A_617 : vector<16xf32> to vector<16xf32>
          %swap3A_619 = vector.shape_cast %scan3A_360 : vector<16xf32> to vector<16xf32>
          tpu.vector_store %arg10[%swap3A_616], %swap3A_619 {strides = array<i32>} : memref<8192xf32, #tpu.memory_space<vmem>>, vector<16xf32>,
          %mul3A_620 = arith.constant 128 : i32
          %mul3A_621 = arith.muli %scan3A_351, %mul3A_620 : i32
          %add3A_622 = arith.constant 112 : i32
          %add3A_623 = arith.addi %mul3A_621, %add3A_622 : i32
          %swap3A_624 = arith.index_cast %add3A_623 : i32 to index
          %swap3A_625 = tpu.vector_load %arg11[%swap3A_624] {strides = array<i32>} : memref<8192xf32, #tpu.memory_space<vmem>>, vector<16xf32>,
          %swap3A_626 = vector.shape_cast %swap3A_625 : vector<16xf32> to vector<16xf32>
          %swap3A_627 = vector.shape_cast %scan3A_368 : vector<16xf32> to vector<16xf32>
          tpu.vector_store %arg11[%swap3A_624], %swap3A_627 {strides = array<i32>} : memref<8192xf32, #tpu.memory_space<vmem>>, vector<16xf32>,
          %broadcast_in_dim3A_628 = vector.broadcast %scan3A_352 : f32 to vector<16xf32>
          %mul3A_629 = arith.constant 16 : i32
          %mul3A_630 = arith.muli %scan3A_351, %mul3A_629 : i32
          %swap3A_631 = arith.index_cast %mul3A_630 : i32 to index
          %swap3A_632 = tpu.vector_load %arg12[%swap3A_631] {strides = array<i32>} : memref<1024xf32, #tpu.memory_space<vmem>>, vector<16xf32>,
          %swap3A_633 = vector.shape_cast %swap3A_632 : vector<16xf32> to vector<16xf32>
          %swap3A_634 = vector.shape_cast %broadcast_in_dim3A_628 : vector<16xf32> to vector<16xf32>
          tpu.vector_store %arg12[%swap3A_631], %swap3A_634 {strides = array<i32>} : memref<1024xf32, #tpu.memory_space<vmem>>, vector<16xf32>,
        } else {
        }
        %jit3A_377 = arith.constant 0.000000e+00 : f32
        %select_n3A_378 = arith.select %ne3A_375, %jit3A_377, %scan3A_352 : f32
        %jit3A_379 = arith.constant 0.000000e+00 : f32
        %broadcast_in_dim3A_380 = vector.broadcast %jit3A_379 : f32 to vector<16xf32>
        %select_n3A_381 = arith.select %ne3A_375, %broadcast_in_dim3A_380, %scan3A_353 : vector<16xf32>
        %jit3A_382 = arith.constant 0.000000e+00 : f32
        %broadcast_in_dim3A_383 = vector.broadcast %jit3A_382 : f32 to vector<16xf32>
        %select_n3A_384 = arith.select %ne3A_375, %broadcast_in_dim3A_383, %scan3A_354 : vector<16xf32>
        %jit3A_385 = arith.constant 0.000000e+00 : f32
        %broadcast_in_dim3A_386 = vector.broadcast %jit3A_385 : f32 to vector<16xf32>
        %select_n3A_387 = arith.select %ne3A_375, %broadcast_in_dim3A_386, %scan3A_355 : vector<16xf32>
        %jit3A_388 = arith.constant 0.000000e+00 : f32
        %broadcast_in_dim3A_389 = vector.broadcast %jit3A_388 : f32 to vector<16xf32>
        %select_n3A_390 = arith.select %ne3A_375, %broadcast_in_dim3A_389, %scan3A_356 : vector<16xf32>
        %jit3A_391 = arith.constant 0.000000e+00 : f32
        %broadcast_in_dim3A_392 = vector.broadcast %jit3A_391 : f32 to vector<16xf32>
        %select_n3A_393 = arith.select %ne3A_375, %broadcast_in_dim3A_392, %scan3A_357 : vector<16xf32>
        %jit3A_394 = arith.constant 0.000000e+00 : f32
        %broadcast_in_dim3A_395 = vector.broadcast %jit3A_394 : f32 to vector<16xf32>
        %select_n3A_396 = arith.select %ne3A_375, %broadcast_in_dim3A_395, %scan3A_358 : vector<16xf32>
        %jit3A_397 = arith.constant 0.000000e+00 : f32
        %broadcast_in_dim3A_398 = vector.broadcast %jit3A_397 : f32 to vector<16xf32>
        %select_n3A_399 = arith.select %ne3A_375, %broadcast_in_dim3A_398, %scan3A_359 : vector<16xf32>
        %jit3A_400 = arith.constant 0.000000e+00 : f32
        %broadcast_in_dim3A_401 = vector.broadcast %jit3A_400 : f32 to vector<16xf32>
        %select_n3A_402 = arith.select %ne3A_375, %broadcast_in_dim3A_401, %scan3A_360 : vector<16xf32>
        %jit3A_403 = arith.constant 0xFF800000 : f32
        %broadcast_in_dim3A_404 = vector.broadcast %jit3A_403 : f32 to vector<16xf32>
        %select_n3A_405 = arith.select %ne3A_375, %broadcast_in_dim3A_404, %scan3A_361 : vector<16xf32>
        %jit3A_406 = arith.constant 0xFF800000 : f32
        %broadcast_in_dim3A_407 = vector.broadcast %jit3A_406 : f32 to vector<16xf32>
        %select_n3A_408 = arith.select %ne3A_375, %broadcast_in_dim3A_407, %scan3A_362 : vector<16xf32>
        %jit3A_409 = arith.constant 0xFF800000 : f32
        %broadcast_in_dim3A_410 = vector.broadcast %jit3A_409 : f32 to vector<16xf32>
        %select_n3A_411 = arith.select %ne3A_375, %broadcast_in_dim3A_410, %scan3A_363 : vector<16xf32>
        %jit3A_412 = arith.constant 0xFF800000 : f32
        %broadcast_in_dim3A_413 = vector.broadcast %jit3A_412 : f32 to vector<16xf32>
        %select_n3A_414 = arith.select %ne3A_375, %broadcast_in_dim3A_413, %scan3A_364 : vector<16xf32>
        %jit3A_415 = arith.constant 0xFF800000 : f32
        %broadcast_in_dim3A_416 = vector.broadcast %jit3A_415 : f32 to vector<16xf32>
        %select_n3A_417 = arith.select %ne3A_375, %broadcast_in_dim3A_416, %scan3A_365 : vector<16xf32>
        %jit3A_418 = arith.constant 0xFF800000 : f32
        %broadcast_in_dim3A_419 = vector.broadcast %jit3A_418 : f32 to vector<16xf32>
        %select_n3A_420 = arith.select %ne3A_375, %broadcast_in_dim3A_419, %scan3A_366 : vector<16xf32>
        %jit3A_421 = arith.constant 0xFF800000 : f32
        %broadcast_in_dim3A_422 = vector.broadcast %jit3A_421 : f32 to vector<16xf32>
        %select_n3A_423 = arith.select %ne3A_375, %broadcast_in_dim3A_422, %scan3A_367 : vector<16xf32>
        %jit3A_424 = arith.constant 0xFF800000 : f32
        %broadcast_in_dim3A_425 = vector.broadcast %jit3A_424 : f32 to vector<16xf32>
        %select_n3A_426 = arith.select %ne3A_375, %broadcast_in_dim3A_425, %scan3A_368 : vector<16xf32>
        %mul3A_427 = arith.constant 128 : i32
        %mul3A_428 = arith.muli %scan3A_350, %mul3A_427 : i32
        %add3A_429 = arith.constant 0 : i32
        %add3A_430 = arith.addi %mul3A_428, %add3A_429 : i32
        %get3A_431 = arith.index_cast %add3A_430 : i32 to index
        %get3A_432 = tpu.vector_load %arg9[%get3A_431] {strides = array<i32>} : memref<1024xf32, #tpu.memory_space<vmem>>, vector<16xf32>,
        %get3A_433 = vector.shape_cast %get3A_432 : vector<16xf32> to vector<16xf32>
        %mul3A_434 = arith.constant 128 : i32
        %mul3A_435 = arith.muli %scan3A_350, %mul3A_434 : i32
        %add3A_436 = arith.constant 16 : i32
        %add3A_437 = arith.addi %mul3A_435, %add3A_436 : i32
        %get3A_438 = arith.index_cast %add3A_437 : i32 to index
        %get3A_439 = tpu.vector_load %arg9[%get3A_438] {strides = array<i32>} : memref<1024xf32, #tpu.memory_space<vmem>>, vector<16xf32>,
        %get3A_440 = vector.shape_cast %get3A_439 : vector<16xf32> to vector<16xf32>
        %mul3A_441 = arith.constant 128 : i32
        %mul3A_442 = arith.muli %scan3A_350, %mul3A_441 : i32
        %add3A_443 = arith.constant 32 : i32
        %add3A_444 = arith.addi %mul3A_442, %add3A_443 : i32
        %get3A_445 = arith.index_cast %add3A_444 : i32 to index
        %get3A_446 = tpu.vector_load %arg9[%get3A_445] {strides = array<i32>} : memref<1024xf32, #tpu.memory_space<vmem>>, vector<16xf32>,
        %get3A_447 = vector.shape_cast %get3A_446 : vector<16xf32> to vector<16xf32>
        %mul3A_448 = arith.constant 128 : i32
        %mul3A_449 = arith.muli %scan3A_350, %mul3A_448 : i32
        %add3A_450 = arith.constant 48 : i32
        %add3A_451 = arith.addi %mul3A_449, %add3A_450 : i32
        %get3A_452 = arith.index_cast %add3A_451 : i32 to index
        %get3A_453 = tpu.vector_load %arg9[%get3A_452] {strides = array<i32>} : memref<1024xf32, #tpu.memory_space<vmem>>, vector<16xf32>,
        %get3A_454 = vector.shape_cast %get3A_453 : vector<16xf32> to vector<16xf32>
        %mul3A_455 = arith.constant 128 : i32
        %mul3A_456 = arith.muli %scan3A_350, %mul3A_455 : i32
        %add3A_457 = arith.constant 64 : i32
        %add3A_458 = arith.addi %mul3A_456, %add3A_457 : i32
        %get3A_459 = arith.index_cast %add3A_458 : i32 to index
        %get3A_460 = tpu.vector_load %arg9[%get3A_459] {strides = array<i32>} : memref<1024xf32, #tpu.memory_space<vmem>>, vector<16xf32>,
        %get3A_461 = vector.shape_cast %get3A_460 : vector<16xf32> to vector<16xf32>
        %mul3A_462 = arith.constant 128 : i32
        %mul3A_463 = arith.muli %scan3A_350, %mul3A_462 : i32
        %add3A_464 = arith.constant 80 : i32
        %add3A_465 = arith.addi %mul3A_463, %add3A_464 : i32
        %get3A_466 = arith.index_cast %add3A_465 : i32 to index
        %get3A_467 = tpu.vector_load %arg9[%get3A_466] {strides = array<i32>} : memref<1024xf32, #tpu.memory_space<vmem>>, vector<16xf32>,
        %get3A_468 = vector.shape_cast %get3A_467 : vector<16xf32> to vector<16xf32>
        %mul3A_469 = arith.constant 128 : i32
        %mul3A_470 = arith.muli %scan3A_350, %mul3A_469 : i32
        %add3A_471 = arith.constant 96 : i32
        %add3A_472 = arith.addi %mul3A_470, %add3A_471 : i32
        %get3A_473 = arith.index_cast %add3A_472 : i32 to index
        %get3A_474 = tpu.vector_load %arg9[%get3A_473] {strides = array<i32>} : memref<1024xf32, #tpu.memory_space<vmem>>, vector<16xf32>,
        %get3A_475 = vector.shape_cast %get3A_474 : vector<16xf32> to vector<16xf32>
        %mul3A_476 = arith.constant 128 : i32
        %mul3A_477 = arith.muli %scan3A_350, %mul3A_476 : i32
        %add3A_478 = arith.constant 112 : i32
        %add3A_479 = arith.addi %mul3A_477, %add3A_478 : i32
        %get3A_480 = arith.index_cast %add3A_479 : i32 to index
        %get3A_481 = tpu.vector_load %arg9[%get3A_480] {strides = array<i32>} : memref<1024xf32, #tpu.memory_space<vmem>>, vector<16xf32>,
        %get3A_482 = vector.shape_cast %get3A_481 : vector<16xf32> to vector<16xf32>
        %add3A_483 = arith.addf %select_n3A_381, %get3A_433 : vector<16xf32>
        %add3A_484 = arith.addf %select_n3A_384, %get3A_440 : vector<16xf32>
        %add3A_485 = arith.addf %select_n3A_387, %get3A_447 : vector<16xf32>
        %add3A_486 = arith.addf %select_n3A_390, %get3A_454 : vector<16xf32>
        %add3A_487 = arith.addf %select_n3A_393, %get3A_461 : vector<16xf32>
        %add3A_488 = arith.addf %select_n3A_396, %get3A_468 : vector<16xf32>
        %add3A_489 = arith.addf %select_n3A_399, %get3A_475 : vector<16xf32>
        %add3A_490 = arith.addf %select_n3A_402, %get3A_482 : vector<16xf32>
        %max3A = arith.maximumf %select_n3A_405, %get3A_433 : vector<16xf32>
        %max3A_491 = arith.maximumf %select_n3A_408, %get3A_440 : vector<16xf32>
        %max3A_492 = arith.maximumf %select_n3A_411, %get3A_447 : vector<16xf32>
        %max3A_493 = arith.maximumf %select_n3A_414, %get3A_454 : vector<16xf32>
        %max3A_494 = arith.maximumf %select_n3A_417, %get3A_461 : vector<16xf32>
        %max3A_495 = arith.maximumf %select_n3A_420, %get3A_468 : vector<16xf32>
        %max3A_496 = arith.maximumf %select_n3A_423, %get3A_475 : vector<16xf32>
        %max3A_497 = arith.maximumf %select_n3A_426, %get3A_482 : vector<16xf32>
        %add3A_498 = arith.constant 1.000000e+00 : f32
        %add3A_499 = arith.addf %select_n3A_378, %add3A_498 : f32
        scf.yield %squeeze3A_374, %add3A_499, %add3A_483, %add3A_484, %add3A_485, %add3A_486, %add3A_487, %add3A_488, %add3A_489, %add3A_490, %max3A, %max3A_491, %max3A_492, %max3A_493, %max3A_494, %max3A_495, %max3A_496, %max3A_497 : i32, f32, vector<16xf32>, vector<16xf32>, vector<16xf32>, vector<16xf32>, vector<16xf32>, vector<16xf32>, vector<16xf32>, vector<16xf32>, vector<16xf32>, vector<16xf32>, vector<16xf32>, vector<16xf32>, vector<16xf32>, vector<16xf32>, vector<16xf32>, vector<16xf32>
      }
      %scan3A_349 = arith.constant 8 : i32
      scf.yield %scan3A_348#0, %scan3A_348#1, %scan3A_348#2, %scan3A_348#3, %scan3A_348#4, %scan3A_348#5, %scan3A_348#6, %scan3A_348#7, %scan3A_348#8, %scan3A_348#9, %scan3A_348#10, %scan3A_348#11, %scan3A_348#12, %scan3A_348#13, %scan3A_348#14, %scan3A_348#15, %scan3A_348#16, %scan3A_348#17 : i32, f32, vector<16xf32>, vector<16xf32>, vector<16xf32>, vector<16xf32>, vector<16xf32>, vector<16xf32>, vector<16xf32>, vector<16xf32>, vector<16xf32>, vector<16xf32>, vector<16xf32>, vector<16xf32>, vector<16xf32>, vector<16xf32>, vector<16xf32>, vector<16xf32>
    }
    %while3A_169 = arith.constant 1 : i32
    %while3A_170:18 = scf.for %while3A_317 = %while3A_166 to %while3A_162 step %while3A_169 iter_args(%while3A_318 = %while3A_168#0, %while3A_319 = %while3A_168#1, %while3A_320 = %while3A_168#2, %while3A_321 = %while3A_168#3, %while3A_322 = %while3A_168#4, %while3A_323 = %while3A_168#5, %while3A_324 = %while3A_168#6, %while3A_325 = %while3A_168#7, %while3A_326 = %while3A_168#8, %while3A_327 = %while3A_168#9, %while3A_328 = %while3A_168#10, %while3A_329 = %while3A_168#11, %while3A_330 = %while3A_168#12, %while3A_331 = %while3A_168#13, %while3A_332 = %while3A_168#14, %while3A_333 = %while3A_168#15, %while3A_334 = %while3A_168#16, %while3A_335 = %while3A_168#17) -> (i32, f32, vector<16xf32>, vector<16xf32>, vector<16xf32>, vector<16xf32>, vector<16xf32>, vector<16xf32>, vector<16xf32>, vector<16xf32>, vector<16xf32>, vector<16xf32>, vector<16xf32>, vector<16xf32>, vector<16xf32>, vector<16xf32>, vector<16xf32>, vector<16xf32>)  : i32 {
      %mul3A_336 = arith.constant 128 : i32
      %mul3A_337 = arith.muli %select_n3A_121, %mul3A_336 : i32
      %mul3A_338 = arith.constant 8 : i32
      %mul3A_339 = arith.muli %while3A_317, %mul3A_338 : i32
      %add3A_340 = arith.addi %mul3A_337, %mul3A_339 : i32
      %add3A_341 = arith.addi %mul3A_20, %add3A_340 : i32
      %mul3A_342 = arith.constant 128 : i32
      %mul3A_343 = arith.muli %add3A_341, %mul3A_342 : i32
      "tpu.region"() ({
        %run_scoped3A = tpu.sem_alloc : memref<!tpu.dma_semaphore, #tpu.memory_space<semaphore_mem>>
        %dma_start3A = tpu.memref_slice %arg2[%mul3A_343] : memref<12800000xf32, #tpu.memory_space<hbm>> -> memref<1024xf32, #tpu.memory_space<hbm>>
        %dma_start3A_350 = tpu.memref_slice %arg2[%mul3A_343] : memref<12800000xf32, #tpu.memory_space<hbm>> -> memref<1024xf32, #tpu.memory_space<hbm>>
        tpu.enqueue_dma source(%dma_start3A_350 : memref<1024xf32, #tpu.memory_space<hbm>>) target(%arg9 : memref<1024xf32, #tpu.memory_space<vmem>>) target_semaphore(%run_scoped3A : memref<!tpu.dma_semaphore, #tpu.memory_space<semaphore_mem>>)
        %dma_wait3A = tpu.memref_slice %arg2[%mul3A_343] : memref<12800000xf32, #tpu.memory_space<hbm>> -> memref<1024xf32, #tpu.memory_space<hbm>>
        %dma_wait3A_351 = tpu.memref_slice %arg2[%mul3A_343] : memref<12800000xf32, #tpu.memory_space<hbm>> -> memref<1024xf32, #tpu.memory_space<hbm>>
        tpu.wait_dma2 semaphore(%run_scoped3A : memref<!tpu.dma_semaphore, #tpu.memory_space<semaphore_mem>>) src(%dma_wait3A_351 : memref<1024xf32, #tpu.memory_space<hbm>>) dst(%arg9 : memref<1024xf32, #tpu.memory_space<vmem>>)
        tpu.yield
      }) : () -> ()
      %scan3A_344 = arith.constant 0 : i32
      %scan3A_345 = arith.constant 8 : i32
      %scan3A_346 = arith.addi %scan3A_344, %scan3A_345 : i32
      %scan3A_347 = arith.constant 1 : i32
      %scan3A_348:18 = scf.for %scan3A_350 = %scan3A_344 to %scan3A_346 step %scan3A_347 iter_args(%scan3A_351 = %while3A_318, %scan3A_352 = %while3A_319, %scan3A_353 = %while3A_320, %scan3A_354 = %while3A_321, %scan3A_355 = %while3A_322, %scan3A_356 = %while3A_323, %scan3A_357 = %while3A_324, %scan3A_358 = %while3A_325, %scan3A_359 = %while3A_326, %scan3A_360 = %while3A_327, %scan3A_361 = %while3A_328, %scan3A_362 = %while3A_329, %scan3A_363 = %while3A_330, %scan3A_364 = %while3A_331, %scan3A_365 = %while3A_332, %scan3A_366 = %while3A_333, %scan3A_367 = %while3A_334, %scan3A_368 = %while3A_335) -> (i32, f32, vector<16xf32>, vector<16xf32>, vector<16xf32>, vector<16xf32>, vector<16xf32>, vector<16xf32>, vector<16xf32>, vector<16xf32>, vector<16xf32>, vector<16xf32>, vector<16xf32>, vector<16xf32>, vector<16xf32>, vector<16xf32>, vector<16xf32>, vector<16xf32>)  : i32 {
        %add3A_369 = arith.addi %add3A_340, %scan3A_350 : i32
        %get3A_370 = arith.index_cast %add3A_369 : i32 to index
        %get3A_371 = tpu.vector_load %arg7[%get3A_370] {strides = array<i32>} : memref<3144xi32, #tpu.memory_space<vmem>>, vector<16xi32>,
        %get3A_372 = vector.shape_cast %get3A_371 : vector<16xi32> to vector<16xi32>
        %slice3A_373 = vector.extract_strided_slice %get3A_372 {offsets = [0], sizes = [1], strides = [1]} : vector<16xi32> to vector<1xi32>
        %squeeze3A_374 = vector.extract %slice3A_373[0] : i32 from vector<1xi32>
        %ne3A_375 = arith.cmpi ne, %squeeze3A_374, %scan3A_351 : i32
        %convert_element_type3A = arith.extui %ne3A_375 : i1 to i32
        %cond3A = arith.constant 0 : i32
        %cond3A_376 = arith.cmpi ne, %convert_element_type3A, %cond3A : i32
        scf.if %cond3A_376 {
          %mul3A_500 = arith.constant 128 : i32
          %mul3A_501 = arith.muli %scan3A_351, %mul3A_500 : i32
          %add3A_502 = arith.constant 0 : i32
          %add3A_503 = arith.addi %mul3A_501, %add3A_502 : i32
          %swap3A_504 = arith.index_cast %add3A_503 : i32 to index
          %swap3A_505 = tpu.vector_load %arg10[%swap3A_504] {strides = array<i32>} : memref<8192xf32, #tpu.memory_space<vmem>>, vector<16xf32>,
          %swap3A_506 = vector.shape_cast %swap3A_505 : vector<16xf32> to vector<16xf32>
          %swap3A_507 = vector.shape_cast %scan3A_353 : vector<16xf32> to vector<16xf32>
          tpu.vector_store %arg10[%swap3A_504], %swap3A_507 {strides = array<i32>} : memref<8192xf32, #tpu.memory_space<vmem>>, vector<16xf32>,
          %mul3A_508 = arith.constant 128 : i32
          %mul3A_509 = arith.muli %scan3A_351, %mul3A_508 : i32
          %add3A_510 = arith.constant 0 : i32
          %add3A_511 = arith.addi %mul3A_509, %add3A_510 : i32
          %swap3A_512 = arith.index_cast %add3A_511 : i32 to index
          %swap3A_513 = tpu.vector_load %arg11[%swap3A_512] {strides = array<i32>} : memref<8192xf32, #tpu.memory_space<vmem>>, vector<16xf32>,
          %swap3A_514 = vector.shape_cast %swap3A_513 : vector<16xf32> to vector<16xf32>
          %swap3A_515 = vector.shape_cast %scan3A_361 : vector<16xf32> to vector<16xf32>
          tpu.vector_store %arg11[%swap3A_512], %swap3A_515 {strides = array<i32>} : memref<8192xf32, #tpu.memory_space<vmem>>, vector<16xf32>,
          %mul3A_516 = arith.constant 128 : i32
          %mul3A_517 = arith.muli %scan3A_351, %mul3A_516 : i32
          %add3A_518 = arith.constant 16 : i32
          %add3A_519 = arith.addi %mul3A_517, %add3A_518 : i32
          %swap3A_520 = arith.index_cast %add3A_519 : i32 to index
          %swap3A_521 = tpu.vector_load %arg10[%swap3A_520] {strides = array<i32>} : memref<8192xf32, #tpu.memory_space<vmem>>, vector<16xf32>,
          %swap3A_522 = vector.shape_cast %swap3A_521 : vector<16xf32> to vector<16xf32>
          %swap3A_523 = vector.shape_cast %scan3A_354 : vector<16xf32> to vector<16xf32>
          tpu.vector_store %arg10[%swap3A_520], %swap3A_523 {strides = array<i32>} : memref<8192xf32, #tpu.memory_space<vmem>>, vector<16xf32>,
          %mul3A_524 = arith.constant 128 : i32
          %mul3A_525 = arith.muli %scan3A_351, %mul3A_524 : i32
          %add3A_526 = arith.constant 16 : i32
          %add3A_527 = arith.addi %mul3A_525, %add3A_526 : i32
          %swap3A_528 = arith.index_cast %add3A_527 : i32 to index
          %swap3A_529 = tpu.vector_load %arg11[%swap3A_528] {strides = array<i32>} : memref<8192xf32, #tpu.memory_space<vmem>>, vector<16xf32>,
          %swap3A_530 = vector.shape_cast %swap3A_529 : vector<16xf32> to vector<16xf32>
          %swap3A_531 = vector.shape_cast %scan3A_362 : vector<16xf32> to vector<16xf32>
          tpu.vector_store %arg11[%swap3A_528], %swap3A_531 {strides = array<i32>} : memref<8192xf32, #tpu.memory_space<vmem>>, vector<16xf32>,
          %mul3A_532 = arith.constant 128 : i32
          %mul3A_533 = arith.muli %scan3A_351, %mul3A_532 : i32
          %add3A_534 = arith.constant 32 : i32
          %add3A_535 = arith.addi %mul3A_533, %add3A_534 : i32
          %swap3A_536 = arith.index_cast %add3A_535 : i32 to index
          %swap3A_537 = tpu.vector_load %arg10[%swap3A_536] {strides = array<i32>} : memref<8192xf32, #tpu.memory_space<vmem>>, vector<16xf32>,
          %swap3A_538 = vector.shape_cast %swap3A_537 : vector<16xf32> to vector<16xf32>
          %swap3A_539 = vector.shape_cast %scan3A_355 : vector<16xf32> to vector<16xf32>
          tpu.vector_store %arg10[%swap3A_536], %swap3A_539 {strides = array<i32>} : memref<8192xf32, #tpu.memory_space<vmem>>, vector<16xf32>,
          %mul3A_540 = arith.constant 128 : i32
          %mul3A_541 = arith.muli %scan3A_351, %mul3A_540 : i32
          %add3A_542 = arith.constant 32 : i32
          %add3A_543 = arith.addi %mul3A_541, %add3A_542 : i32
          %swap3A_544 = arith.index_cast %add3A_543 : i32 to index
          %swap3A_545 = tpu.vector_load %arg11[%swap3A_544] {strides = array<i32>} : memref<8192xf32, #tpu.memory_space<vmem>>, vector<16xf32>,
          %swap3A_546 = vector.shape_cast %swap3A_545 : vector<16xf32> to vector<16xf32>
          %swap3A_547 = vector.shape_cast %scan3A_363 : vector<16xf32> to vector<16xf32>
          tpu.vector_store %arg11[%swap3A_544], %swap3A_547 {strides = array<i32>} : memref<8192xf32, #tpu.memory_space<vmem>>, vector<16xf32>,
          %mul3A_548 = arith.constant 128 : i32
          %mul3A_549 = arith.muli %scan3A_351, %mul3A_548 : i32
          %add3A_550 = arith.constant 48 : i32
          %add3A_551 = arith.addi %mul3A_549, %add3A_550 : i32
          %swap3A_552 = arith.index_cast %add3A_551 : i32 to index
          %swap3A_553 = tpu.vector_load %arg10[%swap3A_552] {strides = array<i32>} : memref<8192xf32, #tpu.memory_space<vmem>>, vector<16xf32>,
          %swap3A_554 = vector.shape_cast %swap3A_553 : vector<16xf32> to vector<16xf32>
          %swap3A_555 = vector.shape_cast %scan3A_356 : vector<16xf32> to vector<16xf32>
          tpu.vector_store %arg10[%swap3A_552], %swap3A_555 {strides = array<i32>} : memref<8192xf32, #tpu.memory_space<vmem>>, vector<16xf32>,
          %mul3A_556 = arith.constant 128 : i32
          %mul3A_557 = arith.muli %scan3A_351, %mul3A_556 : i32
          %add3A_558 = arith.constant 48 : i32
          %add3A_559 = arith.addi %mul3A_557, %add3A_558 : i32
          %swap3A_560 = arith.index_cast %add3A_559 : i32 to index
          %swap3A_561 = tpu.vector_load %arg11[%swap3A_560] {strides = array<i32>} : memref<8192xf32, #tpu.memory_space<vmem>>, vector<16xf32>,
          %swap3A_562 = vector.shape_cast %swap3A_561 : vector<16xf32> to vector<16xf32>
          %swap3A_563 = vector.shape_cast %scan3A_364 : vector<16xf32> to vector<16xf32>
          tpu.vector_store %arg11[%swap3A_560], %swap3A_563 {strides = array<i32>} : memref<8192xf32, #tpu.memory_space<vmem>>, vector<16xf32>,
          %mul3A_564 = arith.constant 128 : i32
          %mul3A_565 = arith.muli %scan3A_351, %mul3A_564 : i32
          %add3A_566 = arith.constant 64 : i32
          %add3A_567 = arith.addi %mul3A_565, %add3A_566 : i32
          %swap3A_568 = arith.index_cast %add3A_567 : i32 to index
          %swap3A_569 = tpu.vector_load %arg10[%swap3A_568] {strides = array<i32>} : memref<8192xf32, #tpu.memory_space<vmem>>, vector<16xf32>,
          %swap3A_570 = vector.shape_cast %swap3A_569 : vector<16xf32> to vector<16xf32>
          %swap3A_571 = vector.shape_cast %scan3A_357 : vector<16xf32> to vector<16xf32>
          tpu.vector_store %arg10[%swap3A_568], %swap3A_571 {strides = array<i32>} : memref<8192xf32, #tpu.memory_space<vmem>>, vector<16xf32>,
          %mul3A_572 = arith.constant 128 : i32
          %mul3A_573 = arith.muli %scan3A_351, %mul3A_572 : i32
          %add3A_574 = arith.constant 64 : i32
          %add3A_575 = arith.addi %mul3A_573, %add3A_574 : i32
          %swap3A_576 = arith.index_cast %add3A_575 : i32 to index
          %swap3A_577 = tpu.vector_load %arg11[%swap3A_576] {strides = array<i32>} : memref<8192xf32, #tpu.memory_space<vmem>>, vector<16xf32>,
          %swap3A_578 = vector.shape_cast %swap3A_577 : vector<16xf32> to vector<16xf32>
          %swap3A_579 = vector.shape_cast %scan3A_365 : vector<16xf32> to vector<16xf32>
          tpu.vector_store %arg11[%swap3A_576], %swap3A_579 {strides = array<i32>} : memref<8192xf32, #tpu.memory_space<vmem>>, vector<16xf32>,
          %mul3A_580 = arith.constant 128 : i32
          %mul3A_581 = arith.muli %scan3A_351, %mul3A_580 : i32
          %add3A_582 = arith.constant 80 : i32
          %add3A_583 = arith.addi %mul3A_581, %add3A_582 : i32
          %swap3A_584 = arith.index_cast %add3A_583 : i32 to index
          %swap3A_585 = tpu.vector_load %arg10[%swap3A_584] {strides = array<i32>} : memref<8192xf32, #tpu.memory_space<vmem>>, vector<16xf32>,
          %swap3A_586 = vector.shape_cast %swap3A_585 : vector<16xf32> to vector<16xf32>
          %swap3A_587 = vector.shape_cast %scan3A_358 : vector<16xf32> to vector<16xf32>
          tpu.vector_store %arg10[%swap3A_584], %swap3A_587 {strides = array<i32>} : memref<8192xf32, #tpu.memory_space<vmem>>, vector<16xf32>,
          %mul3A_588 = arith.constant 128 : i32
          %mul3A_589 = arith.muli %scan3A_351, %mul3A_588 : i32
          %add3A_590 = arith.constant 80 : i32
          %add3A_591 = arith.addi %mul3A_589, %add3A_590 : i32
          %swap3A_592 = arith.index_cast %add3A_591 : i32 to index
          %swap3A_593 = tpu.vector_load %arg11[%swap3A_592] {strides = array<i32>} : memref<8192xf32, #tpu.memory_space<vmem>>, vector<16xf32>,
          %swap3A_594 = vector.shape_cast %swap3A_593 : vector<16xf32> to vector<16xf32>
          %swap3A_595 = vector.shape_cast %scan3A_366 : vector<16xf32> to vector<16xf32>
          tpu.vector_store %arg11[%swap3A_592], %swap3A_595 {strides = array<i32>} : memref<8192xf32, #tpu.memory_space<vmem>>, vector<16xf32>,
          %mul3A_596 = arith.constant 128 : i32
          %mul3A_597 = arith.muli %scan3A_351, %mul3A_596 : i32
          %add3A_598 = arith.constant 96 : i32
          %add3A_599 = arith.addi %mul3A_597, %add3A_598 : i32
          %swap3A_600 = arith.index_cast %add3A_599 : i32 to index
          %swap3A_601 = tpu.vector_load %arg10[%swap3A_600] {strides = array<i32>} : memref<8192xf32, #tpu.memory_space<vmem>>, vector<16xf32>,
          %swap3A_602 = vector.shape_cast %swap3A_601 : vector<16xf32> to vector<16xf32>
          %swap3A_603 = vector.shape_cast %scan3A_359 : vector<16xf32> to vector<16xf32>
          tpu.vector_store %arg10[%swap3A_600], %swap3A_603 {strides = array<i32>} : memref<8192xf32, #tpu.memory_space<vmem>>, vector<16xf32>,
          %mul3A_604 = arith.constant 128 : i32
          %mul3A_605 = arith.muli %scan3A_351, %mul3A_604 : i32
          %add3A_606 = arith.constant 96 : i32
          %add3A_607 = arith.addi %mul3A_605, %add3A_606 : i32
          %swap3A_608 = arith.index_cast %add3A_607 : i32 to index
          %swap3A_609 = tpu.vector_load %arg11[%swap3A_608] {strides = array<i32>} : memref<8192xf32, #tpu.memory_space<vmem>>, vector<16xf32>,
          %swap3A_610 = vector.shape_cast %swap3A_609 : vector<16xf32> to vector<16xf32>
          %swap3A_611 = vector.shape_cast %scan3A_367 : vector<16xf32> to vector<16xf32>
          tpu.vector_store %arg11[%swap3A_608], %swap3A_611 {strides = array<i32>} : memref<8192xf32, #tpu.memory_space<vmem>>, vector<16xf32>,
          %mul3A_612 = arith.constant 128 : i32
          %mul3A_613 = arith.muli %scan3A_351, %mul3A_612 : i32
          %add3A_614 = arith.constant 112 : i32
          %add3A_615 = arith.addi %mul3A_613, %add3A_614 : i32
          %swap3A_616 = arith.index_cast %add3A_615 : i32 to index
          %swap3A_617 = tpu.vector_load %arg10[%swap3A_616] {strides = array<i32>} : memref<8192xf32, #tpu.memory_space<vmem>>, vector<16xf32>,
          %swap3A_618 = vector.shape_cast %swap3A_617 : vector<16xf32> to vector<16xf32>
          %swap3A_619 = vector.shape_cast %scan3A_360 : vector<16xf32> to vector<16xf32>
          tpu.vector_store %arg10[%swap3A_616], %swap3A_619 {strides = array<i32>} : memref<8192xf32, #tpu.memory_space<vmem>>, vector<16xf32>,
          %mul3A_620 = arith.constant 128 : i32
          %mul3A_621 = arith.muli %scan3A_351, %mul3A_620 : i32
          %add3A_622 = arith.constant 112 : i32
          %add3A_623 = arith.addi %mul3A_621, %add3A_622 : i32
          %swap3A_624 = arith.index_cast %add3A_623 : i32 to index
          %swap3A_625 = tpu.vector_load %arg11[%swap3A_624] {strides = array<i32>} : memref<8192xf32, #tpu.memory_space<vmem>>, vector<16xf32>,
          %swap3A_626 = vector.shape_cast %swap3A_625 : vector<16xf32> to vector<16xf32>
          %swap3A_627 = vector.shape_cast %scan3A_368 : vector<16xf32> to vector<16xf32>
          tpu.vector_store %arg11[%swap3A_624], %swap3A_627 {strides = array<i32>} : memref<8192xf32, #tpu.memory_space<vmem>>, vector<16xf32>,
          %broadcast_in_dim3A_628 = vector.broadcast %scan3A_352 : f32 to vector<16xf32>
          %mul3A_629 = arith.constant 16 : i32
          %mul3A_630 = arith.muli %scan3A_351, %mul3A_629 : i32
          %swap3A_631 = arith.index_cast %mul3A_630 : i32 to index
          %swap3A_632 = tpu.vector_load %arg12[%swap3A_631] {strides = array<i32>} : memref<1024xf32, #tpu.memory_space<vmem>>, vector<16xf32>,
          %swap3A_633 = vector.shape_cast %swap3A_632 : vector<16xf32> to vector<16xf32>
          %swap3A_634 = vector.shape_cast %broadcast_in_dim3A_628 : vector<16xf32> to vector<16xf32>
          tpu.vector_store %arg12[%swap3A_631], %swap3A_634 {strides = array<i32>} : memref<1024xf32, #tpu.memory_space<vmem>>, vector<16xf32>,
        } else {
        }
        %jit3A_377 = arith.constant 0.000000e+00 : f32
        %select_n3A_378 = arith.select %ne3A_375, %jit3A_377, %scan3A_352 : f32
        %jit3A_379 = arith.constant 0.000000e+00 : f32
        %broadcast_in_dim3A_380 = vector.broadcast %jit3A_379 : f32 to vector<16xf32>
        %select_n3A_381 = arith.select %ne3A_375, %broadcast_in_dim3A_380, %scan3A_353 : vector<16xf32>
        %jit3A_382 = arith.constant 0.000000e+00 : f32
        %broadcast_in_dim3A_383 = vector.broadcast %jit3A_382 : f32 to vector<16xf32>
        %select_n3A_384 = arith.select %ne3A_375, %broadcast_in_dim3A_383, %scan3A_354 : vector<16xf32>
        %jit3A_385 = arith.constant 0.000000e+00 : f32
        %broadcast_in_dim3A_386 = vector.broadcast %jit3A_385 : f32 to vector<16xf32>
        %select_n3A_387 = arith.select %ne3A_375, %broadcast_in_dim3A_386, %scan3A_355 : vector<16xf32>
        %jit3A_388 = arith.constant 0.000000e+00 : f32
        %broadcast_in_dim3A_389 = vector.broadcast %jit3A_388 : f32 to vector<16xf32>
        %select_n3A_390 = arith.select %ne3A_375, %broadcast_in_dim3A_389, %scan3A_356 : vector<16xf32>
        %jit3A_391 = arith.constant 0.000000e+00 : f32
        %broadcast_in_dim3A_392 = vector.broadcast %jit3A_391 : f32 to vector<16xf32>
        %select_n3A_393 = arith.select %ne3A_375, %broadcast_in_dim3A_392, %scan3A_357 : vector<16xf32>
        %jit3A_394 = arith.constant 0.000000e+00 : f32
        %broadcast_in_dim3A_395 = vector.broadcast %jit3A_394 : f32 to vector<16xf32>
        %select_n3A_396 = arith.select %ne3A_375, %broadcast_in_dim3A_395, %scan3A_358 : vector<16xf32>
        %jit3A_397 = arith.constant 0.000000e+00 : f32
        %broadcast_in_dim3A_398 = vector.broadcast %jit3A_397 : f32 to vector<16xf32>
        %select_n3A_399 = arith.select %ne3A_375, %broadcast_in_dim3A_398, %scan3A_359 : vector<16xf32>
        %jit3A_400 = arith.constant 0.000000e+00 : f32
        %broadcast_in_dim3A_401 = vector.broadcast %jit3A_400 : f32 to vector<16xf32>
        %select_n3A_402 = arith.select %ne3A_375, %broadcast_in_dim3A_401, %scan3A_360 : vector<16xf32>
        %jit3A_403 = arith.constant 0xFF800000 : f32
        %broadcast_in_dim3A_404 = vector.broadcast %jit3A_403 : f32 to vector<16xf32>
        %select_n3A_405 = arith.select %ne3A_375, %broadcast_in_dim3A_404, %scan3A_361 : vector<16xf32>
        %jit3A_406 = arith.constant 0xFF800000 : f32
        %broadcast_in_dim3A_407 = vector.broadcast %jit3A_406 : f32 to vector<16xf32>
        %select_n3A_408 = arith.select %ne3A_375, %broadcast_in_dim3A_407, %scan3A_362 : vector<16xf32>
        %jit3A_409 = arith.constant 0xFF800000 : f32
        %broadcast_in_dim3A_410 = vector.broadcast %jit3A_409 : f32 to vector<16xf32>
        %select_n3A_411 = arith.select %ne3A_375, %broadcast_in_dim3A_410, %scan3A_363 : vector<16xf32>
        %jit3A_412 = arith.constant 0xFF800000 : f32
        %broadcast_in_dim3A_413 = vector.broadcast %jit3A_412 : f32 to vector<16xf32>
        %select_n3A_414 = arith.select %ne3A_375, %broadcast_in_dim3A_413, %scan3A_364 : vector<16xf32>
        %jit3A_415 = arith.constant 0xFF800000 : f32
        %broadcast_in_dim3A_416 = vector.broadcast %jit3A_415 : f32 to vector<16xf32>
        %select_n3A_417 = arith.select %ne3A_375, %broadcast_in_dim3A_416, %scan3A_365 : vector<16xf32>
        %jit3A_418 = arith.constant 0xFF800000 : f32
        %broadcast_in_dim3A_419 = vector.broadcast %jit3A_418 : f32 to vector<16xf32>
        %select_n3A_420 = arith.select %ne3A_375, %broadcast_in_dim3A_419, %scan3A_366 : vector<16xf32>
        %jit3A_421 = arith.constant 0xFF800000 : f32
        %broadcast_in_dim3A_422 = vector.broadcast %jit3A_421 : f32 to vector<16xf32>
        %select_n3A_423 = arith.select %ne3A_375, %broadcast_in_dim3A_422, %scan3A_367 : vector<16xf32>
        %jit3A_424 = arith.constant 0xFF800000 : f32
        %broadcast_in_dim3A_425 = vector.broadcast %jit3A_424 : f32 to vector<16xf32>
        %select_n3A_426 = arith.select %ne3A_375, %broadcast_in_dim3A_425, %scan3A_368 : vector<16xf32>
        %mul3A_427 = arith.constant 128 : i32
        %mul3A_428 = arith.muli %scan3A_350, %mul3A_427 : i32
        %add3A_429 = arith.constant 0 : i32
        %add3A_430 = arith.addi %mul3A_428, %add3A_429 : i32
        %get3A_431 = arith.index_cast %add3A_430 : i32 to index
        %get3A_432 = tpu.vector_load %arg9[%get3A_431] {strides = array<i32>} : memref<1024xf32, #tpu.memory_space<vmem>>, vector<16xf32>,
        %get3A_433 = vector.shape_cast %get3A_432 : vector<16xf32> to vector<16xf32>
        %mul3A_434 = arith.constant 128 : i32
        %mul3A_435 = arith.muli %scan3A_350, %mul3A_434 : i32
        %add3A_436 = arith.constant 16 : i32
        %add3A_437 = arith.addi %mul3A_435, %add3A_436 : i32
        %get3A_438 = arith.index_cast %add3A_437 : i32 to index
        %get3A_439 = tpu.vector_load %arg9[%get3A_438] {strides = array<i32>} : memref<1024xf32, #tpu.memory_space<vmem>>, vector<16xf32>,
        %get3A_440 = vector.shape_cast %get3A_439 : vector<16xf32> to vector<16xf32>
        %mul3A_441 = arith.constant 128 : i32
        %mul3A_442 = arith.muli %scan3A_350, %mul3A_441 : i32
        %add3A_443 = arith.constant 32 : i32
        %add3A_444 = arith.addi %mul3A_442, %add3A_443 : i32
        %get3A_445 = arith.index_cast %add3A_444 : i32 to index
        %get3A_446 = tpu.vector_load %arg9[%get3A_445] {strides = array<i32>} : memref<1024xf32, #tpu.memory_space<vmem>>, vector<16xf32>,
        %get3A_447 = vector.shape_cast %get3A_446 : vector<16xf32> to vector<16xf32>
        %mul3A_448 = arith.constant 128 : i32
        %mul3A_449 = arith.muli %scan3A_350, %mul3A_448 : i32
        %add3A_450 = arith.constant 48 : i32
        %add3A_451 = arith.addi %mul3A_449, %add3A_450 : i32
        %get3A_452 = arith.index_cast %add3A_451 : i32 to index
        %get3A_453 = tpu.vector_load %arg9[%get3A_452] {strides = array<i32>} : memref<1024xf32, #tpu.memory_space<vmem>>, vector<16xf32>,
        %get3A_454 = vector.shape_cast %get3A_453 : vector<16xf32> to vector<16xf32>
        %mul3A_455 = arith.constant 128 : i32
        %mul3A_456 = arith.muli %scan3A_350, %mul3A_455 : i32
        %add3A_457 = arith.constant 64 : i32
        %add3A_458 = arith.addi %mul3A_456, %add3A_457 : i32
        %get3A_459 = arith.index_cast %add3A_458 : i32 to index
        %get3A_460 = tpu.vector_load %arg9[%get3A_459] {strides = array<i32>} : memref<1024xf32, #tpu.memory_space<vmem>>, vector<16xf32>,
        %get3A_461 = vector.shape_cast %get3A_460 : vector<16xf32> to vector<16xf32>
        %mul3A_462 = arith.constant 128 : i32
        %mul3A_463 = arith.muli %scan3A_350, %mul3A_462 : i32
        %add3A_464 = arith.constant 80 : i32
        %add3A_465 = arith.addi %mul3A_463, %add3A_464 : i32
        %get3A_466 = arith.index_cast %add3A_465 : i32 to index
        %get3A_467 = tpu.vector_load %arg9[%get3A_466] {strides = array<i32>} : memref<1024xf32, #tpu.memory_space<vmem>>, vector<16xf32>,
        %get3A_468 = vector.shape_cast %get3A_467 : vector<16xf32> to vector<16xf32>
        %mul3A_469 = arith.constant 128 : i32
        %mul3A_470 = arith.muli %scan3A_350, %mul3A_469 : i32
        %add3A_471 = arith.constant 96 : i32
        %add3A_472 = arith.addi %mul3A_470, %add3A_471 : i32
        %get3A_473 = arith.index_cast %add3A_472 : i32 to index
        %get3A_474 = tpu.vector_load %arg9[%get3A_473] {strides = array<i32>} : memref<1024xf32, #tpu.memory_space<vmem>>, vector<16xf32>,
        %get3A_475 = vector.shape_cast %get3A_474 : vector<16xf32> to vector<16xf32>
        %mul3A_476 = arith.constant 128 : i32
        %mul3A_477 = arith.muli %scan3A_350, %mul3A_476 : i32
        %add3A_478 = arith.constant 112 : i32
        %add3A_479 = arith.addi %mul3A_477, %add3A_478 : i32
        %get3A_480 = arith.index_cast %add3A_479 : i32 to index
        %get3A_481 = tpu.vector_load %arg9[%get3A_480] {strides = array<i32>} : memref<1024xf32, #tpu.memory_space<vmem>>, vector<16xf32>,
        %get3A_482 = vector.shape_cast %get3A_481 : vector<16xf32> to vector<16xf32>
        %add3A_483 = arith.addf %select_n3A_381, %get3A_433 : vector<16xf32>
        %add3A_484 = arith.addf %select_n3A_384, %get3A_440 : vector<16xf32>
        %add3A_485 = arith.addf %select_n3A_387, %get3A_447 : vector<16xf32>
        %add3A_486 = arith.addf %select_n3A_390, %get3A_454 : vector<16xf32>
        %add3A_487 = arith.addf %select_n3A_393, %get3A_461 : vector<16xf32>
        %add3A_488 = arith.addf %select_n3A_396, %get3A_468 : vector<16xf32>
        %add3A_489 = arith.addf %select_n3A_399, %get3A_475 : vector<16xf32>
        %add3A_490 = arith.addf %select_n3A_402, %get3A_482 : vector<16xf32>
        %max3A = arith.maximumf %select_n3A_405, %get3A_433 : vector<16xf32>
        %max3A_491 = arith.maximumf %select_n3A_408, %get3A_440 : vector<16xf32>
        %max3A_492 = arith.maximumf %select_n3A_411, %get3A_447 : vector<16xf32>
        %max3A_493 = arith.maximumf %select_n3A_414, %get3A_454 : vector<16xf32>
        %max3A_494 = arith.maximumf %select_n3A_417, %get3A_461 : vector<16xf32>
        %max3A_495 = arith.maximumf %select_n3A_420, %get3A_468 : vector<16xf32>
        %max3A_496 = arith.maximumf %select_n3A_423, %get3A_475 : vector<16xf32>
        %max3A_497 = arith.maximumf %select_n3A_426, %get3A_482 : vector<16xf32>
        %add3A_498 = arith.constant 1.000000e+00 : f32
        %add3A_499 = arith.addf %select_n3A_378, %add3A_498 : f32
        scf.yield %squeeze3A_374, %add3A_499, %add3A_483, %add3A_484, %add3A_485, %add3A_486, %add3A_487, %add3A_488, %add3A_489, %add3A_490, %max3A, %max3A_491, %max3A_492, %max3A_493, %max3A_494, %max3A_495, %max3A_496, %max3A_497 : i32, f32, vector<16xf32>, vector<16xf32>, vector<16xf32>, vector<16xf32>, vector<16xf32>, vector<16xf32>, vector<16xf32>, vector<16xf32>, vector<16xf32>, vector<16xf32>, vector<16xf32>, vector<16xf32>, vector<16xf32>, vector<16xf32>, vector<16xf32>, vector<16xf32>
      }
      %scan3A_349 = arith.constant 8 : i32
      scf.yield %scan3A_348#0, %scan3A_348#1, %scan3A_348#2, %scan3A_348#3, %scan3A_348#4, %scan3A_348#5, %scan3A_348#6, %scan3A_348#7, %scan3A_348#8, %scan3A_348#9, %scan3A_348#10, %scan3A_348#11, %scan3A_348#12, %scan3A_348#13, %scan3A_348#14, %scan3A_348#15, %scan3A_348#16, %scan3A_348#17 : i32, f32, vector<16xf32>, vector<16xf32>, vector<16xf32>, vector<16xf32>, vector<16xf32>, vector<16xf32>, vector<16xf32>, vector<16xf32>, vector<16xf32>, vector<16xf32>, vector<16xf32>, vector<16xf32>, vector<16xf32>, vector<16xf32>, vector<16xf32>, vector<16xf32>
    }
    %mul3A_171 = arith.constant 128 : i32
    %mul3A_172 = arith.muli %while3A_170#0, %mul3A_171 : i32
    %add3A_173 = arith.constant 0 : i32
    %add3A_174 = arith.addi %mul3A_172, %add3A_173 : i32
    %swap3A = arith.index_cast %add3A_174 : i32 to index
    %swap3A_175 = tpu.vector_load %arg10[%swap3A] {strides = array<i32>} : memref<8192xf32, #tpu.memory_space<vmem>>, vector<16xf32>,
    %swap3A_176 = vector.shape_cast %swap3A_175 : vector<16xf32> to vector<16xf32>
    %swap3A_177 = vector.shape_cast %while3A_170#2 : vector<16xf32> to vector<16xf32>
    tpu.vector_store %arg10[%swap3A], %swap3A_177 {strides = array<i32>} : memref<8192xf32, #tpu.memory_space<vmem>>, vector<16xf32>,
    %mul3A_178 = arith.constant 128 : i32
    %mul3A_179 = arith.muli %while3A_170#0, %mul3A_178 : i32
    %add3A_180 = arith.constant 0 : i32
    %add3A_181 = arith.addi %mul3A_179, %add3A_180 : i32
    %swap3A_182 = arith.index_cast %add3A_181 : i32 to index
    %swap3A_183 = tpu.vector_load %arg11[%swap3A_182] {strides = array<i32>} : memref<8192xf32, #tpu.memory_space<vmem>>, vector<16xf32>,
    %swap3A_184 = vector.shape_cast %swap3A_183 : vector<16xf32> to vector<16xf32>
    %swap3A_185 = vector.shape_cast %while3A_170#10 : vector<16xf32> to vector<16xf32>
    tpu.vector_store %arg11[%swap3A_182], %swap3A_185 {strides = array<i32>} : memref<8192xf32, #tpu.memory_space<vmem>>, vector<16xf32>,
    %mul3A_186 = arith.constant 128 : i32
    %mul3A_187 = arith.muli %while3A_170#0, %mul3A_186 : i32
    %add3A_188 = arith.constant 16 : i32
    %add3A_189 = arith.addi %mul3A_187, %add3A_188 : i32
    %swap3A_190 = arith.index_cast %add3A_189 : i32 to index
    %swap3A_191 = tpu.vector_load %arg10[%swap3A_190] {strides = array<i32>} : memref<8192xf32, #tpu.memory_space<vmem>>, vector<16xf32>,
    %swap3A_192 = vector.shape_cast %swap3A_191 : vector<16xf32> to vector<16xf32>
    %swap3A_193 = vector.shape_cast %while3A_170#3 : vector<16xf32> to vector<16xf32>
    tpu.vector_store %arg10[%swap3A_190], %swap3A_193 {strides = array<i32>} : memref<8192xf32, #tpu.memory_space<vmem>>, vector<16xf32>,
    %mul3A_194 = arith.constant 128 : i32
    %mul3A_195 = arith.muli %while3A_170#0, %mul3A_194 : i32
    %add3A_196 = arith.constant 16 : i32
    %add3A_197 = arith.addi %mul3A_195, %add3A_196 : i32
    %swap3A_198 = arith.index_cast %add3A_197 : i32 to index
    %swap3A_199 = tpu.vector_load %arg11[%swap3A_198] {strides = array<i32>} : memref<8192xf32, #tpu.memory_space<vmem>>, vector<16xf32>,
    %swap3A_200 = vector.shape_cast %swap3A_199 : vector<16xf32> to vector<16xf32>
    %swap3A_201 = vector.shape_cast %while3A_170#11 : vector<16xf32> to vector<16xf32>
    tpu.vector_store %arg11[%swap3A_198], %swap3A_201 {strides = array<i32>} : memref<8192xf32, #tpu.memory_space<vmem>>, vector<16xf32>,
    %mul3A_202 = arith.constant 128 : i32
    %mul3A_203 = arith.muli %while3A_170#0, %mul3A_202 : i32
    %add3A_204 = arith.constant 32 : i32
    %add3A_205 = arith.addi %mul3A_203, %add3A_204 : i32
    %swap3A_206 = arith.index_cast %add3A_205 : i32 to index
    %swap3A_207 = tpu.vector_load %arg10[%swap3A_206] {strides = array<i32>} : memref<8192xf32, #tpu.memory_space<vmem>>, vector<16xf32>,
    %swap3A_208 = vector.shape_cast %swap3A_207 : vector<16xf32> to vector<16xf32>
    %swap3A_209 = vector.shape_cast %while3A_170#4 : vector<16xf32> to vector<16xf32>
    tpu.vector_store %arg10[%swap3A_206], %swap3A_209 {strides = array<i32>} : memref<8192xf32, #tpu.memory_space<vmem>>, vector<16xf32>,
    %mul3A_210 = arith.constant 128 : i32
    %mul3A_211 = arith.muli %while3A_170#0, %mul3A_210 : i32
    %add3A_212 = arith.constant 32 : i32
    %add3A_213 = arith.addi %mul3A_211, %add3A_212 : i32
    %swap3A_214 = arith.index_cast %add3A_213 : i32 to index
    %swap3A_215 = tpu.vector_load %arg11[%swap3A_214] {strides = array<i32>} : memref<8192xf32, #tpu.memory_space<vmem>>, vector<16xf32>,
    %swap3A_216 = vector.shape_cast %swap3A_215 : vector<16xf32> to vector<16xf32>
    %swap3A_217 = vector.shape_cast %while3A_170#12 : vector<16xf32> to vector<16xf32>
    tpu.vector_store %arg11[%swap3A_214], %swap3A_217 {strides = array<i32>} : memref<8192xf32, #tpu.memory_space<vmem>>, vector<16xf32>,
    %mul3A_218 = arith.constant 128 : i32
    %mul3A_219 = arith.muli %while3A_170#0, %mul3A_218 : i32
    %add3A_220 = arith.constant 48 : i32
    %add3A_221 = arith.addi %mul3A_219, %add3A_220 : i32
    %swap3A_222 = arith.index_cast %add3A_221 : i32 to index
    %swap3A_223 = tpu.vector_load %arg10[%swap3A_222] {strides = array<i32>} : memref<8192xf32, #tpu.memory_space<vmem>>, vector<16xf32>,
    %swap3A_224 = vector.shape_cast %swap3A_223 : vector<16xf32> to vector<16xf32>
    %swap3A_225 = vector.shape_cast %while3A_170#5 : vector<16xf32> to vector<16xf32>
    tpu.vector_store %arg10[%swap3A_222], %swap3A_225 {strides = array<i32>} : memref<8192xf32, #tpu.memory_space<vmem>>, vector<16xf32>,
    %mul3A_226 = arith.constant 128 : i32
    %mul3A_227 = arith.muli %while3A_170#0, %mul3A_226 : i32
    %add3A_228 = arith.constant 48 : i32
    %add3A_229 = arith.addi %mul3A_227, %add3A_228 : i32
    %swap3A_230 = arith.index_cast %add3A_229 : i32 to index
    %swap3A_231 = tpu.vector_load %arg11[%swap3A_230] {strides = array<i32>} : memref<8192xf32, #tpu.memory_space<vmem>>, vector<16xf32>,
    %swap3A_232 = vector.shape_cast %swap3A_231 : vector<16xf32> to vector<16xf32>
    %swap3A_233 = vector.shape_cast %while3A_170#13 : vector<16xf32> to vector<16xf32>
    tpu.vector_store %arg11[%swap3A_230], %swap3A_233 {strides = array<i32>} : memref<8192xf32, #tpu.memory_space<vmem>>, vector<16xf32>,
    %mul3A_234 = arith.constant 128 : i32
    %mul3A_235 = arith.muli %while3A_170#0, %mul3A_234 : i32
    %add3A_236 = arith.constant 64 : i32
    %add3A_237 = arith.addi %mul3A_235, %add3A_236 : i32
    %swap3A_238 = arith.index_cast %add3A_237 : i32 to index
    %swap3A_239 = tpu.vector_load %arg10[%swap3A_238] {strides = array<i32>} : memref<8192xf32, #tpu.memory_space<vmem>>, vector<16xf32>,
    %swap3A_240 = vector.shape_cast %swap3A_239 : vector<16xf32> to vector<16xf32>
    %swap3A_241 = vector.shape_cast %while3A_170#6 : vector<16xf32> to vector<16xf32>
    tpu.vector_store %arg10[%swap3A_238], %swap3A_241 {strides = array<i32>} : memref<8192xf32, #tpu.memory_space<vmem>>, vector<16xf32>,
    %mul3A_242 = arith.constant 128 : i32
    %mul3A_243 = arith.muli %while3A_170#0, %mul3A_242 : i32
    %add3A_244 = arith.constant 64 : i32
    %add3A_245 = arith.addi %mul3A_243, %add3A_244 : i32
    %swap3A_246 = arith.index_cast %add3A_245 : i32 to index
    %swap3A_247 = tpu.vector_load %arg11[%swap3A_246] {strides = array<i32>} : memref<8192xf32, #tpu.memory_space<vmem>>, vector<16xf32>,
    %swap3A_248 = vector.shape_cast %swap3A_247 : vector<16xf32> to vector<16xf32>
    %swap3A_249 = vector.shape_cast %while3A_170#14 : vector<16xf32> to vector<16xf32>
    tpu.vector_store %arg11[%swap3A_246], %swap3A_249 {strides = array<i32>} : memref<8192xf32, #tpu.memory_space<vmem>>, vector<16xf32>,
    %mul3A_250 = arith.constant 128 : i32
    %mul3A_251 = arith.muli %while3A_170#0, %mul3A_250 : i32
    %add3A_252 = arith.constant 80 : i32
    %add3A_253 = arith.addi %mul3A_251, %add3A_252 : i32
    %swap3A_254 = arith.index_cast %add3A_253 : i32 to index
    %swap3A_255 = tpu.vector_load %arg10[%swap3A_254] {strides = array<i32>} : memref<8192xf32, #tpu.memory_space<vmem>>, vector<16xf32>,
    %swap3A_256 = vector.shape_cast %swap3A_255 : vector<16xf32> to vector<16xf32>
    %swap3A_257 = vector.shape_cast %while3A_170#7 : vector<16xf32> to vector<16xf32>
    tpu.vector_store %arg10[%swap3A_254], %swap3A_257 {strides = array<i32>} : memref<8192xf32, #tpu.memory_space<vmem>>, vector<16xf32>,
    %mul3A_258 = arith.constant 128 : i32
    %mul3A_259 = arith.muli %while3A_170#0, %mul3A_258 : i32
    %add3A_260 = arith.constant 80 : i32
    %add3A_261 = arith.addi %mul3A_259, %add3A_260 : i32
    %swap3A_262 = arith.index_cast %add3A_261 : i32 to index
    %swap3A_263 = tpu.vector_load %arg11[%swap3A_262] {strides = array<i32>} : memref<8192xf32, #tpu.memory_space<vmem>>, vector<16xf32>,
    %swap3A_264 = vector.shape_cast %swap3A_263 : vector<16xf32> to vector<16xf32>
    %swap3A_265 = vector.shape_cast %while3A_170#15 : vector<16xf32> to vector<16xf32>
    tpu.vector_store %arg11[%swap3A_262], %swap3A_265 {strides = array<i32>} : memref<8192xf32, #tpu.memory_space<vmem>>, vector<16xf32>,
    %mul3A_266 = arith.constant 128 : i32
    %mul3A_267 = arith.muli %while3A_170#0, %mul3A_266 : i32
    %add3A_268 = arith.constant 96 : i32
    %add3A_269 = arith.addi %mul3A_267, %add3A_268 : i32
    %swap3A_270 = arith.index_cast %add3A_269 : i32 to index
    %swap3A_271 = tpu.vector_load %arg10[%swap3A_270] {strides = array<i32>} : memref<8192xf32, #tpu.memory_space<vmem>>, vector<16xf32>,
    %swap3A_272 = vector.shape_cast %swap3A_271 : vector<16xf32> to vector<16xf32>
    %swap3A_273 = vector.shape_cast %while3A_170#8 : vector<16xf32> to vector<16xf32>
    tpu.vector_store %arg10[%swap3A_270], %swap3A_273 {strides = array<i32>} : memref<8192xf32, #tpu.memory_space<vmem>>, vector<16xf32>,
    %mul3A_274 = arith.constant 128 : i32
    %mul3A_275 = arith.muli %while3A_170#0, %mul3A_274 : i32
    %add3A_276 = arith.constant 96 : i32
    %add3A_277 = arith.addi %mul3A_275, %add3A_276 : i32
    %swap3A_278 = arith.index_cast %add3A_277 : i32 to index
    %swap3A_279 = tpu.vector_load %arg11[%swap3A_278] {strides = array<i32>} : memref<8192xf32, #tpu.memory_space<vmem>>, vector<16xf32>,
    %swap3A_280 = vector.shape_cast %swap3A_279 : vector<16xf32> to vector<16xf32>
    %swap3A_281 = vector.shape_cast %while3A_170#16 : vector<16xf32> to vector<16xf32>
    tpu.vector_store %arg11[%swap3A_278], %swap3A_281 {strides = array<i32>} : memref<8192xf32, #tpu.memory_space<vmem>>, vector<16xf32>,
    %mul3A_282 = arith.constant 128 : i32
    %mul3A_283 = arith.muli %while3A_170#0, %mul3A_282 : i32
    %add3A_284 = arith.constant 112 : i32
    %add3A_285 = arith.addi %mul3A_283, %add3A_284 : i32
    %swap3A_286 = arith.index_cast %add3A_285 : i32 to index
    %swap3A_287 = tpu.vector_load %arg10[%swap3A_286] {strides = array<i32>} : memref<8192xf32, #tpu.memory_space<vmem>>, vector<16xf32>,
    %swap3A_288 = vector.shape_cast %swap3A_287 : vector<16xf32> to vector<16xf32>
    %swap3A_289 = vector.shape_cast %while3A_170#9 : vector<16xf32> to vector<16xf32>
    tpu.vector_store %arg10[%swap3A_286], %swap3A_289 {strides = array<i32>} : memref<8192xf32, #tpu.memory_space<vmem>>, vector<16xf32>,
    %mul3A_290 = arith.constant 128 : i32
    %mul3A_291 = arith.muli %while3A_170#0, %mul3A_290 : i32
    %add3A_292 = arith.constant 112 : i32
    %add3A_293 = arith.addi %mul3A_291, %add3A_292 : i32
    %swap3A_294 = arith.index_cast %add3A_293 : i32 to index
    %swap3A_295 = tpu.vector_load %arg11[%swap3A_294] {strides = array<i32>} : memref<8192xf32, #tpu.memory_space<vmem>>, vector<16xf32>,
    %swap3A_296 = vector.shape_cast %swap3A_295 : vector<16xf32> to vector<16xf32>
    %swap3A_297 = vector.shape_cast %while3A_170#17 : vector<16xf32> to vector<16xf32>
    tpu.vector_store %arg11[%swap3A_294], %swap3A_297 {strides = array<i32>} : memref<8192xf32, #tpu.memory_space<vmem>>, vector<16xf32>,
    %broadcast_in_dim3A_298 = vector.broadcast %while3A_170#1 : f32 to vector<16xf32>
    %mul3A_299 = arith.constant 16 : i32
    %mul3A_300 = arith.muli %while3A_170#0, %mul3A_299 : i32
    %swap3A_301 = arith.index_cast %mul3A_300 : i32 to index
    %swap3A_302 = tpu.vector_load %arg12[%swap3A_301] {strides = array<i32>} : memref<1024xf32, #tpu.memory_space<vmem>>, vector<16xf32>,
    %swap3A_303 = vector.shape_cast %swap3A_302 : vector<16xf32> to vector<16xf32>
    %swap3A_304 = vector.shape_cast %broadcast_in_dim3A_298 : vector<16xf32> to vector<16xf32>
    tpu.vector_store %arg12[%swap3A_301], %swap3A_304 {strides = array<i32>} : memref<1024xf32, #tpu.memory_space<vmem>>, vector<16xf32>,
    %mul3A_305 = arith.constant 64 : i32
    %mul3A_306 = arith.muli %add3A, %mul3A_305 : i32
    %mul3A_307 = arith.constant 128 : i32
    %mul3A_308 = arith.muli %mul3A_306, %mul3A_307 : i32
    "tpu.region"() ({
      %run_scoped3A = tpu.sem_alloc : memref<!tpu.dma_semaphore, #tpu.memory_space<semaphore_mem>>
      %dma_start3A = tpu.memref_slice %arg4[%mul3A_308] : memref<262144xf32, #tpu.memory_space<hbm>> -> memref<8192xf32, #tpu.memory_space<hbm>>
      %dma_start3A_317 = tpu.memref_slice %arg4[%mul3A_308] : memref<262144xf32, #tpu.memory_space<hbm>> -> memref<8192xf32, #tpu.memory_space<hbm>>
      tpu.enqueue_dma source(%arg10 : memref<8192xf32, #tpu.memory_space<vmem>>) target(%dma_start3A_317 : memref<8192xf32, #tpu.memory_space<hbm>>) target_semaphore(%run_scoped3A : memref<!tpu.dma_semaphore, #tpu.memory_space<semaphore_mem>>)
      %dma_wait3A = tpu.memref_slice %arg4[%mul3A_308] : memref<262144xf32, #tpu.memory_space<hbm>> -> memref<8192xf32, #tpu.memory_space<hbm>>
      %dma_wait3A_318 = tpu.memref_slice %arg4[%mul3A_308] : memref<262144xf32, #tpu.memory_space<hbm>> -> memref<8192xf32, #tpu.memory_space<hbm>>
      tpu.wait_dma2 semaphore(%run_scoped3A : memref<!tpu.dma_semaphore, #tpu.memory_space<semaphore_mem>>) src(%arg10 : memref<8192xf32, #tpu.memory_space<vmem>>) dst(%dma_wait3A_318 : memref<8192xf32, #tpu.memory_space<hbm>>)
      tpu.yield
    }) : () -> ()
    %mul3A_309 = arith.constant 64 : i32
    %mul3A_310 = arith.muli %add3A, %mul3A_309 : i32
    %mul3A_311 = arith.constant 128 : i32
    %mul3A_312 = arith.muli %mul3A_310, %mul3A_311 : i32
    "tpu.region"() ({
      %run_scoped3A = tpu.sem_alloc : memref<!tpu.dma_semaphore, #tpu.memory_space<semaphore_mem>>
      %dma_start3A = tpu.memref_slice %arg5[%mul3A_312] : memref<262144xf32, #tpu.memory_space<hbm>> -> memref<8192xf32, #tpu.memory_space<hbm>>
      %dma_start3A_317 = tpu.memref_slice %arg5[%mul3A_312] : memref<262144xf32, #tpu.memory_space<hbm>> -> memref<8192xf32, #tpu.memory_space<hbm>>
      tpu.enqueue_dma source(%arg11 : memref<8192xf32, #tpu.memory_space<vmem>>) target(%dma_start3A_317 : memref<8192xf32, #tpu.memory_space<hbm>>) target_semaphore(%run_scoped3A : memref<!tpu.dma_semaphore, #tpu.memory_space<semaphore_mem>>)
      %dma_wait3A = tpu.memref_slice %arg5[%mul3A_312] : memref<262144xf32, #tpu.memory_space<hbm>> -> memref<8192xf32, #tpu.memory_space<hbm>>
      %dma_wait3A_318 = tpu.memref_slice %arg5[%mul3A_312] : memref<262144xf32, #tpu.memory_space<hbm>> -> memref<8192xf32, #tpu.memory_space<hbm>>
      tpu.wait_dma2 semaphore(%run_scoped3A : memref<!tpu.dma_semaphore, #tpu.memory_space<semaphore_mem>>) src(%arg11 : memref<8192xf32, #tpu.memory_space<vmem>>) dst(%dma_wait3A_318 : memref<8192xf32, #tpu.memory_space<hbm>>)
      tpu.yield
    }) : () -> ()
    %mul3A_313 = arith.constant 64 : i32
    %mul3A_314 = arith.muli %add3A, %mul3A_313 : i32
    %mul3A_315 = arith.constant 16 : i32
    %mul3A_316 = arith.muli %mul3A_314, %mul3A_315 : i32
    "tpu.region"() ({
      %run_scoped3A = tpu.sem_alloc : memref<!tpu.dma_semaphore, #tpu.memory_space<semaphore_mem>>
      %dma_start3A = tpu.memref_slice %arg6[%mul3A_316] : memref<32768xf32, #tpu.memory_space<hbm>> -> memref<1024xf32, #tpu.memory_space<hbm>>
      %dma_start3A_317 = tpu.memref_slice %arg6[%mul3A_316] : memref<32768xf32, #tpu.memory_space<hbm>> -> memref<1024xf32, #tpu.memory_space<hbm>>
      tpu.enqueue_dma source(%arg12 : memref<1024xf32, #tpu.memory_space<vmem>>) target(%dma_start3A_317 : memref<1024xf32, #tpu.memory_space<hbm>>) target_semaphore(%run_scoped3A : memref<!tpu.dma_semaphore, #tpu.memory_space<semaphore_mem>>)
      %dma_wait3A = tpu.memref_slice %arg6[%mul3A_316] : memref<32768xf32, #tpu.memory_space<hbm>> -> memref<1024xf32, #tpu.memory_space<hbm>>
      %dma_wait3A_318 = tpu.memref_slice %arg6[%mul3A_316] : memref<32768xf32, #tpu.memory_space<hbm>> -> memref<1024xf32, #tpu.memory_space<hbm>>
      tpu.wait_dma2 semaphore(%run_scoped3A : memref<!tpu.dma_semaphore, #tpu.memory_space<semaphore_mem>>) src(%arg12 : memref<1024xf32, #tpu.memory_space<vmem>>) dst(%dma_wait3A_318 : memref<1024xf32, #tpu.memory_space<hbm>>)
      tpu.yield
    }) : () -> ()
    return
  }
}

module attributes {stable_mosaic.version = 14 : i64} {
  func.func @_mlp_body(%arg0: memref<32x64x128xf32, #tpu.memory_space<vmem>>, %arg1: memref<32x64x128xf32, #tpu.memory_space<vmem>>, %arg2: memref<32x64x16xf32, #tpu.memory_space<vmem>>, %arg3: memref<128x8xf32, #tpu.memory_space<vmem>>, %arg4: memref<1x8xf32, #tpu.memory_space<vmem>>, %arg5: memref<8x128xf32, #tpu.memory_space<vmem>>, %arg6: memref<1x128xf32, #tpu.memory_space<vmem>>, %arg7: memref<64x128xf32, #tpu.memory_space<vmem>>) attributes {dimension_semantics = [], scalar_prefetch = 0 : i64, scratch_operands = 0 : i64, tpu.core_type = #tpu.core_type<tc>} {
    %get3A = arith.constant 0 : index
    %get3A_0 = arith.constant 0 : index
    %get3A_1 = arith.constant 0 : index
    %get3A_2 = vector.load %arg0[%get3A, %get3A_0, %get3A_1] : memref<32x64x128xf32, #tpu.memory_space<vmem>>, vector<32x64x128xf32>
    %reduce_sum3A = arith.constant dense<0.000000e+00> : vector<64x128xf32>
    %reduce_sum3A_3 = vector.multi_reduction <add>, %get3A_2, %reduce_sum3A [0] : vector<32x64x128xf32> to vector<64x128xf32>
    %get3A_4 = arith.constant 0 : index
    %get3A_5 = arith.constant 0 : index
    %get3A_6 = arith.constant 0 : index
    %get3A_7 = vector.load %arg1[%get3A_4, %get3A_5, %get3A_6] : memref<32x64x128xf32, #tpu.memory_space<vmem>>, vector<32x64x128xf32>
    %reduce_max3A = arith.constant dense<0xFF800000> : vector<64x128xf32>
    %reduce_max3A_8 = vector.multi_reduction <maximumf>, %get3A_7, %reduce_max3A [0] : vector<32x64x128xf32> to vector<64x128xf32>
    %get3A_9 = arith.constant 0 : index
    %get3A_10 = arith.constant 0 : index
    %get3A_11 = arith.constant 0 : index
    %get3A_12 = vector.load %arg2[%get3A_9, %get3A_10, %get3A_11] : memref<32x64x16xf32, #tpu.memory_space<vmem>>, vector<32x64x1xf32>
    %get3A_13 = vector.shape_cast %get3A_12 : vector<32x64x1xf32> to vector<32x64xf32>
    %reduce_sum3A_14 = arith.constant dense<0.000000e+00> : vector<64xf32>
    %reduce_sum3A_15 = vector.multi_reduction <add>, %get3A_13, %reduce_sum3A_14 [0] : vector<32x64xf32> to vector<64xf32>
    %max3A = arith.constant 1.000000e+00 : f32
    %max3A_16 = vector.broadcast %max3A : f32 to vector<64xf32>
    %max3A_17 = arith.maximumf %reduce_sum3A_15, %max3A_16 : vector<64xf32>
    %broadcast_in_dim3A = vector.shape_cast %max3A_17 : vector<64xf32> to vector<64x1xf32>
    %div3A = vector.broadcast %broadcast_in_dim3A : vector<64x1xf32> to vector<64x128xf32>
    %div3A_18 = arith.divf %reduce_sum3A_3, %div3A : vector<64x128xf32>
    %is_finite3A = tpu.weird %reduce_max3A_8 : vector<64x128xf32> -> vector<64x128xi1>
    %is_finite3A_19 = arith.constant dense<true> : vector<64x128xi1>
    %is_finite3A_20 = arith.xori %is_finite3A, %is_finite3A_19 : vector<64x128xi1>
    %jit3A = arith.constant 0.000000e+00 : f32
    %broadcast_in_dim3A_21 = vector.broadcast %jit3A : f32 to vector<64x128xf32>
    %select_n3A = arith.select %is_finite3A_20, %reduce_max3A_8, %broadcast_in_dim3A_21 : vector<64x128xi1>, vector<64x128xf32>
    %get3A_22 = arith.constant 0 : index
    %get3A_23 = arith.constant 0 : index
    %get3A_24 = vector.load %arg3[%get3A_22, %get3A_23] : memref<128x8xf32, #tpu.memory_space<vmem>>, vector<128x8xf32>
    %dot_general3A = arith.constant dense<0.000000e+00> : vector<64x8xf32>
    %dot_general3A_25 = tpu.matmul %div3A_18, %get3A_24, %dot_general3A {dimension_numbers = #tpu.dot_dimension_numbers<[1], [0], [0], [1], [0, 0, 1, 1], [], []>, transpose_lhs_hint = false} : vector<64x128xf32>, vector<128x8xf32>, vector<64x8xf32> -> vector<64x8xf32>
    %get3A_26 = arith.constant 0 : index
    %get3A_27 = arith.constant 0 : index
    %get3A_28 = vector.load %arg4[%get3A_26, %get3A_27] : memref<1x8xf32, #tpu.memory_space<vmem>>, vector<1x8xf32>
    %add3A = vector.broadcast %get3A_28 : vector<1x8xf32> to vector<64x8xf32>
    %add3A_29 = arith.addf %dot_general3A_25, %add3A : vector<64x8xf32>
    %max3A_30 = arith.constant 0.000000e+00 : f32
    %max3A_31 = vector.broadcast %max3A_30 : f32 to vector<64x8xf32>
    %max3A_32 = arith.maximumf %add3A_29, %max3A_31 : vector<64x8xf32>
    %get3A_33 = arith.constant 0 : index
    %get3A_34 = arith.constant 0 : index
    %get3A_35 = vector.load %arg5[%get3A_33, %get3A_34] : memref<8x128xf32, #tpu.memory_space<vmem>>, vector<8x128xf32>
    %dot_general3A_36 = arith.constant dense<0.000000e+00> : vector<64x128xf32>
    %dot_general3A_37 = tpu.matmul %max3A_32, %get3A_35, %dot_general3A_36 {dimension_numbers = #tpu.dot_dimension_numbers<[1], [0], [0], [1], [0, 0, 1, 1], [], []>, transpose_lhs_hint = false} : vector<64x8xf32>, vector<8x128xf32>, vector<64x128xf32> -> vector<64x128xf32>
    %get3A_38 = arith.constant 0 : index
    %get3A_39 = arith.constant 0 : index
    %get3A_40 = vector.load %arg6[%get3A_38, %get3A_39] : memref<1x128xf32, #tpu.memory_space<vmem>>, vector<1x128xf32>
    %add3A_41 = vector.broadcast %get3A_40 : vector<1x128xf32> to vector<64x128xf32>
    %add3A_42 = arith.addf %dot_general3A_37, %add3A_41 : vector<64x128xf32>
    %get3A_43 = arith.constant 0 : index
    %get3A_44 = arith.constant 0 : index
    %get3A_45 = vector.load %arg3[%get3A_43, %get3A_44] : memref<128x8xf32, #tpu.memory_space<vmem>>, vector<128x8xf32>
    %dot_general3A_46 = arith.constant dense<0.000000e+00> : vector<64x8xf32>
    %dot_general3A_47 = tpu.matmul %select_n3A, %get3A_45, %dot_general3A_46 {dimension_numbers = #tpu.dot_dimension_numbers<[1], [0], [0], [1], [0, 0, 1, 1], [], []>, transpose_lhs_hint = false} : vector<64x128xf32>, vector<128x8xf32>, vector<64x8xf32> -> vector<64x8xf32>
    %get3A_48 = arith.constant 0 : index
    %get3A_49 = arith.constant 0 : index
    %get3A_50 = vector.load %arg4[%get3A_48, %get3A_49] : memref<1x8xf32, #tpu.memory_space<vmem>>, vector<1x8xf32>
    %add3A_51 = vector.broadcast %get3A_50 : vector<1x8xf32> to vector<64x8xf32>
    %add3A_52 = arith.addf %dot_general3A_47, %add3A_51 : vector<64x8xf32>
    %max3A_53 = arith.constant 0.000000e+00 : f32
    %max3A_54 = vector.broadcast %max3A_53 : f32 to vector<64x8xf32>
    %max3A_55 = arith.maximumf %add3A_52, %max3A_54 : vector<64x8xf32>
    %get3A_56 = arith.constant 0 : index
    %get3A_57 = arith.constant 0 : index
    %get3A_58 = vector.load %arg5[%get3A_56, %get3A_57] : memref<8x128xf32, #tpu.memory_space<vmem>>, vector<8x128xf32>
    %dot_general3A_59 = arith.constant dense<0.000000e+00> : vector<64x128xf32>
    %dot_general3A_60 = tpu.matmul %max3A_55, %get3A_58, %dot_general3A_59 {dimension_numbers = #tpu.dot_dimension_numbers<[1], [0], [0], [1], [0, 0, 1, 1], [], []>, transpose_lhs_hint = false} : vector<64x8xf32>, vector<8x128xf32>, vector<64x128xf32> -> vector<64x128xf32>
    %get3A_61 = arith.constant 0 : index
    %get3A_62 = arith.constant 0 : index
    %get3A_63 = vector.load %arg6[%get3A_61, %get3A_62] : memref<1x128xf32, #tpu.memory_space<vmem>>, vector<1x128xf32>
    %add3A_64 = vector.broadcast %get3A_63 : vector<1x128xf32> to vector<64x128xf32>
    %add3A_65 = arith.addf %dot_general3A_60, %add3A_64 : vector<64x128xf32>
    %add3A_66 = arith.addf %add3A_42, %add3A_65 : vector<64x128xf32>
    %logistic3A = arith.negf %add3A_66 : vector<64x128xf32>
    %logistic3A_67 = math.exp %logistic3A : vector<64x128xf32>
    %logistic3A_68 = arith.constant 1.000000e+00 : f32
    %logistic3A_69 = vector.broadcast %logistic3A_68 : f32 to vector<64x128xf32>
    %logistic3A_70 = arith.addf %logistic3A_69, %logistic3A_67 : vector<64x128xf32>
    %logistic3A_71 = arith.divf %logistic3A_69, %logistic3A_70 : vector<64x128xf32>
    %swap3A = arith.constant 0 : index
    %swap3A_72 = arith.constant 0 : index
    %swap3A_73 = vector.load %arg7[%swap3A, %swap3A_72] : memref<64x128xf32, #tpu.memory_space<vmem>>, vector<64x128xf32>
    tpu.vector_store %arg7[%swap3A, %swap3A_72], %logistic3A_71 {strides = array<i32>} : memref<64x128xf32, #tpu.memory_space<vmem>>, vector<64x128xf32>,
    return
  }
}

</mosaic_0001>

<sc_bundles>
// kernel: run.5.cloned.1.call-start
scs
__scs_entry_jumppad:
0x0: {  	(pc) =	sbr.rel $0x88, $3  }
0x1: {  	(tag) =	ssettag $0x0;
	lr =	simm.s32 $0x1  }
0x2: {  	[smem:$0x3F9B] =	sst lr;
	_ =	strace $0xD0000000  }
0x3: {  	_ = 	snop  }
0x4: {  	_ = 	snop  }
0x5: {  	_ = 	snop  }
0x6: {  	_ = 	snop  }
0x7: {  	_ = 	snop  }
__scs_overlays_trampoline_lowered:
0x8: {  	[smem:$0x3FAA] =	sst s0  }
0x9: {  	[smem:$0x3FAB] =	sst s1  }
0xa: {  	[smem:$0x3FAC] =	sst s2  }
0xb: {  	[smem:$0x3FAD] =	sst s3  }
0xc: {  	[smem:$0x3FAE] =	sst s4  }
0xd: {  	[smem:$0x3FAF] =	sst s5  }
0xe: {  	[smem:$0x3FB0] =	sst s6  }
0xf: {  	[smem:$0x3FB1] =	sst s7  }
0x10: {  	[smem:$0x3FB2] =	sst s8  }
0x11: {  	[smem:$0x3FB3] =	sst s9;
	s0 =	simm.s32 @!p0 $0x0  }
0x12: {  	s1 =	sld [smem:$0x3F99];
	s0 =	simm.s32 @p0 $0x1  }
0x13: {  	[smem:$0x3FB4] =	sst s0;
	s0 =	simm.s32 @!p1 $0x0  }
0x14: {  	s2 =	sld [smem:$0x3F98];
	s0 =	simm.s32 @p1 $0x1  }
0x15: {  	[smem:$0x3FB5] =	sst s0;
	s0 =	simm.s32 @!p2 $0x0  }
0x16: {  	s3 =	sld [smem:$0x3FDB];
	s0 =	simm.s32 @p2 $0x1  }
0x17: {  	s4 =	simm.s32 $0x1BF5;
	[smem:$0x3FB7] =	sst s0  }
0x18: {  	s0 =	sld [smem:$0x3F9A];
	_ =	swait.ge [sflag:s4], $0x0  }
0x19: {  	s7 =	sld [smem:$0x3F9B]  }
0x1a: {  	s8 =	sadd.s32 $0xFFFFE003, lr  }
0x1b: {  	s9 =	sadd.s32 $0xFFFFFEF7, lr;
	s5 =	simm.s32 $0xFFFFFFFF;
	p2 =	slt.u32 s8, $0xFFFFF086  }
0x1c: {  	p1 =	slt.u32 s9, $0xF7A;
	s5 =	simm.s32 @!p2 $0x0  }
0x1d: {  	s5 =	simm.s32 @p1 $0x1;
	p0 =	seq.s32 s7, s2  }
0x1e: {  	s7 =	smul.u32 @!p0 $0xF7A, s2;
	p2 =	seq.s32 @!p0 s5, $0x0  }
0x1f: {  	s9 =	smul.u32 $0xF7A, s1;
	s8 =	simm.s32 @!p0 $0x1BF5;
	p2 =	por !p2, p0  }
0x20: {  	[sflag:s8] =	ssyncset.s32 @!p0 $0xFFFFF086;
	s6 =	sadd.s32 @!p0 s3, s7;
	s7 =	simm.s32 @!p0 $0x108  }
0x21: {  	s3 =	sadd.s32 s3, s9;
	s6 =	sadd.s32 @!p0 $0x88, s6;
	s7 =	simm.s32 @p2 $0x1082  }
0x22: {  	[simem:s7], [sflag:s8] =	dma.local @!p0 [hbm:s6], $0xF7A  }
0x23: {  	s9 =	sor.u32 $0xD0000000, s2;
	s6 =	simm.s32 $0x108;
	_ =	swait.ge @!p0 [sflag:s8], $0x0  }
0x24: {  	s3 =	sadd.s32 $0x88, s3;
	s6 =	simm.s32 @!p1 $0x1082;
	[sflag:s4] =	ssyncset.s32 $0xFFFFF086  }
0x25: {  	[simem:s6], [sflag:s4] =	dma.local [hbm:s3], $0xF7A  }
0x26: {  	[smem:$0x3F9B] =	sst s1;
	(tag) =	ssettag s2;
	_ =	strace s9  }
0x27: {  	s1 =	sld [smem:$0x3FAB]  }
0x28: {  	s2 =	sld [smem:$0x3FAC]  }
0x29: {  	s4 =	sld [smem:$0x3FAE]  }
0x2a: {  	p0 =	seq.s32 s5, $0x0;
	s5 =	sld [smem:$0x3FAF]  }
0x2b: {  	s6 =	sld [smem:$0x3FB0]  }
0x2c: {  	s7 =	sld [smem:$0x3FB1]  }
0x2d: {  	s3 =	simm.s32 $0x108;
	s8 =	sld [smem:$0x3FB2]  }
0x2e: {  	s3 =	simm.s32 @!p0 $0x1082;
	s9 =	sld [smem:$0x3FB3]  }
0x2f: {  	lr =	sadd.s32 s0, s3;
	s0 =	sld [smem:$0x3FAA]  }
0x30: {  	s3 =	sld [smem:$0x3FAD]  }
0x31: {  	[smem:$0x3FB6] =	sst s10  }
0x32: {  	s10 =	sld [smem:$0x3FB4];
	_ =	sdelay $0x3  }
0x33: {  	p0 =	seq.s32 s10, $0x1;
	s10 =	sld [smem:$0x3FB6];
	_ =	sdelay $0x3  }
0x34: {  	[smem:$0x3FB6] =	sst s10  }
0x35: {  	s10 =	sld [smem:$0x3FB5];
	_ =	sdelay $0x3  }
0x36: {  	p1 =	seq.s32 s10, $0x1;
	s10 =	sld [smem:$0x3FB6];
	_ =	sdelay $0x3  }
0x37: {  	[smem:$0x3FB6] =	sst s10  }
0x38: {  	s10 =	sld [smem:$0x3FB7]  }
0x39: {  	_ = 	snop;
	(pc) =	sbr.ind lr, $3  }
0x3a: {  	_ = 	snop  }
0x3b: {  	_ = 	snop  }
0x3c: {  	p2 =	seq.s32 s10, $0x1;
	s10 =	sld [smem:$0x3FB6]  }
0x3d: {  	_ =	shalt  }
0x3e: {  	_ =	shalt  }
0x3f: {  	_ =	shalt  }
0x40: {  	_ =	shalt  }
0x41: {  	_ =	shalt  }
0x42: {  	_ =	shalt  }
0x43: {  	_ =	shalt  }
0x44: {  	_ =	shalt  }
0x45: {  	_ =	shalt  }
0x46: {  	_ =	shalt  }
0x47: {  	_ =	shalt  }
0x48: {  	_ =	shalt  }
0x49: {  	_ =	shalt  }
0x4a: {  	_ =	shalt  }
0x4b: {  	_ =	shalt  }
0x4c: {  	_ =	shalt  }
0x4d: {  	_ =	shalt  }
0x4e: {  	_ =	shalt  }
0x4f: {  	_ =	shalt  }
0x50: {  	_ =	shalt  }
0x51: {  	_ =	shalt  }
0x52: {  	_ =	shalt  }
0x53: {  	_ =	shalt  }
0x54: {  	_ =	shalt  }
0x55: {  	_ =	shalt  }
0x56: {  	_ =	shalt  }
0x57: {  	_ =	shalt  }
0x58: {  	_ =	shalt  }
0x59: {  	_ =	shalt  }
0x5a: {  	_ =	shalt  }
0x5b: {  	_ =	shalt  }
0x5c: {  	_ =	shalt  }
0x5d: {  	_ =	shalt  }
0x5e: {  	_ =	shalt  }
0x5f: {  	_ =	shalt  }
0x60: {  	_ =	shalt  }
0x61: {  	_ =	shalt  }
0x62: {  	_ =	shalt  }
0x63: {  	_ =	shalt  }
0x64: {  	_ =	shalt  }
0x65: {  	_ =	shalt  }
0x66: {  	_ =	shalt  }
0x67: {  	_ =	shalt  }
0x68: {  	_ =	shalt  }
0x69: {  	_ =	shalt  }
0x6a: {  	_ =	shalt  }
0x6b: {  	_ =	shalt  }
0x6c: {  	_ =	shalt  }
0x6d: {  	_ =	shalt  }
0x6e: {  	_ =	shalt  }
0x6f: {  	_ =	shalt  }
0x70: {  	_ =	shalt  }
0x71: {  	_ =	shalt  }
0x72: {  	_ =	shalt  }
0x73: {  	_ =	shalt  }
0x74: {  	_ =	shalt  }
0x75: {  	_ =	shalt  }
0x76: {  	_ =	shalt  }
0x77: {  	_ =	shalt  }
0x78: {  	_ =	shalt  }
0x79: {  	_ =	shalt  }
0x7a: {  	_ =	shalt  }
0x7b: {  	_ =	shalt  }
0x7c: {  	_ =	shalt  }
0x7d: {  	_ =	shalt  }
0x7e: {  	_ =	shalt  }
0x7f: {  	_ =	shalt  }
0x80: {  	_ =	shalt  }
0x81: {  	_ =	shalt  }
0x82: {  	_ =	shalt  }
0x83: {  	_ =	shalt  }
0x84: {  	_ =	shalt  }
0x85: {  	_ =	shalt  }
0x86: {  	_ =	shalt  }
0x87: {  	_ =	shalt  }
.Lfunc_end0:
.L_simem_size_0:
called_computation_lowered:
.L_overlay_start_0:
0x88: {  	s2 =	sld [smem:$0x3FD9]  }
0x89: {  	s3 =	sld [smem:$0x3FFE];
	_ =	sdelay $0x1  }
0x8a: {  	s1 =	srdreg.scid  }
0x8b: {  	s0 =	sand.u32 $0x1, s1  }
0x8c: {  	s17 =	sshll.u32 s0, $0xA;
	s2 =	sadd.s32 s3, s2  }
0x8d: {  	s2 =	sadd.s32 s2, s17  }
0x8e: {  	[smem:$0x3FC2] =	sst s2  }
0x8f: {  	_ = 	snop  }
0x90: {  	s2 =	sld [smem:$0x3FC9]  }
0x91: {  	s18 =	sld [smem:$0x3FC8]  }
0x92: {  	s4 =	sld [smem:$0x3FD0];
	(tm) =	ssettm $0x1  }
0x93: {  	s5 =	sld [smem:$0x3FFB];
	_ =	sdelay $0x3  }
0x94: {  	_ =	strace s5  }
0x95: {  	s5 =	sld [smem:$0x3FFC];
	_ =	sdelay $0x3  }
0x96: {  	_ =	strace s5  }
0x97: {  	s5 =	sld [smem:$0x3FFD];
	_ =	sdelay $0x3  }
0x98: {  	_ =	strace s5  }
0x99: {  	_ =	strace $0x8FFFFFFF  }
0x9a: {  	s19 =	sld [smem:$0x3FDB];
	_ =	sdelay $0x1  }
0x9b: {  	s6 =	simm.s32 $_scs_section_size  }
0x9c: {  	s7 =	simm.s32 $_size__tile_overlayer_lowered;
	s8 =	simm.s32 $_tile_overlayer_lowered  }
0x9d: {  	s22 =	simm.s32 $0x1BFF;
	s21 =	sshll.u32 s8, $0x1;
	s5 =	sadd.s32 s6, s19  }
0x9e: {  	s9 =	simm.s32 $0x0;
	s20 =	sshll.u32 s7, $0x1;
	s7 =	sadd.s32 s21, s5  }
0x9f: {  	[timem:s9], [sflag:s22] =	dma.local [hbm:s7], s20  }
0xa0: {  	_ =	swait.ge [sflag:s22], s20  }
0xa1: {  	s6 =	ssub.s32 $0x0, s20;
	[sflag:s22] =	ssyncset.done $0x0  }
0xa2: {  	[sflag:s22] =	ssyncadd.s32 s6;
	_ =	sdelay $0x1  }
0xa3: {  	s23 =	simm.s32 $0x1B8B  }
0xa4: {  	_ =	swait.ge [sflag:s23], $0x1  }
0xa5: {  	[sflag:s23] =	ssyncset.done $0x0  }
0xa6: {  	s25 =	simm.s32 $0x1B8E;
	s24 =	sld [smem:$0x3FFE];
	[sflag:s23] =	ssyncadd.s32 $0xFFFFFFFF  }
0xa7: {  	s26 =	simm.s32 $execute0_lowered;
	[smem:$0x3FD2] =	sst s25  }
0xa8: {  	s7 =	sshll.u32 s26, $0x1;
	_ =	strace $0x80000046;
	[dreg:$0x1] =	wrdreg $0xFFFFFFFF  }
0xa9: {  	s28 =	simm.s32 $_size_execute0_lowered;
	s5 =	sadd.s32 s5, s7;
	[dreg:$0x0] =	wrdreg $0x0  }
0xaa: {  	s7 =	sshll.u32 s28, $0x1;
	[dreg:$0x2] =	wrdreg s5  }
0xab: {  	[dreg:$0x3] =	wrdreg s7  }
0xac: {  	[dreg:$0x4] =	wrdreg $0xC0  }
0xad: {  	_ =	task [dreg:s9], $0x5FFFF  }
0xae: {  	[dreg:$0x1] =	wrdreg $0xFFFFFFFF  }
0xaf: {  	[dreg:$0x0] =	wrdreg $0x60  }
0xb0: {  	[dreg:$0x2] =	wrdreg s2  }
0xb1: {  	[dreg:$0x3] =	wrdreg s18  }
0xb2: {  	[dreg:$0x4] =	wrdreg s4  }
0xb3: {  	[dreg:$0x5] =	wrdreg s24  }
0xb4: {  	[dreg:$0x6] =	wrdreg $0x9  }
0xb5: {  	_ =	task.clear_ibuf [dreg:s9], $0x7FFFF;
	_ =	strace $0x90000046  }
0xb6: {  	s29 =	simm.s32 $0x9;
	_ =	strace $0x80000048  }
0xb7: {  	_ =	swait.ge [sflag:s29], $0x1  }
0xb8: {  	[sflag:s29] =	ssyncadd.s32 $0xFFFFFFFF  }
0xb9: {  	_ =	strace $0x90000048  }
0xba: {  	_ =	sfence  }
0xbb: {  	s30 =	sld [smem:$0x0];
	_ =	sdelay $0x2  }
0xbc: {  	s31 =	sshll.u32 s1, $0xD;
	s1 =	sshrl.u32 s1, $0x2  }
0xbd: {  	s3 =	sand.u32 $0x4000, s31;
	s1 =	sadd.s32 s1, s30  }
0xbe: {  	s0 =	sor.u32 s3, s0;
	s1 =	sshll.u32 s1, $0x11  }
0xbf: {  	s0 =	sor.u32 s1, s0  }
0xc0: {  	s0 =	sadd.s32 $0x8F2B, s0  }
0xc1: {  	[sflag:s0] =	ssyncadd.remote.s32 $0x1  }
0xc2: {  	_ =	sfence.sel $0xFFFF  }
0xc3: {  	[dreg:$0x0] =	wrdreg $0xFFFFFFFF;
	(pc) =	sbr.abs _section_cstart, $3  }
0xc4: {  	[dreg:$0x1] =	wrdreg $0xFFFFFFFF  }
0xc5: {  	_ =	task.clear_ibuf [dreg:s9], $0x2FFFF;
	_ =	strace $0x9FFFFFFF  }
0xc6: {  	(tm) =	ssettm $0x7FFFFFFF  }
0xc7: {  	_ =	shalt  }
tec
execute0_lowered:
.L_overlay_start_1:
0x0: {  	(tag) =	ssettag $0x1  }
0x1: {  	s1 =	rddreg [dreg:$0x0]  }
0x2: {  	s6 =	rddreg [dreg:$0x1]  }
0x3: {  	s10 =	rddreg [dreg:$0x2];
	s2 =	srdreg.scid  }
0x4: {  	s0 =	stileid.u32;
	s4 =	rddreg [dreg:$0x3];
	s3 =	simm.s32 $0x0  }
0x5: {  	s16 =	simm.s32 $0xFFFFFFFF;
	s17 =	simm.s32 $0x5080;
	s18 =	simm.s32 $0x7080  }
0x6: {  	s19 =	simm.s32 $0x9080;
	s5 =	sand.u32 $0x1, s2;
	s2 =	rddreg [dreg:$0x4]  }
0x7: {  	s20 =	simm.s32 $0x0;
	s7 =	sshll.u32 s0, $0x1;
	[smem:$0x7FF] =	sst s3  }
0x8: {  	s7 =	sor.u32 s5, s7;
	_ =	strace $0x80000047;
	s26 =	ssub.s32 $0x2, s5  }
0x9: {  	s8 =	smul.u32 $0x30D4, s7;
	s11 =	sshll.u32 s7, $0xA;
	s7 =	sshll.u32 s7, $0x7  }
0xa: {  	s29 =	sshrl.u32 s26, $0x1;
	s12 =	sadd.s32 s11, s4;
	s13 =	sadd.s32 s7, s4  }
0xb: {  	s4 =	simm.s32 $0x1;
	s10 =	sadd.s32 s10, s11;
	s9 =	sadd.s32 $0x30D4, s8  }
0xc: {  	s22 =	sshrl.u32 s8, $0x5;
	s11 =	sadd.s32 $0x2A00, s12;
	s23 =	sshrl.u32 s9, $0x5  }
0xd: {  	s12 =	sadd.s32 $0x1A00, s13;
	s6 =	sadd.s32 s6, s22;
	s8 =	ssub.s32 s23, s22  }
0xe: {  	p0 =	sne.s32 s23, s22;
	s24 =	sshll.u32 s8, $0x10;
	s14 =	sshra.s32 s8, $0x1F  }
0xf: {  	s4 =	simm.s32 @!p0 $0x0;
	s25 =	sand.u32 $0xF, s8;
	s30 =	sshll.u32 s8, $0x3  }
0x10: {  	s9 =	sshra.s32 s24, $0x1F;
	s4 =	sor.u32 s4, s14;
	p1 =	sne.s32 s25, $0x0  }
0x11: {  	s14 =	ssub.s32 s26, s29;
	s9 =	sand.u32 $0xF, s9;
	p6 =	sne.s32 s4, $0x1  }
0x12: {  	s4 =	sshll.u32 s22, $0x3;
	s28 =	sadd.s32 s9, s8;
	p0 =	por !p1, !p6  }
0x13: {  	s9 =	simm.s32 $0x1;
	s5 =	sshll.u32 s28, $0x10;
	p0 =	por !p0, !p0  }
0x14: {  	s13 =	smax.u32 s14, $0x1;
	s15 =	sshra.s32 s5, $0x14;
	s9 =	simm.s32 @!p0 $0x0  }
.Ltmp0:
0x15: {  	s16 =	simm.s32 @!p0 $0x0;
	s5 =	ssub.s32 s15, s9;
	(pc) =	sbr.rel .LBB2_1-.Ltmp0, $4  }
0x16: {  	s15 =	sshll.u32 s15, $0x9;
	s16 =	sshll.u32 s16, $0x9;
	s7 =	sshll.u32 s5, $0x7  }
0x17: {  	s8 =	simm.s32 $0x1;
	s31 =	sadd.s32 s16, s15;
	s9 =	ssub.s32 s30, s7  }
0x18: {  	p0 =	slt.s32 s5, $0x1;
	s15 =	simm.s32 $0xC80;
	s9 =	sshra.s32 s9, $0x3  }
0x19: {  	v0 =	vimm.f32 $0.0e+00;
	v1 =	vimm.f32 $-Inf;
	s16 =	simm.s32 $0x4C80;
	s14 =	sshra.s32 s31, $0x2;
	p1 =	slt.s32 s9, $0x1  }
.LBB2_13:
0x1a: {  	s23 =	sshll.u32 s22, $0x7  }
0x1b: {  	[tilespmem:s23+$0x5080] =	vst v18  }
0x1c: {  	[tilespmem:s23+$0x7080] =	vst v17  }
0x1d: {  	[tilespmem:s23+$0x5090] =	vst v16  }
0x1e: {  	[tilespmem:s23+$0x7090] =	vst v14  }
0x1f: {  	[tilespmem:s23+$0x50A0] =	vst v15  }
0x20: {  	[tilespmem:s23+$0x70A0] =	vst v13  }
0x21: {  	[tilespmem:s23+$0x50B0] =	vst v12  }
0x22: {  	[tilespmem:s23+$0x70B0] =	vst v11  }
0x23: {  	[tilespmem:s23+$0x50C0] =	vst v10  }
0x24: {  	[tilespmem:s23+$0x70C0] =	vst v5  }
0x25: {  	[tilespmem:s23+$0x50D0] =	vst v6  }
0x26: {  	[tilespmem:s23+$0x70D0] =	vst v7  }
0x27: {  	[tilespmem:s23+$0x50E0] =	vst v4  }
0x28: {  	[tilespmem:s23+$0x70E0] =	vst v9  }
0x29: {  	s30 =	sshll.u32 s22, $0x6;
	[tilespmem:s23+$0x50F0] =	vst v3  }
0x2a: {  	v2 =	vmov s21;
	[tilespmem:s23+$0x70F0] =	vst v8;
	s31 =	sshra.s32 s30, $0x2  }
0x2b: {  	[tilespmem:s31+$0x9080] =	vst v2  }
0x2c: {  	[hbm4b:s10+s3] =	stream.linear.scatter [tilespmem:s17], [sflag:$0x1], $0x2000, $0x38;
	[tilespmem:$0x9480] =	vst v63  }
0x2d: {  	_ =	swait.ge [sflag:s8], $0x2000  }
0x2e: {  	[sflag:s8] =	ssyncset.done $0x0  }
0x2f: {  	[sflag:s8] =	ssyncadd.s32 $0xFFFFE000  }
0x30: {  	[hbm4b:s11+s3] =	stream.linear.scatter [tilespmem:s18], [sflag:$0x1], $0x2000, $0x38;
	[tilespmem:$0x9480] =	vst v63  }
0x31: {  	s20 =	sadd.s32 $0x1, s20;
	_ =	swait.ge [sflag:s8], $0x2000  }
0x32: {  	p2 =	sne.s32 s20, s13;
	[sflag:s8] =	ssyncset.done $0x0  }
.Ltmp1:
0x33: {  	[sflag:s8] =	ssyncadd.s32 $0xFFFFE000;
	(pc) =	sbr.rel @!p2 .LBB2_14-.Ltmp1, $4  }
0x34: {  	[hbm4b:s12+s3] =	stream.linear.scatter [tilespmem:s19], [sflag:$0x1], $0x400, $0x38;
	[tilespmem:$0x9480] =	vst v63  }
0x35: {  	_ =	swait.ge [sflag:s8], $0x400  }
0x36: {  	[sflag:s8] =	ssyncset.done $0x0  }
0x37: {  	[sflag:s8] =	ssyncadd.s32 $0xFFFFFC00  }
.LBB2_1:
0x38: {  	[tilespmem:s3], [sflag:$0x1] =	stream.linear.gather [hbm4b:s6+s3], $0xC38, $0x38;
	[tilespmem:$0x9480] =	vst v63  }
0x39: {  	_ =	swait.ge [sflag:s8], $0xC38  }
0x3a: {  	[sflag:s8] =	ssyncset.done $0x0  }
0x3b: {  	s21 =	simm.s32 $0x0;
	[sflag:s8] =	ssyncadd.s32 $0xFFFFF3C8  }
.LBB2_2:
0x3c: {  	p2 =	sne.s32 s21, $0x7FC0  }
.Ltmp2:
0x3d: {  	_ = 	snop;
	(pc) =	sbr.rel @p2 .LBB2_2-.Ltmp2, $4  }
0x3e: {  	_ = 	snop  }
0x3f: {  	s22 =	sshra.s32 s21, $0x2  }
0x40: {  	[tilespmem:s22+$0x5080] =	vst v0  }
0x41: {  	s21 =	sadd.s32 $0x40, s21;
	[tilespmem:s22+$0x7080] =	vst v1  }
0x42: {  	s21 =	simm.s32 $0x40;
	s22 =	simm.s32 $0x0  }
.LBB2_4:
0x43: {  	p2 =	sne.s32 s21, $0xFC0;
	[tilespmem:s22+$0x9080] =	vst v0;
	s22 =	smov.u32 s21;
	s21 =	sadd.s32 $0x40, s21  }
.Ltmp3:
0x44: {  	(pc) =	sbr.rel @p2 .LBB2_4-.Ltmp3, $2  }
0x45: {  	_ =	sdelay $0x2  }
0x46: {  	s22 =	sshra.s32 s22, $0x2  }
0x47: {  	[tilespmem:s22+$0x9080] =	vst v0  }
0x48: {  	v2 =	vld [tilespmem:$0x0];
	_ =	sdelay $0x4  }
0x49: {  	(v2sf) =	vpush v2, $0x0;
	_ =	sdelay $0x9  }
0x4a: {  	v3 =	vimm.f32 $0.0e+00  }
.Ltmp4:
0x4b: {  	v8 =	vimm.f32 $-Inf;
	v9 =	vimm.f32 $-Inf;
	v7 =	vimm.f32 $-Inf;
	(pc) =	sbr.rel @p0 .LBB2_9-.Ltmp4, $4  }
0x4c: {  	v5 =	vimm.f32 $-Inf;
	v11 =	vimm.f32 $-Inf;
	v13 =	vimm.f32 $-Inf  }
0x4d: {  	v14 =	vimm.f32 $-Inf;
	v17 =	vimm.f32 $-Inf;
	v4 =	vimm.f32 $0.0e+00  }
0x4e: {  	s23 =	simm.s32 $0x0;
	v6 =	vimm.f32 $0.0e+00;
	v10 =	vimm.f32 $0.0e+00;
	v12 =	vimm.f32 $0.0e+00;
	s21 =	simm.f32 $0.0e+00  }
0x4f: {  	s24 =	simm.s32 $0x0;
	v15 =	vimm.f32 $0.0e+00;
	v16 =	vimm.f32 $0.0e+00;
	v18 =	vimm.f32 $0.0e+00;
	s25 =	simm.s32 $0x0;
	s22 =	spop (v2sf)  }
.LBB2_6:
0x50: {  	s26 =	sshll.u32 s25, $0x7  }
0x51: {  	s26 =	sadd.s32 s4, s26  }
0x52: {  	s26 =	sshll.u32 s26, $0x4  }
0x53: {  	s26 =	sand.u32 $0x1FFFFF80, s26  }
0x54: {  	v2 =	vmov s24;
	s26 =	sadd.s32 s1, s26  }
0x55: {  	[tilespmem:s15], [sflag:$0x1] =	stream.linear.gather [hbm4b:s26+s23], $0x4000, $0x38;
	[tilespmem:$0x9480] =	vst v63  }
0x56: {  	_ =	swait.ge [sflag:s8], $0x4000  }
0x57: {  	[sflag:s8] =	ssyncset.done $0x0  }
0x58: {  	s30 =	simm.s32 $0x0;
	[sflag:s8] =	ssyncadd.s32 $0xFFFFC000  }
0x59: {  	v19 =	vld.idx.msk [tilespmem:v2+s30+$0x0 ss:$0x1], $0xffff;
	_ =	sdelay $0x4  }
0x5a: {  	(v2sf) =	vpush v19, $0x0;
	_ =	sdelay $0xe  }
0x5b: {  	s28 =	spop (v2sf)  }
0x5c: {  	p3 =	seq.s32 s28, s22  }
0x5d: {  	s26 =	sshll.u32 @!p3 s22, $0x7  }
0x5e: {  	[tilespmem:s26+$0x5080] =	vst @!p3 v18  }
0x5f: {  	[tilespmem:s26+$0x7080] =	vst @!p3 v17  }
0x60: {  	[tilespmem:s26+$0x5090] =	vst @!p3 v16  }
0x61: {  	[tilespmem:s26+$0x7090] =	vst @!p3 v14  }
0x62: {  	[tilespmem:s26+$0x50A0] =	vst @!p3 v15  }
0x63: {  	[tilespmem:s26+$0x70A0] =	vst @!p3 v13  }
0x64: {  	[tilespmem:s26+$0x50B0] =	vst @!p3 v12  }
0x65: {  	[tilespmem:s26+$0x70B0] =	vst @!p3 v11  }
0x66: {  	[tilespmem:s26+$0x50C0] =	vst @!p3 v10  }
0x67: {  	[tilespmem:s26+$0x70C0] =	vst @!p3 v5  }
0x68: {  	[tilespmem:s26+$0x50D0] =	vst @!p3 v6  }
0x69: {  	[tilespmem:s26+$0x70D0] =	vst @!p3 v7  }
0x6a: {  	[tilespmem:s26+$0x50E0] =	vst @!p3 v4  }
0x6b: {  	[tilespmem:s26+$0x70E0] =	vst @!p3 v9  }
0x6c: {  	s22 =	sshll.u32 @!p3 s22, $0x6;
	[tilespmem:s26+$0x50F0] =	vst @!p3 v3  }
0x6d: {  	v19 =	vmov @!p3 s21;
	[tilespmem:s26+$0x70F0] =	vst @!p3 v8;
	s22 =	sshra.s32 @!p3 s22, $0x2  }
0x6e: {  	s31 =	simm.s32 $0x1;
	[tilespmem:s22+$0x9080] =	vst @!p3 v19  }
0x6f: {  	v19 =	vld.idx.msk [tilespmem:v2+s31+$0x0 ss:$0x1], $0xffff;
	_ =	sdelay $0x4  }
0x70: {  	(v2sf) =	vpush v19, $0x0;
	_ =	sdelay $0x9  }
0x71: {  	s26 =	simm.s32 $0xCC0  }
0x72: {  	v20 =	vld [tilespmem:s26+$0xFFFFFFC0]  }
0x73: {  	v21 =	vld [tilespmem:s26+$0x20]  }
0x74: {  	v22 =	vld [tilespmem:s26+$0xFFFFFFD0]  }
0x75: {  	v23 =	vld [tilespmem:s26+$0x10]  }
0x76: {  	v18 =	vpsel !p3, $0x0, v18;
	v24 =	vld [tilespmem:s26+$0xFFFFFFE0];
	s22 =	spop (v2sf)  }
0x77: {  	v25 =	vld [tilespmem:s26+$0x0];
	v18 =	vadd.f32 v20, v18;
	p2 =	seq.s32 s22, s28  }
0x78: {  	v17 =	vpsel !p3, $0xFF800000, v17;
	v16 =	vpsel !p3, $0x0, v16;
	v26 =	vld [tilespmem:s26+$0xFFFFFFF0];
	s29 =	sshll.u32 @!p2 s28, $0x7  }
0x79: {  	v19 =	vld [tilespmem:s26+$0x30];
	v27 =	vadd.f32 v22, v16;
	v17 =	vmax.f32 v17, v20;
	[tilespmem:s29+$0x5080] =	vst @!p2 v18  }
0x7a: {  	v15 =	vpsel !p3, $0x0, v15;
	v14 =	vpsel !p3, $0xFF800000, v14;
	[tilespmem:s29+$0x7080] =	vst @!p2 v17  }
0x7b: {  	v15 =	vadd.f32 v24, v15;
	v14 =	vmax.f32 v14, v22;
	[tilespmem:s29+$0x5090] =	vst @!p2 v27  }
0x7c: {  	v8 =	vpsel !p3, $0xFF800000, v8;
	v13 =	vpsel !p3, $0xFF800000, v13;
	v12 =	vpsel !p3, $0x0, v12;
	[tilespmem:s29+$0x7090] =	vst @!p2 v14  }
0x7d: {  	v9 =	vpsel !p3, $0xFF800000, v9;
	v16 =	vadd.f32 v26, v12;
	v13 =	vmax.f32 v13, v24;
	[tilespmem:s29+$0x50A0] =	vst @!p2 v15  }
0x7e: {  	v3 =	vpsel !p3, $0x0, v3;
	v11 =	vpsel !p3, $0xFF800000, v11;
	v10 =	vpsel !p3, $0x0, v10;
	[tilespmem:s29+$0x70A0] =	vst @!p2 v13  }
0x7f: {  	v7 =	vpsel !p3, $0xFF800000, v7;
	v10 =	vadd.f32 v25, v10;
	v11 =	vmax.f32 v11, v26;
	[tilespmem:s29+$0x50B0] =	vst @!p2 v16  }
0x80: {  	v4 =	vpsel !p3, $0x0, v4;
	v6 =	vpsel !p3, $0x0, v6;
	v5 =	vpsel !p3, $0xFF800000, v5;
	[tilespmem:s29+$0x70B0] =	vst @!p2 v11  }
0x81: {  	v6 =	vadd.f32 v23, v6;
	v12 =	vmax.f32 v5, v25;
	v20 =	vadd.f32 v19, v3;
	[tilespmem:s29+$0x50C0] =	vst @!p2 v10  }
0x82: {  	s21 =	simm.f32 @!p3 $0.0e+00;
	v8 =	vmax.f32 v8, v19;
	v19 =	vadd.f32 v21, v4;
	v21 =	vmax.f32 v9, v21;
	[tilespmem:s29+$0x70C0] =	vst @!p2 v12  }
0x83: {  	s30 =	sadd.f32 $1.000000000e+00, s21;
	v22 =	vmax.f32 v7, v23;
	v4 =	vpsel !p2, $0xFF800000, v8;
	v5 =	vpsel !p2, $0xFF800000, v21;
	[tilespmem:s29+$0x50D0] =	vst @!p2 v6  }
0x84: {  	v3 =	vpsel !p2, $0x0, v20;
	v7 =	vpsel !p2, $0xFF800000, v22;
	v9 =	vpsel !p2, $0x0, v19;
	[tilespmem:s29+$0x70D0] =	vst @!p2 v22  }
0x85: {  	s21 =	smov.u32 s30;
	v6 =	vpsel !p2, $0x0, v6;
	v12 =	vpsel !p2, $0xFF800000, v12;
	v11 =	vpsel !p2, $0xFF800000, v11;
	[tilespmem:s29+$0x50E0] =	vst @!p2 v19  }
0x86: {  	s21 =	simm.f32 @!p2 $0.0e+00;
	v10 =	vpsel !p2, $0x0, v10;
	v13 =	vpsel !p2, $0xFF800000, v13;
	v16 =	vpsel !p2, $0x0, v16;
	[tilespmem:s29+$0x70E0] =	vst @!p2 v21  }
0x87: {  	s31 =	sshll.u32 @!p2 s28, $0x6;
	v15 =	vpsel !p2, $0x0, v15;
	v14 =	vpsel !p2, $0xFF800000, v14;
	v17 =	vpsel !p2, $0xFF800000, v17;
	[tilespmem:s29+$0x50F0] =	vst @!p2 v20;
	s21 =	sadd.f32 $1.000000000e+00, s21  }
0x88: {  	s28 =	simm.s32 $0x8;
	v19 =	vpsel !p2, $0x0, v27;
	v18 =	vpsel !p2, $0x0, v18;
	[tilespmem:s29+$0x70F0] =	vst @!p2 v8;
	v8 =	vmov @!p2 s30;
	s29 =	sshra.s32 @!p2 s31, $0x2  }
.LBB2_7:
0x89: {  	s31 =	sshra.s32 s28, $0x2;
	[tilespmem:s29+$0x9080] =	vst @!p2 v8;
	s30 =	smov.u32 s22;
	s29 =	smov.u32 s21  }
0x8a: {  	s26 =	sadd.s32 $0x80, s26;
	v8 =	vld.idx.msk [tilespmem:v2+s31+$0x0 ss:$0x1], $0xffff  }
0x8b: {  	v20 =	vld [tilespmem:s26+$0x30]  }
0x8c: {  	v21 =	vld [tilespmem:s26+$0x20]  }
0x8d: {  	v22 =	vld [tilespmem:s26+$0x10]  }
0x8e: {  	v23 =	vld [tilespmem:s26+$0x0]  }
0x8f: {  	v24 =	vld [tilespmem:s26+$0xFFFFFFF0]  }
0x90: {  	(v2sf) =	vpush v8, $0x0;
	v8 =	vld [tilespmem:s26+$0xFFFFFFE0];
	v25 =	vadd.f32 v20, v3;
	v20 =	vmax.f32 v4, v20  }
0x91: {  	v3 =	vld [tilespmem:s26+$0xFFFFFFD0];
	v26 =	vadd.f32 v21, v9;
	v21 =	vmax.f32 v5, v21  }
0x92: {  	v4 =	vld [tilespmem:s26+$0xFFFFFFC0];
	v27 =	vadd.f32 v22, v6;
	v22 =	vmax.f32 v7, v22  }
0x93: {  	v28 =	vadd.f32 v23, v10;
	v23 =	vmax.f32 v12, v23  }
0x94: {  	v29 =	vadd.f32 v24, v16;
	v24 =	vmax.f32 v11, v24  }
0x95: {  	v30 =	vadd.f32 v8, v15;
	v8 =	vmax.f32 v13, v8  }
0x96: {  	v19 =	vadd.f32 v3, v19;
	v14 =	vmax.f32 v14, v3  }
0x97: {  	v18 =	vadd.f32 v4, v18;
	v17 =	vmax.f32 v17, v4  }
0x98: {  	s28 =	sadd.s32 $0x4, s28  }
0x99: {  	p3 =	sne.s32 s28, $0x200;
	_ =	sdelay $0x5  }
0x9a: {  	s22 =	spop (v2sf)  }
0x9b: {  	p2 =	seq.s32 s22, s30  }
0x9c: {  	s31 =	sshll.u32 @!p2 s30, $0x7;
	v4 =	vpsel !p2, $0xFF800000, v20;
	v5 =	vpsel !p2, $0xFF800000, v21;
	v3 =	vpsel !p2, $0x0, v25;
	s21 =	simm.f32 @!p2 $0.0e+00  }
0x9d: {  	v7 =	vpsel !p2, $0xFF800000, v22;
	v9 =	vpsel !p2, $0x0, v26;
	v6 =	vpsel !p2, $0x0, v27;
	[tilespmem:s31+$0x5080] =	vst @!p2 v18;
	s21 =	sadd.f32 $1.000000000e+00, s21  }
0x9e: {  	v12 =	vpsel !p2, $0xFF800000, v23;
	v11 =	vpsel !p2, $0xFF800000, v24;
	v10 =	vpsel !p2, $0x0, v28;
	[tilespmem:s31+$0x7080] =	vst @!p2 v17  }
0x9f: {  	v13 =	vpsel !p2, $0xFF800000, v8;
	v16 =	vpsel !p2, $0x0, v29;
	v15 =	vpsel !p2, $0x0, v30;
	[tilespmem:s31+$0x5090] =	vst @!p2 v19  }
0xa0: {  	v17 =	vpsel !p2, $0xFF800000, v17;
	v19 =	vpsel !p2, $0x0, v19;
	[tilespmem:s31+$0x7090] =	vst @!p2 v14;
	v14 =	vpsel !p2, $0xFF800000, v14  }
0xa1: {  	v18 =	vpsel !p2, $0x0, v18;
	[tilespmem:s31+$0x50A0] =	vst @!p2 v30  }
0xa2: {  	[tilespmem:s31+$0x70A0] =	vst @!p2 v8  }
0xa3: {  	[tilespmem:s31+$0x50B0] =	vst @!p2 v29  }
0xa4: {  	[tilespmem:s31+$0x70B0] =	vst @!p2 v24  }
0xa5: {  	[tilespmem:s31+$0x50C0] =	vst @!p2 v28  }
0xa6: {  	[tilespmem:s31+$0x70C0] =	vst @!p2 v23  }
0xa7: {  	[tilespmem:s31+$0x50D0] =	vst @!p2 v27  }
.Ltmp5:
0xa8: {  	[tilespmem:s31+$0x70D0] =	vst @!p2 v22;
	(pc) =	sbr.rel @p3 .LBB2_7-.Ltmp5, $4  }
0xa9: {  	[tilespmem:s31+$0x50E0] =	vst @!p2 v26  }
0xaa: {  	[tilespmem:s31+$0x70E0] =	vst @!p2 v21  }
0xab: {  	s30 =	sshll.u32 @!p2 s30, $0x6;
	[tilespmem:s31+$0x50F0] =	vst @!p2 v25  }
0xac: {  	v8 =	vmov @!p2 s29;
	s29 =	sshra.s32 @!p2 s30, $0x2;
	[tilespmem:s31+$0x70F0] =	vst @!p2 v20  }
0xad: {  	[tilespmem:s29+$0x9080] =	vst @!p2 v8;
	s26 =	sadd.s32 $0x80, s26  }
0xae: {  	v2 =	vld [tilespmem:s26+$0x30]  }
0xaf: {  	v20 =	vld [tilespmem:s26+$0x20]  }
0xb0: {  	v21 =	vld [tilespmem:s26+$0x10]  }
0xb1: {  	v22 =	vld [tilespmem:s26+$0x0]  }
0xb2: {  	v23 =	vld [tilespmem:s26+$0xFFFFFFF0]  }
0xb3: {  	v24 =	vld [tilespmem:s26+$0xFFFFFFE0]  }
0xb4: {  	s25 =	sadd.s32 $0x1, s25;
	v25 =	vld [tilespmem:s26+$0xFFFFFFD0]  }
0xb5: {  	v26 =	vld [tilespmem:s26+$0xFFFFFFC0];
	p2 =	sne.s32 s25, s5;
	v3 =	vadd.f32 v2, v3  }
.Ltmp6:
0xb6: {  	v8 =	vmax.f32 v4, v2;
	v4 =	vadd.f32 v20, v9;
	v9 =	vmax.f32 v5, v20;
	(pc) =	sbr.rel @p2 .LBB2_6-.Ltmp6, $4  }
0xb7: {  	v6 =	vadd.f32 v21, v6;
	v7 =	vmax.f32 v7, v21;
	v10 =	vadd.f32 v22, v10  }
0xb8: {  	v5 =	vmax.f32 v12, v22;
	v12 =	vadd.f32 v23, v16;
	v11 =	vmax.f32 v11, v23  }
0xb9: {  	v15 =	vadd.f32 v24, v15;
	v13 =	vmax.f32 v13, v24;
	v16 =	vadd.f32 v25, v19  }
0xba: {  	s24 =	sadd.s32 $0x80, s24;
	v14 =	vmax.f32 v14, v25;
	v18 =	vadd.f32 v26, v18;
	v17 =	vmax.f32 v17, v26  }
.LBB2_9:
.Ltmp7:
0xbb: {  	(pc) =	sbr.rel @p1 .LBB2_13-.Ltmp7, $2  }
0xbc: {  	_ =	sdelay $0x2  }
0xbd: {  	s23 =	simm.s32 $0x0;
	s24 =	smov.u32 s14;
	s25 =	simm.s32 $0x0  }
.LBB2_10:
0xbe: {  	s26 =	sshll.u32 s25, $0x3  }
0xbf: {  	s26 =	sadd.s32 s7, s26  }
0xc0: {  	s26 =	sadd.s32 s4, s26  }
0xc1: {  	s26 =	sshll.u32 s26, $0x4  }
0xc2: {  	s26 =	sand.u32 $0x1FFFFF80, s26  }
0xc3: {  	v2 =	vmov s24;
	s26 =	sadd.s32 s1, s26  }
0xc4: {  	[tilespmem:s16], [sflag:$0x1] =	stream.linear.gather [hbm4b:s26+s23], $0x400, $0x38;
	[tilespmem:$0x9480] =	vst v63  }
0xc5: {  	_ =	swait.ge [sflag:s8], $0x400  }
0xc6: {  	[sflag:s8] =	ssyncset.done $0x0  }
0xc7: {  	s30 =	simm.s32 $0x0;
	[sflag:s8] =	ssyncadd.s32 $0xFFFFFC00  }
0xc8: {  	v19 =	vld.idx.msk [tilespmem:v2+s30+$0x0 ss:$0x1], $0xffff;
	_ =	sdelay $0x4  }
0xc9: {  	(v2sf) =	vpush v19, $0x0;
	_ =	sdelay $0xe  }
0xca: {  	s28 =	spop (v2sf)  }
0xcb: {  	p3 =	seq.s32 s28, s22  }
0xcc: {  	s26 =	sshll.u32 @!p3 s22, $0x7  }
0xcd: {  	[tilespmem:s26+$0x5080] =	vst @!p3 v18  }
0xce: {  	[tilespmem:s26+$0x7080] =	vst @!p3 v17  }
0xcf: {  	[tilespmem:s26+$0x5090] =	vst @!p3 v16  }
0xd0: {  	[tilespmem:s26+$0x7090] =	vst @!p3 v14  }
0xd1: {  	[tilespmem:s26+$0x50A0] =	vst @!p3 v15  }
0xd2: {  	[tilespmem:s26+$0x70A0] =	vst @!p3 v13  }
0xd3: {  	[tilespmem:s26+$0x50B0] =	vst @!p3 v12  }
0xd4: {  	[tilespmem:s26+$0x70B0] =	vst @!p3 v11  }
0xd5: {  	[tilespmem:s26+$0x50C0] =	vst @!p3 v10  }
0xd6: {  	[tilespmem:s26+$0x70C0] =	vst @!p3 v5  }
0xd7: {  	[tilespmem:s26+$0x50D0] =	vst @!p3 v6  }
0xd8: {  	[tilespmem:s26+$0x70D0] =	vst @!p3 v7  }
0xd9: {  	[tilespmem:s26+$0x50E0] =	vst @!p3 v4  }
0xda: {  	[tilespmem:s26+$0x70E0] =	vst @!p3 v9  }
0xdb: {  	s22 =	sshll.u32 @!p3 s22, $0x6;
	[tilespmem:s26+$0x50F0] =	vst @!p3 v3  }
0xdc: {  	v19 =	vmov @!p3 s21;
	[tilespmem:s26+$0x70F0] =	vst @!p3 v8;
	s22 =	sshra.s32 @!p3 s22, $0x2  }
0xdd: {  	s31 =	simm.s32 $0x1;
	[tilespmem:s22+$0x9080] =	vst @!p3 v19  }
0xde: {  	v19 =	vld.idx.msk [tilespmem:v2+s31+$0x0 ss:$0x1], $0xffff;
	_ =	sdelay $0x4  }
0xdf: {  	(v2sf) =	vpush v19, $0x0;
	_ =	sdelay $0x9  }
0xe0: {  	s26 =	simm.s32 $0x4CC0  }
0xe1: {  	v20 =	vld [tilespmem:s26+$0xFFFFFFC0]  }
0xe2: {  	v21 =	vld [tilespmem:s26+$0x20]  }
0xe3: {  	v22 =	vld [tilespmem:s26+$0xFFFFFFD0]  }
0xe4: {  	v23 =	vld [tilespmem:s26+$0x10]  }
0xe5: {  	v18 =	vpsel !p3, $0x0, v18;
	v24 =	vld [tilespmem:s26+$0xFFFFFFE0];
	s22 =	spop (v2sf)  }
0xe6: {  	v25 =	vld [tilespmem:s26+$0x0];
	v18 =	vadd.f32 v20, v18;
	p2 =	seq.s32 s22, s28  }
0xe7: {  	v17 =	vpsel !p3, $0xFF800000, v17;
	v16 =	vpsel !p3, $0x0, v16;
	v26 =	vld [tilespmem:s26+$0xFFFFFFF0];
	s29 =	sshll.u32 @!p2 s28, $0x7  }
0xe8: {  	v19 =	vld [tilespmem:s26+$0x30];
	v27 =	vadd.f32 v22, v16;
	v17 =	vmax.f32 v17, v20;
	[tilespmem:s29+$0x5080] =	vst @!p2 v18  }
0xe9: {  	v15 =	vpsel !p3, $0x0, v15;
	v14 =	vpsel !p3, $0xFF800000, v14;
	[tilespmem:s29+$0x7080] =	vst @!p2 v17  }
0xea: {  	v15 =	vadd.f32 v24, v15;
	v14 =	vmax.f32 v14, v22;
	[tilespmem:s29+$0x5090] =	vst @!p2 v27  }
0xeb: {  	v8 =	vpsel !p3, $0xFF800000, v8;
	v13 =	vpsel !p3, $0xFF800000, v13;
	v12 =	vpsel !p3, $0x0, v12;
	[tilespmem:s29+$0x7090] =	vst @!p2 v14  }
0xec: {  	v9 =	vpsel !p3, $0xFF800000, v9;
	v16 =	vadd.f32 v26, v12;
	v13 =	vmax.f32 v13, v24;
	[tilespmem:s29+$0x50A0] =	vst @!p2 v15  }
0xed: {  	v3 =	vpsel !p3, $0x0, v3;
	v11 =	vpsel !p3, $0xFF800000, v11;
	v10 =	vpsel !p3, $0x0, v10;
	[tilespmem:s29+$0x70A0] =	vst @!p2 v13  }
0xee: {  	v7 =	vpsel !p3, $0xFF800000, v7;
	v10 =	vadd.f32 v25, v10;
	v11 =	vmax.f32 v11, v26;
	[tilespmem:s29+$0x50B0] =	vst @!p2 v16  }
0xef: {  	v4 =	vpsel !p3, $0x0, v4;
	v6 =	vpsel !p3, $0x0, v6;
	v5 =	vpsel !p3, $0xFF800000, v5;
	[tilespmem:s29+$0x70B0] =	vst @!p2 v11  }
0xf0: {  	v6 =	vadd.f32 v23, v6;
	v12 =	vmax.f32 v5, v25;
	v20 =	vadd.f32 v19, v3;
	[tilespmem:s29+$0x50C0] =	vst @!p2 v10  }
0xf1: {  	s21 =	simm.f32 @!p3 $0.0e+00;
	v8 =	vmax.f32 v8, v19;
	v19 =	vadd.f32 v21, v4;
	v21 =	vmax.f32 v9, v21;
	[tilespmem:s29+$0x70C0] =	vst @!p2 v12  }
0xf2: {  	s30 =	sadd.f32 $1.000000000e+00, s21;
	v22 =	vmax.f32 v7, v23;
	v4 =	vpsel !p2, $0xFF800000, v8;
	v5 =	vpsel !p2, $0xFF800000, v21;
	[tilespmem:s29+$0x50D0] =	vst @!p2 v6  }
0xf3: {  	v3 =	vpsel !p2, $0x0, v20;
	v7 =	vpsel !p2, $0xFF800000, v22;
	v9 =	vpsel !p2, $0x0, v19;
	[tilespmem:s29+$0x70D0] =	vst @!p2 v22  }
0xf4: {  	s21 =	smov.u32 s30;
	v6 =	vpsel !p2, $0x0, v6;
	v12 =	vpsel !p2, $0xFF800000, v12;
	v11 =	vpsel !p2, $0xFF800000, v11;
	[tilespmem:s29+$0x50E0] =	vst @!p2 v19  }
0xf5: {  	s21 =	simm.f32 @!p2 $0.0e+00;
	v10 =	vpsel !p2, $0x0, v10;
	v13 =	vpsel !p2, $0xFF800000, v13;
	v16 =	vpsel !p2, $0x0, v16;
	[tilespmem:s29+$0x70E0] =	vst @!p2 v21  }
0xf6: {  	s31 =	sshll.u32 @!p2 s28, $0x6;
	v15 =	vpsel !p2, $0x0, v15;
	v14 =	vpsel !p2, $0xFF800000, v14;
	v17 =	vpsel !p2, $0xFF800000, v17;
	[tilespmem:s29+$0x50F0] =	vst @!p2 v20;
	s21 =	sadd.f32 $1.000000000e+00, s21  }
0xf7: {  	s28 =	simm.s32 $0x8;
	v19 =	vpsel !p2, $0x0, v27;
	v18 =	vpsel !p2, $0x0, v18;
	[tilespmem:s29+$0x70F0] =	vst @!p2 v8;
	v8 =	vmov @!p2 s30;
	s29 =	sshra.s32 @!p2 s31, $0x2  }
.LBB2_11:
0xf8: {  	s31 =	sshra.s32 s28, $0x2;
	[tilespmem:s29+$0x9080] =	vst @!p2 v8;
	s30 =	smov.u32 s22;
	s29 =	smov.u32 s21  }
0xf9: {  	s26 =	sadd.s32 $0x80, s26;
	v8 =	vld.idx.msk [tilespmem:v2+s31+$0x0 ss:$0x1], $0xffff  }
0xfa: {  	v20 =	vld [tilespmem:s26+$0x30]  }
0xfb: {  	v21 =	vld [tilespmem:s26+$0x20]  }
0xfc: {  	v22 =	vld [tilespmem:s26+$0x10]  }
0xfd: {  	v23 =	vld [tilespmem:s26+$0x0]  }
0xfe: {  	v24 =	vld [tilespmem:s26+$0xFFFFFFF0]  }
0xff: {  	(v2sf) =	vpush v8, $0x0;
	v8 =	vld [tilespmem:s26+$0xFFFFFFE0];
	v25 =	vadd.f32 v20, v3;
	v20 =	vmax.f32 v4, v20  }
0x100: {  	v3 =	vld [tilespmem:s26+$0xFFFFFFD0];
	v26 =	vadd.f32 v21, v9;
	v21 =	vmax.f32 v5, v21  }
0x101: {  	v4 =	vld [tilespmem:s26+$0xFFFFFFC0];
	v27 =	vadd.f32 v22, v6;
	v22 =	vmax.f32 v7, v22  }
0x102: {  	v28 =	vadd.f32 v23, v10;
	v23 =	vmax.f32 v12, v23  }
0x103: {  	v29 =	vadd.f32 v24, v16;
	v24 =	vmax.f32 v11, v24  }
0x104: {  	v30 =	vadd.f32 v8, v15;
	v8 =	vmax.f32 v13, v8  }
0x105: {  	v19 =	vadd.f32 v3, v19;
	v14 =	vmax.f32 v14, v3  }
0x106: {  	v18 =	vadd.f32 v4, v18;
	v17 =	vmax.f32 v17, v4  }
0x107: {  	s28 =	sadd.s32 $0x4, s28  }
0x108: {  	p3 =	sne.s32 s28, $0x20;
	_ =	sdelay $0x5  }
0x109: {  	s22 =	spop (v2sf)  }
0x10a: {  	p2 =	seq.s32 s22, s30  }
0x10b: {  	s31 =	sshll.u32 @!p2 s30, $0x7;
	v4 =	vpsel !p2, $0xFF800000, v20;
	v5 =	vpsel !p2, $0xFF800000, v21;
	v3 =	vpsel !p2, $0x0, v25;
	s21 =	simm.f32 @!p2 $0.0e+00  }
0x10c: {  	v7 =	vpsel !p2, $0xFF800000, v22;
	v9 =	vpsel !p2, $0x0, v26;
	v6 =	vpsel !p2, $0x0, v27;
	[tilespmem:s31+$0x5080] =	vst @!p2 v18;
	s21 =	sadd.f32 $1.000000000e+00, s21  }
0x10d: {  	v12 =	vpsel !p2, $0xFF800000, v23;
	v11 =	vpsel !p2, $0xFF800000, v24;
	v10 =	vpsel !p2, $0x0, v28;
	[tilespmem:s31+$0x7080] =	vst @!p2 v17  }
0x10e: {  	v13 =	vpsel !p2, $0xFF800000, v8;
	v16 =	vpsel !p2, $0x0, v29;
	v15 =	vpsel !p2, $0x0, v30;
	[tilespmem:s31+$0x5090] =	vst @!p2 v19  }
0x10f: {  	v17 =	vpsel !p2, $0xFF800000, v17;
	v19 =	vpsel !p2, $0x0, v19;
	[tilespmem:s31+$0x7090] =	vst @!p2 v14;
	v14 =	vpsel !p2, $0xFF800000, v14  }
0x110: {  	v18 =	vpsel !p2, $0x0, v18;
	[tilespmem:s31+$0x50A0] =	vst @!p2 v30  }
0x111: {  	[tilespmem:s31+$0x70A0] =	vst @!p2 v8  }
0x112: {  	[tilespmem:s31+$0x50B0] =	vst @!p2 v29  }
0x113: {  	[tilespmem:s31+$0x70B0] =	vst @!p2 v24  }
0x114: {  	[tilespmem:s31+$0x50C0] =	vst @!p2 v28  }
0x115: {  	[tilespmem:s31+$0x70C0] =	vst @!p2 v23  }
0x116: {  	[tilespmem:s31+$0x50D0] =	vst @!p2 v27  }
.Ltmp8:
0x117: {  	[tilespmem:s31+$0x70D0] =	vst @!p2 v22;
	(pc) =	sbr.rel @p3 .LBB2_11-.Ltmp8, $4  }
0x118: {  	[tilespmem:s31+$0x50E0] =	vst @!p2 v26  }
0x119: {  	[tilespmem:s31+$0x70E0] =	vst @!p2 v21  }
0x11a: {  	s30 =	sshll.u32 @!p2 s30, $0x6;
	[tilespmem:s31+$0x50F0] =	vst @!p2 v25  }
0x11b: {  	v8 =	vmov @!p2 s29;
	s29 =	sshra.s32 @!p2 s30, $0x2;
	[tilespmem:s31+$0x70F0] =	vst @!p2 v20  }
0x11c: {  	[tilespmem:s29+$0x9080] =	vst @!p2 v8;
	s26 =	sadd.s32 $0x80, s26  }
0x11d: {  	v2 =	vld [tilespmem:s26+$0x30]  }
0x11e: {  	v20 =	vld [tilespmem:s26+$0x20]  }
0x11f: {  	v21 =	vld [tilespmem:s26+$0x10]  }
0x120: {  	v22 =	vld [tilespmem:s26+$0x0]  }
0x121: {  	v23 =	vld [tilespmem:s26+$0xFFFFFFF0]  }
0x122: {  	v24 =	vld [tilespmem:s26+$0xFFFFFFE0]  }
0x123: {  	s25 =	sadd.s32 $0x1, s25;
	v25 =	vld [tilespmem:s26+$0xFFFFFFD0]  }
0x124: {  	v26 =	vld [tilespmem:s26+$0xFFFFFFC0];
	p2 =	sne.s32 s25, s9;
	v3 =	vadd.f32 v2, v3  }
.Ltmp9:
0x125: {  	v8 =	vmax.f32 v4, v2;
	v4 =	vadd.f32 v20, v9;
	v9 =	vmax.f32 v5, v20;
	(pc) =	sbr.rel @p2 .LBB2_10-.Ltmp9, $4  }
.Ltmp10:
0x126: {  	v6 =	vadd.f32 v21, v6;
	v7 =	vmax.f32 v7, v21;
	v10 =	vadd.f32 v22, v10;
	(pc) =	sbr.rel @!p2 .LBB2_13-.Ltmp10, $4  }
0x127: {  	v5 =	vmax.f32 v12, v22;
	v12 =	vadd.f32 v23, v16;
	v11 =	vmax.f32 v11, v23  }
0x128: {  	v15 =	vadd.f32 v24, v15;
	v13 =	vmax.f32 v13, v24;
	v16 =	vadd.f32 v25, v19  }
0x129: {  	s24 =	sadd.s32 $0x8, s24;
	v14 =	vmax.f32 v14, v25;
	v18 =	vadd.f32 v26, v18;
	v17 =	vmax.f32 v17, v26  }
0x12a: {  	_ = 	snop  }
.LBB2_14:
0x12b: {  	_ =	sfence.sel $0x180000  }
0x12c: {  	[bflag:$0x0] =	sbarrier.arrive $0xFFFF  }
0x12d: {  	p0 =	sne.s32 s0, $0x0;
	_ =	strace $0x90000047  }
0x12e: {  	s0 =	sadd.s32 @!p0 $0x100000, s2;
	[bflag:$0x2] =	sbarrier.arrive $0xFFFF  }
0x12f: {  	[sflag:s0] =	ssyncadd.tile.s32 @!p0 $0x1;
	_ =	shalt  }
.Lfunc_end2:
_tile_overlayer_lowered:
.L_overlay_start_2:
0x130: {  	(tag) =	ssettag $0x2  }
0x131: {  	s0 =	rddreg [dreg:$0x0];
	s2 =	stileid.u32  }
0x132: {  	s1 =	rddreg [dreg:$0x1];
	p0 =	sne.s32 s2, $0x0  }
0x133: {  	s3 =	rddreg [dreg:$0x2];
	[bflag:$0x3] =	sbarrier.arrive $0xFFFF;
	s2 =	simm.s32 @!p0 $0x1C01  }
0x134: {  	[timem:s3], [sflag:s2] =	dma.local @!p0 [hbm:s0], s1  }
0x135: {  	s0 =	simm.s32 @!p0 $0x1  }
0x136: {  	_ =	swait.ge @!p0 [sflag:s0], s1  }
0x137: {  	s1 =	ssub.s32 @!p0 $0x0, s1;
	[sflag:s0] =	ssyncset.done @!p0 $0x0  }
0x138: {  	[sflag:s0] =	ssyncadd.s32 @!p0 s1  }
0x139: {  	[bflag:$0x3] =	sbarrier.arrive $0xFFFF  }
0x13a: {  	_ =	shalt  }

// kernel: run.8.cloned.1.call-start
scs
__scs_entry_jumppad:
0x0: {  	(pc) =	sbr.rel $0x88, $3  }
0x1: {  	(tag) =	ssettag $0x0;
	lr =	simm.s32 $0x1  }
0x2: {  	[smem:$0x3F9B] =	sst lr;
	_ =	strace $0xD0000000  }
0x3: {  	_ = 	snop  }
0x4: {  	_ = 	snop  }
0x5: {  	_ = 	snop  }
0x6: {  	_ = 	snop  }
0x7: {  	_ = 	snop  }
__scs_overlays_trampoline_lowered:
0x8: {  	[smem:$0x3FAA] =	sst s0  }
0x9: {  	[smem:$0x3FAB] =	sst s1  }
0xa: {  	[smem:$0x3FAC] =	sst s2  }
0xb: {  	[smem:$0x3FAD] =	sst s3  }
0xc: {  	[smem:$0x3FAE] =	sst s4  }
0xd: {  	[smem:$0x3FAF] =	sst s5  }
0xe: {  	[smem:$0x3FB0] =	sst s6  }
0xf: {  	[smem:$0x3FB1] =	sst s7  }
0x10: {  	[smem:$0x3FB2] =	sst s8  }
0x11: {  	[smem:$0x3FB3] =	sst s9;
	s0 =	simm.s32 @!p0 $0x0  }
0x12: {  	s1 =	sld [smem:$0x3F99];
	s0 =	simm.s32 @p0 $0x1  }
0x13: {  	[smem:$0x3FB4] =	sst s0;
	s0 =	simm.s32 @!p1 $0x0  }
0x14: {  	s2 =	sld [smem:$0x3F98];
	s0 =	simm.s32 @p1 $0x1  }
0x15: {  	[smem:$0x3FB5] =	sst s0;
	s0 =	simm.s32 @!p2 $0x0  }
0x16: {  	s3 =	sld [smem:$0x3FDB];
	s0 =	simm.s32 @p2 $0x1  }
0x17: {  	s4 =	simm.s32 $0x1BF5;
	[smem:$0x3FB7] =	sst s0  }
0x18: {  	s0 =	sld [smem:$0x3F9A];
	_ =	swait.ge [sflag:s4], $0x0  }
0x19: {  	s7 =	sld [smem:$0x3F9B]  }
0x1a: {  	s8 =	sadd.s32 $0xFFFFE003, lr  }
0x1b: {  	s9 =	sadd.s32 $0xFFFFFEF7, lr;
	s5 =	simm.s32 $0xFFFFFFFF;
	p2 =	slt.u32 s8, $0xFFFFF086  }
0x1c: {  	p1 =	slt.u32 s9, $0xF7A;
	s5 =	simm.s32 @!p2 $0x0  }
0x1d: {  	s5 =	simm.s32 @p1 $0x1;
	p0 =	seq.s32 s7, s2  }
0x1e: {  	s7 =	smul.u32 @!p0 $0xF7A, s2;
	p2 =	seq.s32 @!p0 s5, $0x0  }
0x1f: {  	s9 =	smul.u32 $0xF7A, s1;
	s8 =	simm.s32 @!p0 $0x1BF5;
	p2 =	por !p2, p0  }
0x20: {  	[sflag:s8] =	ssyncset.s32 @!p0 $0xFFFFF086;
	s6 =	sadd.s32 @!p0 s3, s7;
	s7 =	simm.s32 @!p0 $0x108  }
0x21: {  	s3 =	sadd.s32 s3, s9;
	s6 =	sadd.s32 @!p0 $0x88, s6;
	s7 =	simm.s32 @p2 $0x1082  }
0x22: {  	[simem:s7], [sflag:s8] =	dma.local @!p0 [hbm:s6], $0xF7A  }
0x23: {  	s9 =	sor.u32 $0xD0000000, s2;
	s6 =	simm.s32 $0x108;
	_ =	swait.ge @!p0 [sflag:s8], $0x0  }
0x24: {  	s3 =	sadd.s32 $0x88, s3;
	s6 =	simm.s32 @!p1 $0x1082;
	[sflag:s4] =	ssyncset.s32 $0xFFFFF086  }
0x25: {  	[simem:s6], [sflag:s4] =	dma.local [hbm:s3], $0xF7A  }
0x26: {  	[smem:$0x3F9B] =	sst s1;
	(tag) =	ssettag s2;
	_ =	strace s9  }
0x27: {  	s1 =	sld [smem:$0x3FAB]  }
0x28: {  	s2 =	sld [smem:$0x3FAC]  }
0x29: {  	s4 =	sld [smem:$0x3FAE]  }
0x2a: {  	p0 =	seq.s32 s5, $0x0;
	s5 =	sld [smem:$0x3FAF]  }
0x2b: {  	s6 =	sld [smem:$0x3FB0]  }
0x2c: {  	s7 =	sld [smem:$0x3FB1]  }
0x2d: {  	s3 =	simm.s32 $0x108;
	s8 =	sld [smem:$0x3FB2]  }
0x2e: {  	s3 =	simm.s32 @!p0 $0x1082;
	s9 =	sld [smem:$0x3FB3]  }
0x2f: {  	lr =	sadd.s32 s0, s3;
	s0 =	sld [smem:$0x3FAA]  }
0x30: {  	s3 =	sld [smem:$0x3FAD]  }
0x31: {  	[smem:$0x3FB6] =	sst s10  }
0x32: {  	s10 =	sld [smem:$0x3FB4];
	_ =	sdelay $0x3  }
0x33: {  	p0 =	seq.s32 s10, $0x1;
	s10 =	sld [smem:$0x3FB6];
	_ =	sdelay $0x3  }
0x34: {  	[smem:$0x3FB6] =	sst s10  }
0x35: {  	s10 =	sld [smem:$0x3FB5];
	_ =	sdelay $0x3  }
0x36: {  	p1 =	seq.s32 s10, $0x1;
	s10 =	sld [smem:$0x3FB6];
	_ =	sdelay $0x3  }
0x37: {  	[smem:$0x3FB6] =	sst s10  }
0x38: {  	s10 =	sld [smem:$0x3FB7]  }
0x39: {  	_ = 	snop;
	(pc) =	sbr.ind lr, $3  }
0x3a: {  	_ = 	snop  }
0x3b: {  	_ = 	snop  }
0x3c: {  	p2 =	seq.s32 s10, $0x1;
	s10 =	sld [smem:$0x3FB6]  }
0x3d: {  	_ =	shalt  }
0x3e: {  	_ =	shalt  }
0x3f: {  	_ =	shalt  }
0x40: {  	_ =	shalt  }
0x41: {  	_ =	shalt  }
0x42: {  	_ =	shalt  }
0x43: {  	_ =	shalt  }
0x44: {  	_ =	shalt  }
0x45: {  	_ =	shalt  }
0x46: {  	_ =	shalt  }
0x47: {  	_ =	shalt  }
0x48: {  	_ =	shalt  }
0x49: {  	_ =	shalt  }
0x4a: {  	_ =	shalt  }
0x4b: {  	_ =	shalt  }
0x4c: {  	_ =	shalt  }
0x4d: {  	_ =	shalt  }
0x4e: {  	_ =	shalt  }
0x4f: {  	_ =	shalt  }
0x50: {  	_ =	shalt  }
0x51: {  	_ =	shalt  }
0x52: {  	_ =	shalt  }
0x53: {  	_ =	shalt  }
0x54: {  	_ =	shalt  }
0x55: {  	_ =	shalt  }
0x56: {  	_ =	shalt  }
0x57: {  	_ =	shalt  }
0x58: {  	_ =	shalt  }
0x59: {  	_ =	shalt  }
0x5a: {  	_ =	shalt  }
0x5b: {  	_ =	shalt  }
0x5c: {  	_ =	shalt  }
0x5d: {  	_ =	shalt  }
0x5e: {  	_ =	shalt  }
0x5f: {  	_ =	shalt  }
0x60: {  	_ =	shalt  }
0x61: {  	_ =	shalt  }
0x62: {  	_ =	shalt  }
0x63: {  	_ =	shalt  }
0x64: {  	_ =	shalt  }
0x65: {  	_ =	shalt  }
0x66: {  	_ =	shalt  }
0x67: {  	_ =	shalt  }
0x68: {  	_ =	shalt  }
0x69: {  	_ =	shalt  }
0x6a: {  	_ =	shalt  }
0x6b: {  	_ =	shalt  }
0x6c: {  	_ =	shalt  }
0x6d: {  	_ =	shalt  }
0x6e: {  	_ =	shalt  }
0x6f: {  	_ =	shalt  }
0x70: {  	_ =	shalt  }
0x71: {  	_ =	shalt  }
0x72: {  	_ =	shalt  }
0x73: {  	_ =	shalt  }
0x74: {  	_ =	shalt  }
0x75: {  	_ =	shalt  }
0x76: {  	_ =	shalt  }
0x77: {  	_ =	shalt  }
0x78: {  	_ =	shalt  }
0x79: {  	_ =	shalt  }
0x7a: {  	_ =	shalt  }
0x7b: {  	_ =	shalt  }
0x7c: {  	_ =	shalt  }
0x7d: {  	_ =	shalt  }
0x7e: {  	_ =	shalt  }
0x7f: {  	_ =	shalt  }
0x80: {  	_ =	shalt  }
0x81: {  	_ =	shalt  }
0x82: {  	_ =	shalt  }
0x83: {  	_ =	shalt  }
0x84: {  	_ =	shalt  }
0x85: {  	_ =	shalt  }
0x86: {  	_ =	shalt  }
0x87: {  	_ =	shalt  }
.Lfunc_end0:
.L_simem_size_0:
called_computation.1_lowered:
.L_overlay_start_0:
0x88: {  	s2 =	sld [smem:$0x3FD9]  }
0x89: {  	s3 =	sld [smem:$0x3FFE];
	_ =	sdelay $0x1  }
0x8a: {  	s1 =	srdreg.scid  }
0x8b: {  	s0 =	sand.u32 $0x1, s1  }
0x8c: {  	s17 =	sshll.u32 s0, $0xA;
	s2 =	sadd.s32 s3, s2  }
0x8d: {  	s2 =	sadd.s32 s2, s17  }
0x8e: {  	[smem:$0x3FC2] =	sst s2  }
0x8f: {  	_ = 	snop  }
0x90: {  	s2 =	sld [smem:$0x3FC9]  }
0x91: {  	s18 =	sld [smem:$0x3FC8]  }
0x92: {  	s4 =	sld [smem:$0x3FD0];
	(tm) =	ssettm $0x1  }
0x93: {  	s5 =	sld [smem:$0x3FFB];
	_ =	sdelay $0x3  }
0x94: {  	_ =	strace s5  }
0x95: {  	s5 =	sld [smem:$0x3FFC];
	_ =	sdelay $0x3  }
0x96: {  	_ =	strace s5  }
0x97: {  	s5 =	sld [smem:$0x3FFD];
	_ =	sdelay $0x3  }
0x98: {  	_ =	strace s5  }
0x99: {  	_ =	strace $0x8FFFFFFF  }
0x9a: {  	s19 =	sld [smem:$0x3FDB];
	_ =	sdelay $0x1  }
0x9b: {  	s6 =	simm.s32 $_scs_section_size  }
0x9c: {  	s7 =	simm.s32 $_size__tile_overlayer_lowered;
	s8 =	simm.s32 $_tile_overlayer_lowered  }
0x9d: {  	s22 =	simm.s32 $0x1BFF;
	s21 =	sshll.u32 s8, $0x1;
	s5 =	sadd.s32 s6, s19  }
0x9e: {  	s9 =	simm.s32 $0x0;
	s20 =	sshll.u32 s7, $0x1;
	s7 =	sadd.s32 s21, s5  }
0x9f: {  	[timem:s9], [sflag:s22] =	dma.local [hbm:s7], s20  }
0xa0: {  	_ =	swait.ge [sflag:s22], s20  }
0xa1: {  	s6 =	ssub.s32 $0x0, s20;
	[sflag:s22] =	ssyncset.done $0x0  }
0xa2: {  	[sflag:s22] =	ssyncadd.s32 s6;
	_ =	sdelay $0x1  }
0xa3: {  	s23 =	simm.s32 $0x1B8B  }
0xa4: {  	_ =	swait.ge [sflag:s23], $0x1  }
0xa5: {  	[sflag:s23] =	ssyncset.done $0x0  }
0xa6: {  	s25 =	simm.s32 $0x1B8E;
	s24 =	sld [smem:$0x3FFE];
	[sflag:s23] =	ssyncadd.s32 $0xFFFFFFFF  }
0xa7: {  	s26 =	simm.s32 $execute0_lowered;
	[smem:$0x3FD2] =	sst s25  }
0xa8: {  	s7 =	sshll.u32 s26, $0x1;
	_ =	strace $0x80000049;
	[dreg:$0x1] =	wrdreg $0xFFFFFFFF  }
0xa9: {  	s28 =	simm.s32 $_size_execute0_lowered;
	s5 =	sadd.s32 s5, s7;
	[dreg:$0x0] =	wrdreg $0x0  }
0xaa: {  	s7 =	sshll.u32 s28, $0x1;
	[dreg:$0x2] =	wrdreg s5  }
0xab: {  	[dreg:$0x3] =	wrdreg s7  }
0xac: {  	[dreg:$0x4] =	wrdreg $0xC0  }
0xad: {  	_ =	task [dreg:s9], $0x5FFFF  }
0xae: {  	[dreg:$0x1] =	wrdreg $0xFFFFFFFF  }
0xaf: {  	[dreg:$0x0] =	wrdreg $0x60  }
0xb0: {  	[dreg:$0x2] =	wrdreg s2  }
0xb1: {  	[dreg:$0x3] =	wrdreg s18  }
0xb2: {  	[dreg:$0x4] =	wrdreg s24  }
0xb3: {  	[dreg:$0x5] =	wrdreg s4  }
0xb4: {  	[dreg:$0x6] =	wrdreg $0x9  }
0xb5: {  	_ =	task.clear_ibuf [dreg:s9], $0x7FFFF;
	_ =	strace $0x90000049  }
0xb6: {  	s29 =	simm.s32 $0x9;
	_ =	strace $0x8000004B  }
0xb7: {  	_ =	swait.ge [sflag:s29], $0x1  }
0xb8: {  	[sflag:s29] =	ssyncadd.s32 $0xFFFFFFFF  }
0xb9: {  	_ =	strace $0x9000004B  }
0xba: {  	_ =	sfence  }
0xbb: {  	s30 =	sld [smem:$0x0];
	_ =	sdelay $0x2  }
0xbc: {  	s31 =	sshll.u32 s1, $0xD;
	s1 =	sshrl.u32 s1, $0x2  }
0xbd: {  	s3 =	sand.u32 $0x4000, s31;
	s1 =	sadd.s32 s1, s30  }
0xbe: {  	s0 =	sor.u32 s3, s0;
	s1 =	sshll.u32 s1, $0x11  }
0xbf: {  	s0 =	sor.u32 s1, s0  }
0xc0: {  	s0 =	sadd.s32 $0x8F2B, s0  }
0xc1: {  	[sflag:s0] =	ssyncadd.remote.s32 $0x1  }
0xc2: {  	_ =	sfence.sel $0xFFFF  }
0xc3: {  	[dreg:$0x0] =	wrdreg $0xFFFFFFFF;
	(pc) =	sbr.abs _section_cstart, $3  }
0xc4: {  	[dreg:$0x1] =	wrdreg $0xFFFFFFFF  }
0xc5: {  	_ =	task.clear_ibuf [dreg:s9], $0x2FFFF;
	_ =	strace $0x9FFFFFFF  }
0xc6: {  	(tm) =	ssettm $0x7FFFFFFF  }
0xc7: {  	_ =	shalt  }
tec
execute0_lowered:
.L_overlay_start_1:
0x0: {  	(tag) =	ssettag $0x1  }
0x1: {  	s1 =	rddreg [dreg:$0x0]  }
0x2: {  	s9 =	rddreg [dreg:$0x1]  }
0x3: {  	s2 =	srdreg.scid;
	s6 =	rddreg [dreg:$0x2]  }
0x4: {  	s0 =	stileid.u32;
	s3 =	rddreg [dreg:$0x3]  }
0x5: {  	s4 =	simm.s32 $0x0;
	s5 =	sand.u32 $0x1, s2;
	s24 =	sshll.u32 s0, $0x1  }
0x6: {  	s14 =	simm.s32 $0x9480;
	s15 =	simm.s32 $0xC80;
	s2 =	sor.u32 s5, s24  }
0x7: {  	s16 =	simm.s32 $0x4C80;
	s17 =	simm.s32 $0x8C80;
	s7 =	smul.u32 $0x30D4, s2  }
0x8: {  	s18 =	simm.s32 $0x9080;
	s19 =	simm.s32 $0x0;
	[smem:$0x7FF] =	sst s4  }
0x9: {  	s28 =	ssub.s32 $0x2, s5;
	s2 =	rddreg [dreg:$0x4];
	s8 =	sadd.s32 $0x30D4, s7  }
0xa: {  	_ =	strace $0x8000004A;
	s10 =	sshrl.u32 s7, $0x5;
	s25 =	sshrl.u32 s8, $0x5  }
0xb: {  	s7 =	simm.s32 $0x1;
	s8 =	ssub.s32 s25, s10;
	p0 =	sne.s32 s25, s10  }
0xc: {  	s11 =	sshll.u32 s8, $0x10;
	s12 =	sshra.s32 s8, $0x1F;
	s7 =	simm.s32 @!p0 $0x0  }
0xd: {  	s26 =	sand.u32 $0xF, s8;
	s11 =	sshra.s32 s11, $0x1F;
	s7 =	sor.u32 s7, s12  }
0xe: {  	p1 =	sne.s32 s26, $0x0;
	s11 =	sand.u32 $0xF, s11;
	p6 =	sne.s32 s7, $0x1  }
0xf: {  	s30 =	sshrl.u32 s28, $0x1;
	s29 =	sadd.s32 s11, s8;
	p0 =	por !p1, !p6  }
0x10: {  	s11 =	simm.s32 $0x1;
	s5 =	sshll.u32 s29, $0x10;
	p0 =	por !p0, !p0  }
0x11: {  	s9 =	sadd.s32 s9, s10;
	s13 =	sshra.s32 s5, $0x14;
	s11 =	simm.s32 @!p0 $0x0  }
.Ltmp0:
0x12: {  	s5 =	sadd.s32 $0x1A00, s6;
	s6 =	ssub.s32 s13, s11;
	(pc) =	sbr.rel .LBB2_1-.Ltmp0, $4  }
0x13: {  	s31 =	sshll.u32 s8, $0x3;
	s12 =	ssub.s32 s28, s30;
	s8 =	sshll.u32 s6, $0x7  }
0x14: {  	s7 =	sshll.u32 s10, $0x3;
	s10 =	simm.s32 $0x1;
	s11 =	ssub.s32 s31, s8  }
0x15: {  	s12 =	smax.u32 s12, $0x1;
	s13 =	sshll.u32 s6, $0x9;
	s11 =	sshra.s32 s11, $0x3  }
0x16: {  	p0 =	slt.s32 s6, $0x1;
	s13 =	sshra.s32 s13, $0x2;
	p1 =	slt.s32 s11, $0x1  }
.LBB2_9:
0x17: {  	s19 =	sadd.s32 $0x1, s19  }
0x18: {  	p2 =	sne.s32 s19, s12  }
.Ltmp1:
0x19: {  	_ = 	snop;
	(pc) =	sbr.rel @!p2 .LBB2_10-.Ltmp1, $1  }
0x1a: {  	_ =	sdelay $0x3  }
.LBB2_1:
0x1b: {  	[tilespmem:s4], [sflag:$0x1] =	stream.linear.gather [hbm4b:s9+s4], $0xC38, $0x38;
	[tilespmem:$0xB480] =	vst v63  }
0x1c: {  	_ =	swait.ge [sflag:s10], $0xC38  }
0x1d: {  	[sflag:s10] =	ssyncset.done $0x0  }
.Ltmp2:
0x1e: {  	[sflag:s10] =	ssyncadd.s32 $0xFFFFF3C8;
	(pc) =	sbr.rel @p0 .LBB2_5-.Ltmp2, $4  }
0x1f: {  	[tilespmem:s14], [sflag:$0x1] =	stream.linear.gather [hbm4b:s5+s4], $0x2000, $0x38;
	[tilespmem:$0xB480] =	vst v63  }
0x20: {  	_ =	swait.ge [sflag:s10], $0x2000  }
0x21: {  	[sflag:s10] =	ssyncset.done $0x0  }
0x22: {  	s20 =	simm.s32 $0x0;
	s21 =	simm.s32 $0x0;
	[sflag:s10] =	ssyncadd.s32 $0xFFFFE000  }
.LBB2_2:
0x23: {  	s22 =	sshll.u32 s21, $0x7  }
0x24: {  	s22 =	sadd.s32 s7, s22  }
0x25: {  	s22 =	sshll.u32 s22, $0x4  }
0x26: {  	s22 =	sand.u32 $0x1FFFFF80, s22  }
0x27: {  	s23 =	simm.s32 $0x0;
	s24 =	sadd.s32 s1, s22  }
0x28: {  	[tilespmem:s15], [sflag:$0x1] =	stream.linear.gather [hbm4b:s24+s23], $0x4000, $0x38;
	[tilespmem:$0xB480] =	vst v63  }
0x29: {  	_ =	swait.ge [sflag:s10], $0x4000  }
0x2a: {  	[sflag:s10] =	ssyncset.done $0x0  }
0x2b: {  	[sflag:s10] =	ssyncadd.s32 $0xFFFFC000  }
0x2c: {  	s25 =	smov.u32 s20;
	s24 =	simm.s32 $0x200;
	v0 =	vld [tilespmem:s20+$0x0]  }
.LBB2_3:
0x2d: {  	p2 =	sne.s32 s24, $0xFE00;
	_ =	sdelay $0x3  }
0x2e: {  	(v2sf) =	vpush v0, $0x0;
	_ =	sdelay $0xe  }
0x2f: {  	s28 =	spop (v2sf)  }
0x30: {  	s26 =	sshra.s32 s23, $0x2;
	s23 =	smov.u32 s24;
	s28 =	sshll.u32 s28, $0x9  }
0x31: {  	v0 =	vld [tilespmem:s26+$0xC80];
	s28 =	sshra.s32 s28, $0x2  }
0x32: {  	v1 =	vld [tilespmem:s28+$0x9480];
	_ =	sdelay $0x4  }
0x33: {  	v0 =	vmul.f32 v1, v0;
	_ =	sdelay $0x1  }
0x34: {  	[tilespmem:s26+$0x4C80] =	vst v0;
	v0 =	vld [tilespmem:s26+$0xC90]  }
0x35: {  	v1 =	vld [tilespmem:s28+$0x9490];
	_ =	sdelay $0x4  }
0x36: {  	v0 =	vmul.f32 v1, v0;
	_ =	sdelay $0x1  }
0x37: {  	[tilespmem:s26+$0x4C90] =	vst v0;
	v0 =	vld [tilespmem:s26+$0xCA0]  }
0x38: {  	v1 =	vld [tilespmem:s28+$0x94A0];
	_ =	sdelay $0x4  }
0x39: {  	v0 =	vmul.f32 v1, v0;
	_ =	sdelay $0x1  }
0x3a: {  	[tilespmem:s26+$0x4CA0] =	vst v0;
	v0 =	vld [tilespmem:s26+$0xCB0]  }
0x3b: {  	v1 =	vld [tilespmem:s28+$0x94B0];
	_ =	sdelay $0x4  }
0x3c: {  	v0 =	vmul.f32 v1, v0;
	_ =	sdelay $0x1  }
0x3d: {  	[tilespmem:s26+$0x4CB0] =	vst v0;
	v0 =	vld [tilespmem:s26+$0xCC0]  }
0x3e: {  	v1 =	vld [tilespmem:s28+$0x94C0];
	_ =	sdelay $0x4  }
0x3f: {  	v0 =	vmul.f32 v1, v0;
	_ =	sdelay $0x1  }
0x40: {  	[tilespmem:s26+$0x4CC0] =	vst v0;
	v0 =	vld [tilespmem:s26+$0xCD0]  }
0x41: {  	v1 =	vld [tilespmem:s28+$0x94D0];
	_ =	sdelay $0x4  }
0x42: {  	v0 =	vmul.f32 v1, v0;
	_ =	sdelay $0x1  }
0x43: {  	[tilespmem:s26+$0x4CD0] =	vst v0;
	v0 =	vld [tilespmem:s26+$0xCE0]  }
0x44: {  	v1 =	vld [tilespmem:s28+$0x94E0];
	_ =	sdelay $0x4  }
0x45: {  	v0 =	vmul.f32 v1, v0;
	_ =	sdelay $0x1  }
0x46: {  	[tilespmem:s26+$0x4CE0] =	vst v0;
	v0 =	vld [tilespmem:s26+$0xCF0]  }
0x47: {  	v1 =	vld [tilespmem:s28+$0x94F0];
	_ =	sdelay $0x3  }
.Ltmp3:
0x48: {  	(pc) =	sbr.rel @p2 .LBB2_3-.Ltmp3, $3  }
0x49: {  	v0 =	vmul.f32 v1, v0;
	_ =	sdelay $0x1  }
0x4a: {  	s25 =	sadd.s32 $0x1, s25;
	[tilespmem:s26+$0x4CF0] =	vst v0  }
0x4b: {  	s24 =	sadd.s32 $0x200, s24;
	v0 =	vld [tilespmem:s25+$0x0]  }
0x4c: {  	_ =	sdelay $0x3  }
0x4d: {  	(v2sf) =	vpush v0, $0x0;
	_ =	sdelay $0xe  }
0x4e: {  	s24 =	spop (v2sf)  }
0x4f: {  	s23 =	sshra.s32 s23, $0x2;
	s24 =	sshll.u32 s24, $0x9  }
0x50: {  	v49 =	vld [tilespmem:s23+$0xC80];
	s24 =	sshra.s32 s24, $0x2  }
0x51: {  	v1 =	vld [tilespmem:s24+$0x9480];
	_ =	sdelay $0x4  }
0x52: {  	v0 =	vmul.f32 v1, v49;
	_ =	sdelay $0x1  }
0x53: {  	v50 =	vld [tilespmem:s23+$0xC90];
	[tilespmem:s23+$0x4C80] =	vst v0  }
0x54: {  	v51 =	vld [tilespmem:s24+$0x9490];
	_ =	sdelay $0x4  }
0x55: {  	v0 =	vmul.f32 v51, v50;
	_ =	sdelay $0x1  }
0x56: {  	v52 =	vld [tilespmem:s23+$0xCA0];
	[tilespmem:s23+$0x4C90] =	vst v0  }
0x57: {  	v53 =	vld [tilespmem:s24+$0x94A0];
	_ =	sdelay $0x4  }
0x58: {  	v0 =	vmul.f32 v53, v52;
	_ =	sdelay $0x1  }
0x59: {  	v54 =	vld [tilespmem:s23+$0xCB0];
	[tilespmem:s23+$0x4CA0] =	vst v0  }
0x5a: {  	v55 =	vld [tilespmem:s24+$0x94B0];
	_ =	sdelay $0x4  }
0x5b: {  	v0 =	vmul.f32 v55, v54;
	_ =	sdelay $0x1  }
0x5c: {  	v56 =	vld [tilespmem:s23+$0xCC0];
	[tilespmem:s23+$0x4CB0] =	vst v0  }
0x5d: {  	v57 =	vld [tilespmem:s24+$0x94C0];
	_ =	sdelay $0x4  }
0x5e: {  	v0 =	vmul.f32 v57, v56;
	_ =	sdelay $0x1  }
0x5f: {  	v58 =	vld [tilespmem:s23+$0xCD0];
	[tilespmem:s23+$0x4CC0] =	vst v0  }
0x60: {  	v59 =	vld [tilespmem:s24+$0x94D0];
	_ =	sdelay $0x4  }
0x61: {  	v0 =	vmul.f32 v59, v58;
	_ =	sdelay $0x1  }
0x62: {  	v60 =	vld [tilespmem:s23+$0xCE0];
	[tilespmem:s23+$0x4CD0] =	vst v0  }
0x63: {  	v61 =	vld [tilespmem:s24+$0x94E0];
	_ =	sdelay $0x4  }
0x64: {  	v0 =	vmul.f32 v61, v60;
	_ =	sdelay $0x1  }
0x65: {  	v62 =	vld [tilespmem:s23+$0xCF0];
	[tilespmem:s23+$0x4CE0] =	vst v0  }
0x66: {  	v63 =	vld [tilespmem:s24+$0x94F0];
	_ =	sdelay $0x4  }
0x67: {  	s21 =	sadd.s32 $0x1, s21;
	v0 =	vmul.f32 v63, v62  }
0x68: {  	p2 =	sne.s32 s21, s6  }
.Ltmp4:
0x69: {  	s22 =	sadd.s32 s3, s22;
	[tilespmem:s23+$0x4CF0] =	vst v0;
	(pc) =	sbr.rel @p2 .LBB2_2-.Ltmp4, $4  }
0x6a: {  	[hbm4b:s22+s4] =	stream.linear.scatter [tilespmem:s16], [sflag:$0x1], $0x4000, $0x38;
	[tilespmem:$0xB480] =	vst v63  }
0x6b: {  	_ =	swait.ge [sflag:s10], $0x4000  }
0x6c: {  	[sflag:s10] =	ssyncset.done $0x0  }
0x6d: {  	s20 =	sadd.s32 $0x80, s20;
	[sflag:s10] =	ssyncadd.s32 $0xFFFFC000  }
.LBB2_5:
.Ltmp5:
0x6e: {  	(pc) =	sbr.rel @p1 .LBB2_9-.Ltmp5, $2  }
0x6f: {  	_ =	sdelay $0x2  }
0x70: {  	s20 =	simm.s32 $0x0;
	s21 =	smov.u32 s13;
	s22 =	simm.s32 $0x0  }
.LBB2_6:
0x71: {  	s23 =	sshll.u32 s22, $0x3  }
0x72: {  	s23 =	sadd.s32 s8, s23  }
0x73: {  	s23 =	sadd.s32 s7, s23  }
0x74: {  	s23 =	sshll.u32 s23, $0x4  }
0x75: {  	s23 =	sand.u32 $0x1FFFFF80, s23  }
0x76: {  	s24 =	sadd.s32 s1, s23  }
0x77: {  	[tilespmem:s17], [sflag:$0x1] =	stream.linear.gather [hbm4b:s24+s20], $0x400, $0x38;
	[tilespmem:$0xB480] =	vst v63  }
0x78: {  	_ =	swait.ge [sflag:s10], $0x400  }
0x79: {  	[sflag:s10] =	ssyncset.done $0x0  }
0x7a: {  	[sflag:s10] =	ssyncadd.s32 $0xFFFFFC00  }
0x7b: {  	s25 =	simm.s32 $0x200;
	s26 =	smov.u32 s21;
	s24 =	simm.s32 $0x0;
	v0 =	vld [tilespmem:s21+$0x0]  }
.LBB2_7:
0x7c: {  	p2 =	sne.s32 s25, $0xE00;
	_ =	sdelay $0x3  }
0x7d: {  	(v2sf) =	vpush v0, $0x0;
	_ =	sdelay $0xe  }
0x7e: {  	s29 =	spop (v2sf)  }
0x7f: {  	s28 =	sshra.s32 s24, $0x2;
	s24 =	smov.u32 s25;
	s29 =	sshll.u32 s29, $0x9  }
0x80: {  	v0 =	vld [tilespmem:s28+$0x8C80];
	s29 =	sshra.s32 s29, $0x2  }
0x81: {  	v1 =	vld [tilespmem:s29+$0x9480];
	_ =	sdelay $0x4  }
0x82: {  	v0 =	vmul.f32 v1, v0;
	_ =	sdelay $0x1  }
0x83: {  	[tilespmem:s28+$0x9080] =	vst v0;
	v0 =	vld [tilespmem:s28+$0x8C90]  }
0x84: {  	v1 =	vld [tilespmem:s29+$0x9490];
	_ =	sdelay $0x4  }
0x85: {  	v0 =	vmul.f32 v1, v0;
	_ =	sdelay $0x1  }
0x86: {  	[tilespmem:s28+$0x9090] =	vst v0;
	v0 =	vld [tilespmem:s28+$0x8CA0]  }
0x87: {  	v1 =	vld [tilespmem:s29+$0x94A0];
	_ =	sdelay $0x4  }
0x88: {  	v0 =	vmul.f32 v1, v0;
	_ =	sdelay $0x1  }
0x89: {  	[tilespmem:s28+$0x90A0] =	vst v0;
	v0 =	vld [tilespmem:s28+$0x8CB0]  }
0x8a: {  	v1 =	vld [tilespmem:s29+$0x94B0];
	_ =	sdelay $0x4  }
0x8b: {  	v0 =	vmul.f32 v1, v0;
	_ =	sdelay $0x1  }
0x8c: {  	[tilespmem:s28+$0x90B0] =	vst v0;
	v0 =	vld [tilespmem:s28+$0x8CC0]  }
0x8d: {  	v1 =	vld [tilespmem:s29+$0x94C0];
	_ =	sdelay $0x4  }
0x8e: {  	v0 =	vmul.f32 v1, v0;
	_ =	sdelay $0x1  }
0x8f: {  	[tilespmem:s28+$0x90C0] =	vst v0;
	v0 =	vld [tilespmem:s28+$0x8CD0]  }
0x90: {  	v1 =	vld [tilespmem:s29+$0x94D0];
	_ =	sdelay $0x4  }
0x91: {  	v0 =	vmul.f32 v1, v0;
	_ =	sdelay $0x1  }
0x92: {  	[tilespmem:s28+$0x90D0] =	vst v0;
	v0 =	vld [tilespmem:s28+$0x8CE0]  }
0x93: {  	v1 =	vld [tilespmem:s29+$0x94E0];
	_ =	sdelay $0x4  }
0x94: {  	v0 =	vmul.f32 v1, v0;
	_ =	sdelay $0x1  }
0x95: {  	[tilespmem:s28+$0x90E0] =	vst v0;
	v0 =	vld [tilespmem:s28+$0x8CF0]  }
0x96: {  	v1 =	vld [tilespmem:s29+$0x94F0];
	_ =	sdelay $0x3  }
.Ltmp6:
0x97: {  	(pc) =	sbr.rel @p2 .LBB2_7-.Ltmp6, $3  }
0x98: {  	v0 =	vmul.f32 v1, v0;
	_ =	sdelay $0x1  }
0x99: {  	s26 =	sadd.s32 $0x1, s26;
	[tilespmem:s28+$0x90F0] =	vst v0  }
0x9a: {  	s25 =	sadd.s32 $0x200, s25;
	v0 =	vld [tilespmem:s26+$0x0]  }
0x9b: {  	_ =	sdelay $0x3  }
0x9c: {  	(v2sf) =	vpush v0, $0x0;
	_ =	sdelay $0xe  }
0x9d: {  	s25 =	spop (v2sf)  }
0x9e: {  	s24 =	sshra.s32 s24, $0x2;
	s25 =	sshll.u32 s25, $0x9  }
0x9f: {  	v49 =	vld [tilespmem:s24+$0x8C80];
	s25 =	sshra.s32 s25, $0x2  }
0xa0: {  	v1 =	vld [tilespmem:s25+$0x9480];
	_ =	sdelay $0x4  }
0xa1: {  	v0 =	vmul.f32 v1, v49;
	_ =	sdelay $0x1  }
0xa2: {  	v50 =	vld [tilespmem:s24+$0x8C90];
	[tilespmem:s24+$0x9080] =	vst v0  }
0xa3: {  	v51 =	vld [tilespmem:s25+$0x9490];
	_ =	sdelay $0x4  }
0xa4: {  	v0 =	vmul.f32 v51, v50;
	_ =	sdelay $0x1  }
0xa5: {  	v52 =	vld [tilespmem:s24+$0x8CA0];
	[tilespmem:s24+$0x9090] =	vst v0  }
0xa6: {  	v53 =	vld [tilespmem:s25+$0x94A0];
	_ =	sdelay $0x4  }
0xa7: {  	v0 =	vmul.f32 v53, v52;
	_ =	sdelay $0x1  }
0xa8: {  	v54 =	vld [tilespmem:s24+$0x8CB0];
	[tilespmem:s24+$0x90A0] =	vst v0  }
0xa9: {  	v55 =	vld [tilespmem:s25+$0x94B0];
	_ =	sdelay $0x4  }
0xaa: {  	v0 =	vmul.f32 v55, v54;
	_ =	sdelay $0x1  }
0xab: {  	v56 =	vld [tilespmem:s24+$0x8CC0];
	[tilespmem:s24+$0x90B0] =	vst v0  }
0xac: {  	v57 =	vld [tilespmem:s25+$0x94C0];
	_ =	sdelay $0x4  }
0xad: {  	v0 =	vmul.f32 v57, v56;
	_ =	sdelay $0x1  }
0xae: {  	v58 =	vld [tilespmem:s24+$0x8CD0];
	[tilespmem:s24+$0x90C0] =	vst v0  }
0xaf: {  	v59 =	vld [tilespmem:s25+$0x94D0];
	_ =	sdelay $0x4  }
0xb0: {  	v0 =	vmul.f32 v59, v58;
	_ =	sdelay $0x1  }
0xb1: {  	v60 =	vld [tilespmem:s24+$0x8CE0];
	[tilespmem:s24+$0x90D0] =	vst v0  }
0xb2: {  	v61 =	vld [tilespmem:s25+$0x94E0];
	_ =	sdelay $0x4  }
0xb3: {  	v0 =	vmul.f32 v61, v60;
	_ =	sdelay $0x1  }
0xb4: {  	v62 =	vld [tilespmem:s24+$0x8CF0];
	[tilespmem:s24+$0x90E0] =	vst v0  }
0xb5: {  	v63 =	vld [tilespmem:s25+$0x94F0];
	_ =	sdelay $0x4  }
0xb6: {  	v0 =	vmul.f32 v63, v62  }
0xb7: {  	s22 =	sadd.s32 $0x1, s22  }
0xb8: {  	s23 =	sadd.s32 s3, s23;
	p2 =	sne.s32 s22, s11;
	[tilespmem:s24+$0x90F0] =	vst v0  }
0xb9: {  	[hbm4b:s23+s4] =	stream.linear.scatter [tilespmem:s18], [sflag:$0x1], $0x400, $0x38;
	[tilespmem:$0xB480] =	vst v63  }
.Ltmp7:
0xba: {  	_ = 	snop;
	(pc) =	sbr.rel @p2 .LBB2_6-.Ltmp7, $4  }
.Ltmp8:
0xbb: {  	_ = 	snop;
	(pc) =	sbr.rel @!p2 .LBB2_9-.Ltmp8, $4  }
0xbc: {  	_ =	swait.ge [sflag:s10], $0x400  }
0xbd: {  	[sflag:s10] =	ssyncset.done $0x0  }
0xbe: {  	s21 =	sadd.s32 $0x8, s21;
	[sflag:s10] =	ssyncadd.s32 $0xFFFFFC00  }
0xbf: {  	_ = 	snop  }
.LBB2_10:
0xc0: {  	_ =	sfence.sel $0x180000  }
0xc1: {  	[bflag:$0x0] =	sbarrier.arrive $0xFFFF  }
0xc2: {  	p0 =	sne.s32 s0, $0x0;
	_ =	strace $0x9000004A  }
0xc3: {  	s0 =	sadd.s32 @!p0 $0x100000, s2;
	[bflag:$0x2] =	sbarrier.arrive $0xFFFF  }
0xc4: {  	[sflag:s0] =	ssyncadd.tile.s32 @!p0 $0x1;
	_ =	shalt  }
.Lfunc_end2:
_tile_overlayer_lowered:
.L_overlay_start_2:
0xc5: {  	(tag) =	ssettag $0x2  }
0xc6: {  	s0 =	rddreg [dreg:$0x0];
	s2 =	stileid.u32  }
0xc7: {  	s1 =	rddreg [dreg:$0x1];
	p0 =	sne.s32 s2, $0x0  }
0xc8: {  	s3 =	rddreg [dreg:$0x2];
	[bflag:$0x3] =	sbarrier.arrive $0xFFFF;
	s2 =	simm.s32 @!p0 $0x1C01  }
0xc9: {  	[timem:s3], [sflag:s2] =	dma.local @!p0 [hbm:s0], s1  }
0xca: {  	s0 =	simm.s32 @!p0 $0x1  }
0xcb: {  	_ =	swait.ge @!p0 [sflag:s0], s1  }
0xcc: {  	s1 =	ssub.s32 @!p0 $0x0, s1;
	[sflag:s0] =	ssyncset.done @!p0 $0x0  }
0xcd: {  	[sflag:s0] =	ssyncadd.s32 @!p0 s1  }
0xce: {  	[bflag:$0x3] =	sbarrier.arrive $0xFFFF  }
0xcf: {  	_ =	shalt  }

</sc_bundles>
